<compile_context>
chip_gen: v7x
topology: tpu7x:2x2x1
jax: 0.10.2.dev20260603
libtpu: 0.0.44.dev20260713+nightly
codegen_flags: <defaults>
</compile_context>

<pallas_src>
import functools

import jax
import jax.numpy as jnp
from jax import lax
from jax.experimental import pallas as pl
from jax.experimental.pallas import tpu as pltpu
from jax.experimental.pallas import tpu_sc as plsc

_INTERPRET = False

H_PARTS = 8
MARGIN = 0.5
K = 128

_B = 1024
_N = _B * _B
_NS = 16
_CH = _N // _NS
_NV = _CH // 16
_NB = 2048
_NBLK = _NB // 16
_TARGET = 2 * K
_CAP = 272
_INV = 0x7FFFFFFF



def _pool_body(x_ref, p_ref, s_ref, *, bB, C, S):
    x = x_ref[...]
    x2 = x.reshape(bB * C, S)
    pb = p_ref[...].astype(jnp.bfloat16)
    xh = x2.astype(jnp.bfloat16)
    xl = (x2 - xh.astype(jnp.float32)).astype(jnp.bfloat16)
    sh = jax.lax.dot(xh, pb, preferred_element_type=jnp.float32)
    sl = jax.lax.dot(xl, pb, preferred_element_type=jnp.float32)
    s_ref[...] = sh + sl


def _fc1_body(s_ref, w_ref, b_ref, z_ref):
    z = jax.lax.dot(s_ref[...], w_ref[...],
                    precision=jax.lax.Precision.HIGHEST,
                    preferred_element_type=jnp.float32)
    z_ref[...] = z + b_ref[...]


def _pool_fc1(x, w1, b1, bB=32):
    B, C, S = x.shape
    pm = ((jnp.arange(S)[:, None] // 32) ==
          jnp.arange(H_PARTS)[None, :]).astype(jnp.float32) * (1.0 / 32.0)
    s = pl.pallas_call(
        functools.partial(_pool_body, bB=bB, C=C, S=S),
        grid=(B // bB,),
        in_specs=[
            pl.BlockSpec((bB, C, S), lambda i: (i, 0, 0)),
            pl.BlockSpec((S, H_PARTS), lambda i: (0, 0)),
        ],
        out_specs=pl.BlockSpec((bB * C, H_PARTS), lambda i: (i, 0)),
        out_shape=jax.ShapeDtypeStruct((B * C, H_PARTS), jnp.float32),
        interpret=_INTERPRET,
    )(x, pm)
    s2 = s.reshape(B, C * H_PARTS)
    w1e = (jnp.eye(H_PARTS, dtype=jnp.float32)[None, :, :, None]
           * w1[:, None, None, :]).reshape(C * H_PARTS, H_PARTS * 64)
    b1e = jnp.tile(b1, H_PARTS).reshape(1, H_PARTS * 64)
    z = pl.pallas_call(
        _fc1_body,
        grid=(B // 256,),
        in_specs=[
            pl.BlockSpec((256, C * H_PARTS), lambda i: (i, 0)),
            pl.BlockSpec((C * H_PARTS, H_PARTS * 64), lambda i: (0, 0)),
            pl.BlockSpec((1, H_PARTS * 64), lambda i: (0, 0)),
        ],
        out_specs=pl.BlockSpec((256, H_PARTS * 64), lambda i: (i, 0)),
        out_shape=jax.ShapeDtypeStruct((B, H_PARTS * 64), jnp.float32),
        interpret=_INTERPRET,
    )(s2, w1e, b1e)
    return z.reshape(B, H_PARTS, 64).transpose(1, 0, 2)



def _dist_body(l_ref, r_ref, m_ref, *, bI, bJ):
    m = None
    for h in range(H_PARTS):
        a = l_ref[h]
        bm = r_ref[h]
        g = jax.lax.dot_general(a, bm, (((1,), (1,)), ((), ())),
                                precision=jax.lax.Precision.HIGHEST,
                                preferred_element_type=jnp.float32)
        sqa = jnp.sum(a * a, axis=1)
        sqb = jnp.sum(bm * bm, axis=1)
        d2 = sqa[:, None] + sqb[None, :] - 2.0 * g
        d2 = jnp.maximum(d2, 0.0)
        m = d2 if m is None else jnp.minimum(m, d2)
    ib = pl.program_id(0)
    jb = pl.program_id(1)
    ri = ib * bI + jax.lax.broadcasted_iota(jnp.int32, (bI, bJ), 0)
    cj = jb * bJ + jax.lax.broadcasted_iota(jnp.int32, (bI, bJ), 1)
    m_ref[...] = jnp.where(ri == cj, 0.0, m)


def _min_dist2(zt, bI=256, bJ=256):
    _, B, D = zt.shape
    grid = (B // bI, B // bJ)
    return pl.pallas_call(
        functools.partial(_dist_body, bI=bI, bJ=bJ),
        grid=grid,
        in_specs=[
            pl.BlockSpec((H_PARTS, bI, D), lambda i, j: (0, i, 0)),
            pl.BlockSpec((H_PARTS, bJ, D), lambda i, j: (0, j, 0)),
        ],
        out_specs=pl.BlockSpec((bI, bJ), lambda i, j: (i, j)),
        out_shape=jax.ShapeDtypeStruct((B, B), jnp.float32),
        interpret=_INTERPRET,
    )(zt, zt)



def _sc_body(m_hbm, out_hbm, dat, h2, loc, tmp, prm, bufA, bufB,
             dense, vA, vB, vC, gh, gprm, gA, gB, gC):
    wid = lax.axis_index("s")
    lane = lax.iota(jnp.int32, 16)
    ones = jnp.ones((16,), jnp.int32)
    zeros16 = jnp.zeros((16,), jnp.int32)
    lane_off = lane * _NB

    pltpu.sync_copy(m_hbm.at[pl.ds(wid * _CH, _CH)], dat)

    def keys_for(i, invert, diag):
        v = dat[pl.ds(i * 16, 16)]
        key = jax.lax.bitcast_convert_type(v, jnp.int32)
        k = (_INV - key) if invert else key
        if diag:
            j = i * 16 + lane
            eq = (j & 1023) == (wid * 64 + (j >> 10))
            valid = jnp.logical_not(eq)
        else:
            valid = None
        return v, k, valid

    def find_threshold(c_prev):
        def fblk(jj, c):
            csum, bblk, cab = c
            b = _NBLK - 1 - jj
            s = jnp.sum(loc[pl.ds(b * 16, 16)])
            ncsum = csum + s
            hit = jnp.logical_and(c_prev + ncsum >= _TARGET, bblk < 0)
            return (ncsum,
                    jnp.where(hit, b, bblk),
                    jnp.where(hit, c_prev + csum, cab))
        _, bblk, cab = lax.fori_loop(0, _NBLK, fblk,
                                     (jnp.int32(0), jnp.int32(-1), jnp.int32(0)))

        vb = loc[pl.ds(bblk * 16, 16)]
        zl = jnp.zeros((16,), jnp.int32)
        suf = jax.lax.rev(plsc.cumsum(jax.lax.rev(vb, (0,))), (0,))
        cond = (cab + suf) >= _TARGET
        bloc = jnp.max(jnp.where(cond, lane, -1))
        above = jnp.sum(jnp.where(lane > bloc, vb, zl))
        bstar = bblk * 16 + bloc
        c_above = cab + above
        return bstar, c_above

    def hist_pass(invert, diag, shift, pshift, prefix, c_prev):
        def zb(j, _):
            h2[pl.ds(j * 16, 16)] = zeros16
            return 0
        lax.fori_loop(0, _NB, zb, 0)

        def sb(i, _):
            _, k, valid = keys_for(i, invert, diag)
            b = (k >> shift) & (_NB - 1)
            if pshift is None:
                m = valid if valid is not None else (lane >= 0)
            else:
                m = (k >> pshift) == prefix
                if valid is not None:
                    m = jnp.logical_and(m, valid)
            plsc.addupdate_scatter(h2, [b + lane_off], ones, mask=m)
            return 0
        lax.fori_loop(0, _NV, sb, 0)

        def mb(bb, _):
            acc = zeros16
            for l in range(16):
                acc = acc + h2[pl.ds(l * _NB + bb * 16, 16)]
            loc[pl.ds(bb * 16, 16)] = acc
            return 0
        lax.fori_loop(0, _NBLK, mb, 0)

        pltpu.sync_copy(loc, gh.at[wid])
        plsc.subcore_barrier()

        @pl.when(wid == 0)
        def _():
            def tb(t, _):
                pltpu.sync_copy(gh.at[t], tmp)
                def ab(bb, _):
                    loc[pl.ds(bb * 16, 16)] = (loc[pl.ds(bb * 16, 16)]
                                               + tmp[pl.ds(bb * 16, 16)])
                    return 0
                lax.fori_loop(0, _NBLK, ab, 0)
                return 0
            lax.fori_loop(1, _NS, tb, 0)
            bstar, c_above = find_threshold(c_prev)
            prm[...] = jnp.where(lane == 0, bstar,
                                 jnp.where(lane == 1, c_above, 0))
            pltpu.sync_copy(prm, gprm)

        plsc.subcore_barrier()
        pltpu.sync_copy(gprm, prm)
        pv = prm[...]
        return pv[0], pv[1]

    def run_select(invert, diag, sel):
        p1, c1 = hist_pass(invert, diag, 21, None, None, jnp.int32(0))
        p2, c2 = hist_pass(invert, diag, 10, 21, p1, c1)
        lo = ((p1 << 11) | p2) << 10

        def eb(i, c):
            cA, cB = c
            v, k, valid = keys_for(i, invert, diag)
            d = k - lo
            mA = d >= 1024
            mB = jnp.logical_and(d >= 0, d < 1024)
            if valid is not None:
                mA = jnp.logical_and(mA, valid)
                mB = jnp.logical_and(mB, valid)
            plsc.store_compressed(bufA.at[pl.ds(cA, 16)], v, mask=mA)
            cA2 = cA + jnp.sum(jnp.where(mA, ones, zeros16))

            def dob(cb):
                plsc.store_compressed(bufB.at[pl.ds(cb, 16)], v, mask=mB)
                return cb + jnp.sum(jnp.where(mB, ones, zeros16))
            cB2 = lax.cond(cB < 256, dob, lambda cb: cb, cB)
            return (cA2, cB2)
        cA, cB = lax.fori_loop(0, _NV, eb, (jnp.int32(0), jnp.int32(0)))

        prm[...] = jnp.where(lane == 0, cA, jnp.where(lane == 1, cB, 0))
        pltpu.sync_copy(prm, gC.at[pl.ds(wid * 16, 16)])
        pltpu.sync_copy(bufA, gA.at[pl.ds(wid * _CAP, _CAP)])
        pltpu.sync_copy(bufB, gB.at[pl.ds(wid * _CAP, _CAP)])
        plsc.subcore_barrier()

        @pl.when(wid == 0)
        def _():
            pltpu.sync_copy(gC, vC)
            pltpu.sync_copy(gA, vA)
            pltpu.sync_copy(gB, vB)

            nchunk = _CAP // 16

            def emit(src, col):
                def ta(t, pos):
                    cnt = vC[pl.ds(t * 16, 16)][col]
                    def ja(j, _):
                        v = src[pl.ds(t * _CAP + j * 16, 16)]
                        off = j * 16 + lane
                        idx = pos + off
                        m = jnp.logical_and(off < cnt, idx < _TARGET)
                        plsc.store_scatter(dense, [idx], v, mask=m)
                        return 0
                    lax.fori_loop(0, nchunk, ja, 0)
                    return pos + cnt
                return ta

            pos = lax.fori_loop(0, _NS, emit(vA, 0), jnp.int32(0))
            lax.fori_loop(0, _NS, emit(vB, 1), pos)
            pltpu.sync_copy(dense, out_hbm.at[sel])

        plsc.subcore_barrier()

    run_select(False, False, 0)
    run_select(True, True, 1)


def _sc_select(m_flat):
    mesh = plsc.VectorSubcoreMesh(core_axis_name="c", subcore_axis_name="s",
                                  num_cores=1)
    f = pl.kernel(
        _sc_body,
        out_type=jax.ShapeDtypeStruct((2, _TARGET), jnp.float32),
        mesh=mesh,
        compiler_params=pltpu.CompilerParams(needs_layout_passes=False),
        scratch_types=[
            pltpu.VMEM((_CH,), jnp.float32),
            pltpu.VMEM((_NB * 16,), jnp.int32),
            pltpu.VMEM((_NB,), jnp.int32),
            pltpu.VMEM((_NB,), jnp.int32),
            pltpu.VMEM((16,), jnp.int32),
            pltpu.VMEM((_CAP,), jnp.float32),
            pltpu.VMEM((_CAP,), jnp.float32),
            pltpu.VMEM((_TARGET,), jnp.float32),
            pltpu.VMEM((_NS * _CAP,), jnp.float32),
            pltpu.VMEM((_NS * _CAP,), jnp.float32),
            pltpu.VMEM((_NS * 16,), jnp.int32),
            pltpu.VMEM_SHARED((_NS, _NB), jnp.int32),
            pltpu.VMEM_SHARED((16,), jnp.int32),
            pltpu.VMEM_SHARED((_NS * _CAP,), jnp.float32),
            pltpu.VMEM_SHARED((_NS * _CAP,), jnp.float32),
            pltpu.VMEM_SHARED((_NS * 16,), jnp.int32),
        ],
    )
    return f(m_flat)



def _finish_body(c_ref, o_ref):
    n = _TARGET
    il = jax.lax.broadcasted_iota(jnp.int32, (n, n), 0)
    jl = jax.lax.broadcasted_iota(jnp.int32, (n, n), 1)
    kiota = jax.lax.broadcasted_iota(jnp.int32, (n, n), 1)

    def sort_vals(row, ascending):
        v = c_ref[row:row + 1, :]
        vc = jnp.transpose(v)
        if ascending:
            cmp = (v < vc)
        else:
            cmp = (v > vc)
        tie = jnp.logical_and(v == vc, jl < il)
        r = jnp.sum(jnp.where(jnp.logical_or(cmp, tie), 1.0, 0.0),
                    axis=1, keepdims=True)
        onehot = jnp.where(r == kiota.astype(jnp.float32), 1.0, 0.0)
        s = jax.lax.dot_general(onehot, vc, (((0,), (0,)), ((), ())),
                                precision=jax.lax.Precision.HIGHEST,
                                preferred_element_type=jnp.float32)
        return s

    neg = jnp.sqrt(sort_vals(0, ascending=False))
    pos = jnp.sqrt(sort_vals(1, ascending=True))
    hinge = jnp.maximum(MARGIN + pos - neg, 0.0)
    o_ref[...] = jnp.sum(hinge, axis=0, keepdims=True) * 0.5


def _finish(cand):
    return pl.pallas_call(
        _finish_body,
        out_shape=jax.ShapeDtypeStruct((1, 1), jnp.float32),
        interpret=_INTERPRET,
    )(cand)


def kernel(backbone_feat, W1, b1, W2, b2):
    B, C, H, W = backbone_feat.shape
    x = backbone_feat.reshape(B, C, H * W)
    zt = _pool_fc1(x, W1, b1)
    m2 = _min_dist2(zt)
    cand = _sc_select(m2.reshape(-1))
    return _finish(cand)[0, 0]

# --- scband reference (transcript-rebuilt; emitter-appended) ---
"""Pipeline reference for scband-pnnmttaloss-55525337203047 (READ-ONLY COPY).

The authoritative reference and input builder live on the scoring server;
editing this copy changes nothing except your own understanding.
"""

import jax, jax.numpy as jnp
import numpy as np
import math

H_PARTS = 8
MARGIN = 0.5
K = 128

def setup_inputs(seed: int = 0) -> dict:
    key = jax.random.key(seed)
    k1, k2, k3 = jax.random.split(key, 3)
    B, C, H, W = 1024, 256, 16, 16
    in_dim, out_dim, num_classes = 256, 64, 1000
    backbone_feat = jax.random.normal(k1, (B, C, H, W), dtype=jnp.float32)
    W1 = jax.random.normal(k2, (in_dim, out_dim), dtype=jnp.float32) * 0.02
    b1 = jnp.zeros((out_dim,), dtype=jnp.float32)
    W2 = jax.random.normal(k3, (out_dim, num_classes), dtype=jnp.float32) * 0.02
    b2 = jnp.zeros((num_classes,), dtype=jnp.float32)
    return {"backbone_feat": backbone_feat, "W1": W1, "b1": b1, "W2": W2, "b2": b2}

def _safe_dist(d2):
    d2 = jnp.maximum(d2, 0.0)
    pos = d2 > 0
    return jnp.where(pos, jnp.sqrt(jnp.where(pos, d2, 1.0)), 0.0)

def reference(backbone_feat, W1, b1, W2, b2):
    h = H_PARTS
    B, C, H, W = backbone_feat.shape
    chunk = math.ceil(H / h)
    n_parts = math.ceil(H / chunk)
    parts = [backbone_feat[:, :, i * chunk:(i + 1) * chunk, :].mean(axis=(2, 3)) for i in range(n_parts)]
    z_pooled = jnp.stack(parts, axis=1)  # [B, h, C]
    z = z_pooled @ W1 + b1               # fc1 -> [B, h, out_dim]
    y_pred = z @ W2 + b2                 # fc2 (computed in head, unused by loss)
    zt = jnp.transpose(z, (1, 0, 2))     # [h, B, d]
    sq = jnp.sum(zt * zt, axis=-1)       # [h, B]
    d2 = sq[:, :, None] + sq[:, None, :] - 2.0 * jnp.einsum('hid,hjd->hij', zt, zt)
    dist_mat = _safe_dist(d2)            # [h, B, B]
    nn_dist_mat = jnp.min(dist_mat, axis=0)  # [B, B]
    neg_dist_topk, _ = jax.lax.top_k(nn_dist_mat.reshape(-1), 2 * K)
    nn_masked = nn_dist_mat + jnp.eye(nn_dist_mat.shape[0], dtype=nn_dist_mat.dtype) * nn_dist_mat.max()
    neg_pos, _ = jax.lax.top_k(-nn_masked.reshape(-1), 2 * K)
    pos_dist_topk = -neg_pos
    loss = jnp.sum(jax.nn.relu(MARGIN + pos_dist_topk - neg_dist_topk)) / 2.0
    return loss

if __name__ == "__main__":
    import jax
    _d = setup_inputs()
    print(jax.jit(kernel)(*tuple(_d.values())))

</pallas_src>

<mosaic_0001>
#map = affine_map<(d0, d1) -> (0)>
#map1 = affine_map<(d0, d1) -> (0, 0)>
module attributes {stable_mosaic.version = 14 : i64} {
  func.func @_sc_body(%arg0: i32, %arg1: i32, %arg2: memref<1048576xf32, #tpu.memory_space<hbm>>, %arg3: memref<2x256xf32, #tpu.memory_space<hbm>>, %arg4: memref<65536xf32, #tpu.memory_space<vmem>>, %arg5: memref<32768xi32, #tpu.memory_space<vmem>>, %arg6: memref<2048xi32, #tpu.memory_space<vmem>>, %arg7: memref<2048xi32, #tpu.memory_space<vmem>>, %arg8: memref<16xi32, #tpu.memory_space<vmem>>, %arg9: memref<272xf32, #tpu.memory_space<vmem>>, %arg10: memref<272xf32, #tpu.memory_space<vmem>>, %arg11: memref<256xf32, #tpu.memory_space<vmem>>, %arg12: memref<4352xf32, #tpu.memory_space<vmem>>, %arg13: memref<4352xf32, #tpu.memory_space<vmem>>, %arg14: memref<256xi32, #tpu.memory_space<vmem>>, %arg15: memref<16x2048xi32, #tpu.memory_space<vmem_shared>>, %arg16: memref<16xi32, #tpu.memory_space<vmem_shared>>, %arg17: memref<4352xf32, #tpu.memory_space<vmem_shared>>, %arg18: memref<4352xf32, #tpu.memory_space<vmem_shared>>, %arg19: memref<256xi32, #tpu.memory_space<vmem_shared>>) attributes {dimension_semantics = [#tpu.dimension_semantics<core_parallel>, #tpu.dimension_semantics<subcore_parallel>], iteration_bounds = array<i64: 1, 16>, scalar_prefetch = 0 : i64, scratch_operands = 16 : i64, tpu.core_type = #tpu.core_type<sc_vector_subcore>, window_params = [{transform_indices = #map}, {transform_indices = #map1}]} {
    %iota3A = tpu.iota {dimensions = array<i32: 0>} : vector<16xi32>
    %broadcast_in_dim3A = arith.constant 1 : i32
    %broadcast_in_dim3A_0 = vector.broadcast %broadcast_in_dim3A : i32 to vector<16xi32>
    %broadcast_in_dim3A_1 = arith.constant 0 : i32
    %broadcast_in_dim3A_2 = vector.broadcast %broadcast_in_dim3A_1 : i32 to vector<16xi32>
    %mul3A = arith.constant 2048 : i32
    %mul3A_3 = vector.broadcast %mul3A : i32 to vector<16xi32>
    %mul3A_4 = arith.muli %iota3A, %mul3A_3 : vector<16xi32>
    %mul3A_5 = arith.constant 65536 : i32
    %mul3A_6 = arith.muli %arg1, %mul3A_5 : i32
    "tpu.region"() ({
      %run_scoped3A = tpu.sem_alloc : memref<!tpu.dma_semaphore, #tpu.memory_space<semaphore_mem>>
      %dma_start3A = tpu.memref_slice %arg2[%mul3A_6] : memref<1048576xf32, #tpu.memory_space<hbm>> -> memref<65536xf32, #tpu.memory_space<hbm>>
      %dma_start3A_212 = tpu.memref_slice %arg2[%mul3A_6] : memref<1048576xf32, #tpu.memory_space<hbm>> -> memref<65536xf32, #tpu.memory_space<hbm>>
      tpu.enqueue_dma source(%dma_start3A_212 : memref<65536xf32, #tpu.memory_space<hbm>>) target(%arg4 : memref<65536xf32, #tpu.memory_space<vmem>>) target_semaphore(%run_scoped3A : memref<!tpu.dma_semaphore, #tpu.memory_space<semaphore_mem>>)
      %dma_wait3A = tpu.memref_slice %arg2[%mul3A_6] : memref<1048576xf32, #tpu.memory_space<hbm>> -> memref<65536xf32, #tpu.memory_space<hbm>>
      %dma_wait3A_213 = tpu.memref_slice %arg2[%mul3A_6] : memref<1048576xf32, #tpu.memory_space<hbm>> -> memref<65536xf32, #tpu.memory_space<hbm>>
      tpu.wait_dma2 semaphore(%run_scoped3A : memref<!tpu.dma_semaphore, #tpu.memory_space<semaphore_mem>>) src(%dma_wait3A_213 : memref<65536xf32, #tpu.memory_space<hbm>>) dst(%arg4 : memref<65536xf32, #tpu.memory_space<vmem>>)
      tpu.yield
    }) : () -> ()
    %scan3A = arith.constant 0 : i32
    %scan3A_7 = arith.constant 0 : i32
    %scan3A_8 = arith.constant 2048 : i32
    %scan3A_9 = arith.addi %scan3A_7, %scan3A_8 : i32
    %scan3A_10 = arith.constant 1 : i32
    %scan3A_11 = scf.for %scan3A_212 = %scan3A_7 to %scan3A_9 step %scan3A_10 iter_args(%scan3A_213 = %scan3A) -> (i32)  : i32 {
      %mul3A_214 = arith.constant 16 : i32
      %mul3A_215 = arith.muli %scan3A_212, %mul3A_214 : i32
      %swap3A_216 = arith.index_cast %mul3A_215 : i32 to index
      %swap3A_217 = tpu.vector_load %arg5[%swap3A_216] {strides = array<i32>} : memref<32768xi32, #tpu.memory_space<vmem>>, vector<16xi32>,
      tpu.vector_store %arg5[%swap3A_216], %broadcast_in_dim3A_2 {strides = array<i32>} : memref<32768xi32, #tpu.memory_space<vmem>>, vector<16xi32>,
      %scan3A_218 = arith.constant 0 : i32
      scf.yield %scan3A_218 : i32
    }
    %scan3A_12 = arith.constant 2048 : i32
    %scan3A_13 = arith.constant 0 : i32
    %scan3A_14 = arith.constant 0 : i32
    %scan3A_15 = arith.constant 4096 : i32
    %scan3A_16 = arith.addi %scan3A_14, %scan3A_15 : i32
    %scan3A_17 = arith.constant 1 : i32
    %scan3A_18 = scf.for %scan3A_212 = %scan3A_14 to %scan3A_16 step %scan3A_17 iter_args(%scan3A_213 = %scan3A_13) -> (i32)  : i32 {
      %mul3A_214 = arith.constant 16 : i32
      %mul3A_215 = arith.muli %scan3A_212, %mul3A_214 : i32
      %get3A_216 = arith.index_cast %mul3A_215 : i32 to index
      %get3A_217 = tpu.vector_load %arg4[%get3A_216] {strides = array<i32>} : memref<65536xf32, #tpu.memory_space<vmem>>, vector<16xf32>,
      %bitcast_convert_type3A = tpu.bitcast %get3A_217 : vector<16xf32> -> vector<16xi32>
      %shift_right_arithmetic3A = arith.constant 21 : i32
      %shift_right_arithmetic3A_218 = vector.broadcast %shift_right_arithmetic3A : i32 to vector<16xi32>
      %shift_right_arithmetic3A_219 = arith.shrsi %bitcast_convert_type3A, %shift_right_arithmetic3A_218 : vector<16xi32>
      %and3A = arith.constant 2047 : i32
      %and3A_220 = vector.broadcast %and3A : i32 to vector<16xi32>
      %and3A_221 = arith.andi %shift_right_arithmetic3A_219, %and3A_220 : vector<16xi32>
      %ge3A = arith.constant 0 : i32
      %ge3A_222 = vector.broadcast %ge3A : i32 to vector<16xi32>
      %ge3A_223 = arith.cmpi sge, %iota3A, %ge3A_222 : vector<16xi32>
      %add3A = arith.addi %and3A_221, %mul3A_4 : vector<16xi32>
      tpu.vector_store_idx %arg5[%add3A], %broadcast_in_dim3A_0 masked %ge3A_223 {add = true} : memref<32768xi32, #tpu.memory_space<vmem>>[vector<16xi32>], vector<16xi32>, vector<16xi1>
      %scan3A_224 = arith.constant 0 : i32
      scf.yield %scan3A_224 : i32
    }
    %scan3A_19 = arith.constant 4096 : i32
    %scan3A_20 = arith.constant 0 : i32
    %scan3A_21 = arith.constant 0 : i32
    %scan3A_22 = arith.constant 128 : i32
    %scan3A_23 = arith.addi %scan3A_21, %scan3A_22 : i32
    %scan3A_24 = arith.constant 1 : i32
    %scan3A_25 = scf.for %scan3A_212 = %scan3A_21 to %scan3A_23 step %scan3A_24 iter_args(%scan3A_213 = %scan3A_20) -> (i32)  : i32 {
      %mul3A_214 = arith.constant 16 : i32
      %mul3A_215 = arith.muli %scan3A_212, %mul3A_214 : i32
      %add3A = arith.constant 0 : i32
      %add3A_216 = arith.addi %add3A, %mul3A_215 : i32
      %get3A_217 = arith.index_cast %add3A_216 : i32 to index
      %get3A_218 = tpu.vector_load %arg5[%get3A_217] {strides = array<i32>} : memref<32768xi32, #tpu.memory_space<vmem>>, vector<16xi32>,
      %add3A_219 = arith.addi %broadcast_in_dim3A_2, %get3A_218 : vector<16xi32>
      %mul3A_220 = arith.constant 16 : i32
      %mul3A_221 = arith.muli %scan3A_212, %mul3A_220 : i32
      %add3A_222 = arith.constant 2048 : i32
      %add3A_223 = arith.addi %add3A_222, %mul3A_221 : i32
      %get3A_224 = arith.index_cast %add3A_223 : i32 to index
      %get3A_225 = tpu.vector_load %arg5[%get3A_224] {strides = array<i32>} : memref<32768xi32, #tpu.memory_space<vmem>>, vector<16xi32>,
      %add3A_226 = arith.addi %add3A_219, %get3A_225 : vector<16xi32>
      %mul3A_227 = arith.constant 16 : i32
      %mul3A_228 = arith.muli %scan3A_212, %mul3A_227 : i32
      %add3A_229 = arith.constant 4096 : i32
      %add3A_230 = arith.addi %add3A_229, %mul3A_228 : i32
      %get3A_231 = arith.index_cast %add3A_230 : i32 to index
      %get3A_232 = tpu.vector_load %arg5[%get3A_231] {strides = array<i32>} : memref<32768xi32, #tpu.memory_space<vmem>>, vector<16xi32>,
      %add3A_233 = arith.addi %add3A_226, %get3A_232 : vector<16xi32>
      %mul3A_234 = arith.constant 16 : i32
      %mul3A_235 = arith.muli %scan3A_212, %mul3A_234 : i32
      %add3A_236 = arith.constant 6144 : i32
      %add3A_237 = arith.addi %add3A_236, %mul3A_235 : i32
      %get3A_238 = arith.index_cast %add3A_237 : i32 to index
      %get3A_239 = tpu.vector_load %arg5[%get3A_238] {strides = array<i32>} : memref<32768xi32, #tpu.memory_space<vmem>>, vector<16xi32>,
      %add3A_240 = arith.addi %add3A_233, %get3A_239 : vector<16xi32>
      %mul3A_241 = arith.constant 16 : i32
      %mul3A_242 = arith.muli %scan3A_212, %mul3A_241 : i32
      %add3A_243 = arith.constant 8192 : i32
      %add3A_244 = arith.addi %add3A_243, %mul3A_242 : i32
      %get3A_245 = arith.index_cast %add3A_244 : i32 to index
      %get3A_246 = tpu.vector_load %arg5[%get3A_245] {strides = array<i32>} : memref<32768xi32, #tpu.memory_space<vmem>>, vector<16xi32>,
      %add3A_247 = arith.addi %add3A_240, %get3A_246 : vector<16xi32>
      %mul3A_248 = arith.constant 16 : i32
      %mul3A_249 = arith.muli %scan3A_212, %mul3A_248 : i32
      %add3A_250 = arith.constant 10240 : i32
      %add3A_251 = arith.addi %add3A_250, %mul3A_249 : i32
      %get3A_252 = arith.index_cast %add3A_251 : i32 to index
      %get3A_253 = tpu.vector_load %arg5[%get3A_252] {strides = array<i32>} : memref<32768xi32, #tpu.memory_space<vmem>>, vector<16xi32>,
      %add3A_254 = arith.addi %add3A_247, %get3A_253 : vector<16xi32>
      %mul3A_255 = arith.constant 16 : i32
      %mul3A_256 = arith.muli %scan3A_212, %mul3A_255 : i32
      %add3A_257 = arith.constant 12288 : i32
      %add3A_258 = arith.addi %add3A_257, %mul3A_256 : i32
      %get3A_259 = arith.index_cast %add3A_258 : i32 to index
      %get3A_260 = tpu.vector_load %arg5[%get3A_259] {strides = array<i32>} : memref<32768xi32, #tpu.memory_space<vmem>>, vector<16xi32>,
      %add3A_261 = arith.addi %add3A_254, %get3A_260 : vector<16xi32>
      %mul3A_262 = arith.constant 16 : i32
      %mul3A_263 = arith.muli %scan3A_212, %mul3A_262 : i32
      %add3A_264 = arith.constant 14336 : i32
      %add3A_265 = arith.addi %add3A_264, %mul3A_263 : i32
      %get3A_266 = arith.index_cast %add3A_265 : i32 to index
      %get3A_267 = tpu.vector_load %arg5[%get3A_266] {strides = array<i32>} : memref<32768xi32, #tpu.memory_space<vmem>>, vector<16xi32>,
      %add3A_268 = arith.addi %add3A_261, %get3A_267 : vector<16xi32>
      %mul3A_269 = arith.constant 16 : i32
      %mul3A_270 = arith.muli %scan3A_212, %mul3A_269 : i32
      %add3A_271 = arith.constant 16384 : i32
      %add3A_272 = arith.addi %add3A_271, %mul3A_270 : i32
      %get3A_273 = arith.index_cast %add3A_272 : i32 to index
      %get3A_274 = tpu.vector_load %arg5[%get3A_273] {strides = array<i32>} : memref<32768xi32, #tpu.memory_space<vmem>>, vector<16xi32>,
      %add3A_275 = arith.addi %add3A_268, %get3A_274 : vector<16xi32>
      %mul3A_276 = arith.constant 16 : i32
      %mul3A_277 = arith.muli %scan3A_212, %mul3A_276 : i32
      %add3A_278 = arith.constant 18432 : i32
      %add3A_279 = arith.addi %add3A_278, %mul3A_277 : i32
      %get3A_280 = arith.index_cast %add3A_279 : i32 to index
      %get3A_281 = tpu.vector_load %arg5[%get3A_280] {strides = array<i32>} : memref<32768xi32, #tpu.memory_space<vmem>>, vector<16xi32>,
      %add3A_282 = arith.addi %add3A_275, %get3A_281 : vector<16xi32>
      %mul3A_283 = arith.constant 16 : i32
      %mul3A_284 = arith.muli %scan3A_212, %mul3A_283 : i32
      %add3A_285 = arith.constant 20480 : i32
      %add3A_286 = arith.addi %add3A_285, %mul3A_284 : i32
      %get3A_287 = arith.index_cast %add3A_286 : i32 to index
      %get3A_288 = tpu.vector_load %arg5[%get3A_287] {strides = array<i32>} : memref<32768xi32, #tpu.memory_space<vmem>>, vector<16xi32>,
      %add3A_289 = arith.addi %add3A_282, %get3A_288 : vector<16xi32>
      %mul3A_290 = arith.constant 16 : i32
      %mul3A_291 = arith.muli %scan3A_212, %mul3A_290 : i32
      %add3A_292 = arith.constant 22528 : i32
      %add3A_293 = arith.addi %add3A_292, %mul3A_291 : i32
      %get3A_294 = arith.index_cast %add3A_293 : i32 to index
      %get3A_295 = tpu.vector_load %arg5[%get3A_294] {strides = array<i32>} : memref<32768xi32, #tpu.memory_space<vmem>>, vector<16xi32>,
      %add3A_296 = arith.addi %add3A_289, %get3A_295 : vector<16xi32>
      %mul3A_297 = arith.constant 16 : i32
      %mul3A_298 = arith.muli %scan3A_212, %mul3A_297 : i32
      %add3A_299 = arith.constant 24576 : i32
      %add3A_300 = arith.addi %add3A_299, %mul3A_298 : i32
      %get3A_301 = arith.index_cast %add3A_300 : i32 to index
      %get3A_302 = tpu.vector_load %arg5[%get3A_301] {strides = array<i32>} : memref<32768xi32, #tpu.memory_space<vmem>>, vector<16xi32>,
      %add3A_303 = arith.addi %add3A_296, %get3A_302 : vector<16xi32>
      %mul3A_304 = arith.constant 16 : i32
      %mul3A_305 = arith.muli %scan3A_212, %mul3A_304 : i32
      %add3A_306 = arith.constant 26624 : i32
      %add3A_307 = arith.addi %add3A_306, %mul3A_305 : i32
      %get3A_308 = arith.index_cast %add3A_307 : i32 to index
      %get3A_309 = tpu.vector_load %arg5[%get3A_308] {strides = array<i32>} : memref<32768xi32, #tpu.memory_space<vmem>>, vector<16xi32>,
      %add3A_310 = arith.addi %add3A_303, %get3A_309 : vector<16xi32>
      %mul3A_311 = arith.constant 16 : i32
      %mul3A_312 = arith.muli %scan3A_212, %mul3A_311 : i32
      %add3A_313 = arith.constant 28672 : i32
      %add3A_314 = arith.addi %add3A_313, %mul3A_312 : i32
      %get3A_315 = arith.index_cast %add3A_314 : i32 to index
      %get3A_316 = tpu.vector_load %arg5[%get3A_315] {strides = array<i32>} : memref<32768xi32, #tpu.memory_space<vmem>>, vector<16xi32>,
      %add3A_317 = arith.addi %add3A_310, %get3A_316 : vector<16xi32>
      %mul3A_318 = arith.constant 16 : i32
      %mul3A_319 = arith.muli %scan3A_212, %mul3A_318 : i32
      %add3A_320 = arith.constant 30720 : i32
      %add3A_321 = arith.addi %add3A_320, %mul3A_319 : i32
      %get3A_322 = arith.index_cast %add3A_321 : i32 to index
      %get3A_323 = tpu.vector_load %arg5[%get3A_322] {strides = array<i32>} : memref<32768xi32, #tpu.memory_space<vmem>>, vector<16xi32>,
      %add3A_324 = arith.addi %add3A_317, %get3A_323 : vector<16xi32>
      %mul3A_325 = arith.constant 16 : i32
      %mul3A_326 = arith.muli %scan3A_212, %mul3A_325 : i32
      %swap3A_327 = arith.index_cast %mul3A_326 : i32 to index
      %swap3A_328 = tpu.vector_load %arg6[%swap3A_327] {strides = array<i32>} : memref<2048xi32, #tpu.memory_space<vmem>>, vector<16xi32>,
      tpu.vector_store %arg6[%swap3A_327], %add3A_324 {strides = array<i32>} : memref<2048xi32, #tpu.memory_space<vmem>>, vector<16xi32>,
      %scan3A_329 = arith.constant 0 : i32
      scf.yield %scan3A_329 : i32
    }
    %scan3A_26 = arith.constant 128 : i32
    "tpu.region"() ({
      %run_scoped3A = tpu.sem_alloc : memref<!tpu.dma_semaphore, #tpu.memory_space<semaphore_mem>>
      %dma_start3A = arith.constant 0 : i32
      %dma_start3A_212 = tpu.memref_slice %arg15[%arg1, %dma_start3A] : memref<16x2048xi32, #tpu.memory_space<vmem_shared>> -> memref<1x2048xi32, #tpu.memory_space<vmem_shared>>
      %dma_start3A_213 = tpu.memref_squeeze %dma_start3A_212 : memref<1x2048xi32, #tpu.memory_space<vmem_shared>> -> memref<2048xi32, #tpu.memory_space<vmem_shared>>
      %dma_start3A_214 = arith.constant 0 : i32
      %dma_start3A_215 = tpu.memref_slice %arg15[%arg1, %dma_start3A_214] : memref<16x2048xi32, #tpu.memory_space<vmem_shared>> -> memref<1x2048xi32, #tpu.memory_space<vmem_shared>>
      %dma_start3A_216 = tpu.memref_squeeze %dma_start3A_215 : memref<1x2048xi32, #tpu.memory_space<vmem_shared>> -> memref<2048xi32, #tpu.memory_space<vmem_shared>>
      tpu.enqueue_dma source(%arg6 : memref<2048xi32, #tpu.memory_space<vmem>>) target(%dma_start3A_216 : memref<2048xi32, #tpu.memory_space<vmem_shared>>) target_semaphore(%run_scoped3A : memref<!tpu.dma_semaphore, #tpu.memory_space<semaphore_mem>>)
      %dma_wait3A = arith.constant 0 : i32
      %dma_wait3A_217 = tpu.memref_slice %arg15[%arg1, %dma_wait3A] : memref<16x2048xi32, #tpu.memory_space<vmem_shared>> -> memref<1x2048xi32, #tpu.memory_space<vmem_shared>>
      %dma_wait3A_218 = tpu.memref_squeeze %dma_wait3A_217 : memref<1x2048xi32, #tpu.memory_space<vmem_shared>> -> memref<2048xi32, #tpu.memory_space<vmem_shared>>
      %dma_wait3A_219 = arith.constant 0 : i32
      %dma_wait3A_220 = tpu.memref_slice %arg15[%arg1, %dma_wait3A_219] : memref<16x2048xi32, #tpu.memory_space<vmem_shared>> -> memref<1x2048xi32, #tpu.memory_space<vmem_shared>>
      %dma_wait3A_221 = tpu.memref_squeeze %dma_wait3A_220 : memref<1x2048xi32, #tpu.memory_space<vmem_shared>> -> memref<2048xi32, #tpu.memory_space<vmem_shared>>
      tpu.wait_dma2 semaphore(%run_scoped3A : memref<!tpu.dma_semaphore, #tpu.memory_space<semaphore_mem>>) src(%arg6 : memref<2048xi32, #tpu.memory_space<vmem>>) dst(%dma_wait3A_221 : memref<2048xi32, #tpu.memory_space<vmem_shared>>)
      tpu.yield
    }) : () -> ()
    %barrier3A = arith.constant 0 : index
    tpu.barrier barrier_id(%barrier3A)
    %eq3A = arith.constant 0 : i32
    %eq3A_27 = arith.cmpi eq, %arg1, %eq3A : i32
    %convert_element_type3A = arith.extui %eq3A_27 : i1 to i32
    %cond3A = arith.constant 0 : i32
    %cond3A_28 = arith.constant 0 : i32
    %cond3A_29 = arith.cmpi ne, %convert_element_type3A, %cond3A_28 : i32
    scf.if %cond3A_29 {
      %scan3A_212 = arith.constant 0 : i32
      %scan3A_213 = arith.constant 1 : i32
      %scan3A_214 = arith.constant 15 : i32
      %scan3A_215 = arith.addi %scan3A_213, %scan3A_214 : i32
      %scan3A_216 = arith.constant 1 : i32
      %scan3A_217 = scf.for %scan3A_281 = %scan3A_213 to %scan3A_215 step %scan3A_216 iter_args(%scan3A_282 = %scan3A_212) -> (i32)  : i32 {
        "tpu.region"() ({
          %run_scoped3A = tpu.sem_alloc : memref<!tpu.dma_semaphore, #tpu.memory_space<semaphore_mem>>
          %dma_start3A = arith.constant 0 : i32
          %dma_start3A_291 = tpu.memref_slice %arg15[%scan3A_281, %dma_start3A] : memref<16x2048xi32, #tpu.memory_space<vmem_shared>> -> memref<1x2048xi32, #tpu.memory_space<vmem_shared>>
          %dma_start3A_292 = tpu.memref_squeeze %dma_start3A_291 : memref<1x2048xi32, #tpu.memory_space<vmem_shared>> -> memref<2048xi32, #tpu.memory_space<vmem_shared>>
          %dma_start3A_293 = arith.constant 0 : i32
          %dma_start3A_294 = tpu.memref_slice %arg15[%scan3A_281, %dma_start3A_293] : memref<16x2048xi32, #tpu.memory_space<vmem_shared>> -> memref<1x2048xi32, #tpu.memory_space<vmem_shared>>
          %dma_start3A_295 = tpu.memref_squeeze %dma_start3A_294 : memref<1x2048xi32, #tpu.memory_space<vmem_shared>> -> memref<2048xi32, #tpu.memory_space<vmem_shared>>
          tpu.enqueue_dma source(%dma_start3A_295 : memref<2048xi32, #tpu.memory_space<vmem_shared>>) target(%arg7 : memref<2048xi32, #tpu.memory_space<vmem>>) target_semaphore(%run_scoped3A : memref<!tpu.dma_semaphore, #tpu.memory_space<semaphore_mem>>)
          %dma_wait3A = arith.constant 0 : i32
          %dma_wait3A_296 = tpu.memref_slice %arg15[%scan3A_281, %dma_wait3A] : memref<16x2048xi32, #tpu.memory_space<vmem_shared>> -> memref<1x2048xi32, #tpu.memory_space<vmem_shared>>
          %dma_wait3A_297 = tpu.memref_squeeze %dma_wait3A_296 : memref<1x2048xi32, #tpu.memory_space<vmem_shared>> -> memref<2048xi32, #tpu.memory_space<vmem_shared>>
          %dma_wait3A_298 = arith.constant 0 : i32
          %dma_wait3A_299 = tpu.memref_slice %arg15[%scan3A_281, %dma_wait3A_298] : memref<16x2048xi32, #tpu.memory_space<vmem_shared>> -> memref<1x2048xi32, #tpu.memory_space<vmem_shared>>
          %dma_wait3A_300 = tpu.memref_squeeze %dma_wait3A_299 : memref<1x2048xi32, #tpu.memory_space<vmem_shared>> -> memref<2048xi32, #tpu.memory_space<vmem_shared>>
          tpu.wait_dma2 semaphore(%run_scoped3A : memref<!tpu.dma_semaphore, #tpu.memory_space<semaphore_mem>>) src(%dma_wait3A_300 : memref<2048xi32, #tpu.memory_space<vmem_shared>>) dst(%arg7 : memref<2048xi32, #tpu.memory_space<vmem>>)
          tpu.yield
        }) : () -> ()
        %scan3A_283 = arith.constant 0 : i32
        %scan3A_284 = arith.constant 0 : i32
        %scan3A_285 = arith.constant 128 : i32
        %scan3A_286 = arith.addi %scan3A_284, %scan3A_285 : i32
        %scan3A_287 = arith.constant 1 : i32
        %scan3A_288 = scf.for %scan3A_291 = %scan3A_284 to %scan3A_286 step %scan3A_287 iter_args(%scan3A_292 = %scan3A_283) -> (i32)  : i32 {
          %mul3A_293 = arith.constant 16 : i32
          %mul3A_294 = arith.muli %scan3A_291, %mul3A_293 : i32
          %get3A_295 = arith.index_cast %mul3A_294 : i32 to index
          %get3A_296 = tpu.vector_load %arg6[%get3A_295] {strides = array<i32>} : memref<2048xi32, #tpu.memory_space<vmem>>, vector<16xi32>,
          %mul3A_297 = arith.constant 16 : i32
          %mul3A_298 = arith.muli %scan3A_291, %mul3A_297 : i32
          %get3A_299 = arith.index_cast %mul3A_298 : i32 to index
          %get3A_300 = tpu.vector_load %arg7[%get3A_299] {strides = array<i32>} : memref<2048xi32, #tpu.memory_space<vmem>>, vector<16xi32>,
          %add3A_301 = arith.addi %get3A_296, %get3A_300 : vector<16xi32>
          %mul3A_302 = arith.constant 16 : i32
          %mul3A_303 = arith.muli %scan3A_291, %mul3A_302 : i32
          %swap3A_304 = arith.index_cast %mul3A_303 : i32 to index
          %swap3A_305 = tpu.vector_load %arg6[%swap3A_304] {strides = array<i32>} : memref<2048xi32, #tpu.memory_space<vmem>>, vector<16xi32>,
          tpu.vector_store %arg6[%swap3A_304], %add3A_301 {strides = array<i32>} : memref<2048xi32, #tpu.memory_space<vmem>>, vector<16xi32>,
          %scan3A_306 = arith.constant 0 : i32
          scf.yield %scan3A_306 : i32
        }
        %scan3A_289 = arith.constant 128 : i32
        %scan3A_290 = arith.constant 0 : i32
        scf.yield %scan3A_290 : i32
      }
      %scan3A_218 = arith.constant 15 : i32
      %scan3A_219 = arith.constant 0 : i32
      %scan3A_220 = arith.constant -1 : i32
      %scan3A_221 = arith.constant 0 : i32
      %scan3A_222 = arith.constant 0 : i32
      %scan3A_223 = arith.constant 128 : i32
      %scan3A_224 = arith.addi %scan3A_222, %scan3A_223 : i32
      %scan3A_225 = arith.constant 1 : i32
      %scan3A_226:3 = scf.for %scan3A_281 = %scan3A_222 to %scan3A_224 step %scan3A_225 iter_args(%scan3A_282 = %scan3A_219, %scan3A_283 = %scan3A_220, %scan3A_284 = %scan3A_221) -> (i32, i32, i32)  : i32 {
        %sub3A = arith.constant 127 : i32
        %sub3A_285 = arith.subi %sub3A, %scan3A_281 : i32
        %mul3A_286 = arith.constant 16 : i32
        %mul3A_287 = arith.muli %sub3A_285, %mul3A_286 : i32
        %get3A_288 = arith.index_cast %mul3A_287 : i32 to index
        %get3A_289 = tpu.vector_load %arg6[%get3A_288] {strides = array<i32>} : memref<2048xi32, #tpu.memory_space<vmem>>, vector<16xi32>,
        %reduce_sum3A_290 = arith.constant true
        %reduce_sum3A_291 = vector.broadcast %reduce_sum3A_290 : i1 to vector<16xi1>
        %reduce_sum3A_292 = tpu.scan <sum>, %get3A_289 masked %reduce_sum3A_291 : vector<16xi32>, vector<16xi1> -> vector<16xi32>
        %reduce_sum3A_293 = vector.extract %reduce_sum3A_292[15] : i32 from vector<16xi32>
        %add3A_294 = arith.addi %scan3A_282, %reduce_sum3A_293 : i32
        %add3A_295 = arith.addi %cond3A, %add3A_294 : i32
        %ge3A_296 = arith.constant 256 : i32
        %ge3A_297 = arith.cmpi sge, %add3A_295, %ge3A_296 : i32
        %lt3A = arith.constant 0 : i32
        %lt3A_298 = arith.cmpi slt, %scan3A_283, %lt3A : i32
        %and3A = arith.andi %ge3A_297, %lt3A_298 : i1
        %select_n3A_299 = arith.select %and3A, %sub3A_285, %scan3A_283 : i32
        %add3A_300 = arith.addi %cond3A, %scan3A_282 : i32
        %select_n3A_301 = arith.select %and3A, %add3A_300, %scan3A_284 : i32
        scf.yield %add3A_294, %select_n3A_299, %select_n3A_301 : i32, i32, i32
      }
      %scan3A_227 = arith.constant 128 : i32
      %mul3A_228 = arith.constant 16 : i32
      %mul3A_229 = arith.muli %scan3A_226#1, %mul3A_228 : i32
      %get3A_230 = arith.index_cast %mul3A_229 : i32 to index
      %get3A_231 = tpu.vector_load %arg6[%get3A_230] {strides = array<i32>} : memref<2048xi32, #tpu.memory_space<vmem>>, vector<16xi32>,
      %broadcast_in_dim3A_232 = arith.constant 0 : i32
      %broadcast_in_dim3A_233 = vector.broadcast %broadcast_in_dim3A_232 : i32 to vector<16xi32>
      %rev3A = arith.constant 15 : i32
      %rev3A_234 = vector.broadcast %rev3A : i32 to vector<16xi32>
      %rev3A_235 = tpu.iota {dimensions = array<i32: 0>} : vector<16xi32>
      %rev3A_236 = arith.subi %rev3A_234, %rev3A_235 : vector<16xi32>
      %rev3A_237 = tpu.dynamic_gather %get3A_231[%rev3A_236] in [0] : vector<16xi32>, vector<16xi32> -> vector<16xi32>
      %broadcast_in_dim3A_238 = arith.constant true
      %broadcast_in_dim3A_239 = vector.broadcast %broadcast_in_dim3A_238 : i1 to vector<16xi1>
      %masked_cumsum3A = tpu.scan <sum>, %rev3A_237 masked %broadcast_in_dim3A_239 : vector<16xi32>, vector<16xi1> -> vector<16xi32>
      %rev3A_240 = arith.constant 15 : i32
      %rev3A_241 = vector.broadcast %rev3A_240 : i32 to vector<16xi32>
      %rev3A_242 = tpu.iota {dimensions = array<i32: 0>} : vector<16xi32>
      %rev3A_243 = arith.subi %rev3A_241, %rev3A_242 : vector<16xi32>
      %rev3A_244 = tpu.dynamic_gather %masked_cumsum3A[%rev3A_243] in [0] : vector<16xi32>, vector<16xi32> -> vector<16xi32>
      %add3A = vector.broadcast %scan3A_226#2 : i32 to vector<16xi32>
      %add3A_245 = arith.addi %add3A, %rev3A_244 : vector<16xi32>
      %ge3A = arith.constant 256 : i32
      %ge3A_246 = vector.broadcast %ge3A : i32 to vector<16xi32>
      %ge3A_247 = arith.cmpi sge, %add3A_245, %ge3A_246 : vector<16xi32>
      %jit3A_248 = arith.constant -1 : i32
      %broadcast_in_dim3A_249 = vector.broadcast %jit3A_248 : i32 to vector<16xi32>
      %select_n3A_250 = arith.select %ge3A_247, %iota3A, %broadcast_in_dim3A_249 : vector<16xi1>, vector<16xi32>
      %reduce_max3A = arith.constant true
      %reduce_max3A_251 = vector.broadcast %reduce_max3A : i1 to vector<16xi1>
      %reduce_max3A_252 = arith.constant -2147483648 : i32
      %reduce_max3A_253 = vector.broadcast %reduce_max3A_252 : i32 to vector<16xi32>
      %reduce_max3A_254 = arith.xori %select_n3A_250, %reduce_max3A_253 : vector<16xi32>
      %reduce_max3A_255 = tpu.scan <max>, %reduce_max3A_254 masked %reduce_max3A_251 : vector<16xi32>, vector<16xi1> -> vector<16xi32>
      %reduce_max3A_256 = arith.xori %reduce_max3A_255, %reduce_max3A_253 : vector<16xi32>
      %reduce_max3A_257 = vector.extract %reduce_max3A_256[15] : i32 from vector<16xi32>
      %gt3A = vector.broadcast %reduce_max3A_257 : i32 to vector<16xi32>
      %gt3A_258 = arith.cmpi sgt, %iota3A, %gt3A : vector<16xi32>
      %select_n3A_259 = arith.select %gt3A_258, %get3A_231, %broadcast_in_dim3A_233 : vector<16xi1>, vector<16xi32>
      %reduce_sum3A = arith.constant true
      %reduce_sum3A_260 = vector.broadcast %reduce_sum3A : i1 to vector<16xi1>
      %reduce_sum3A_261 = tpu.scan <sum>, %select_n3A_259 masked %reduce_sum3A_260 : vector<16xi32>, vector<16xi1> -> vector<16xi32>
      %reduce_sum3A_262 = vector.extract %reduce_sum3A_261[15] : i32 from vector<16xi32>
      %mul3A_263 = arith.constant 16 : i32
      %mul3A_264 = arith.muli %scan3A_226#1, %mul3A_263 : i32
      %add3A_265 = arith.addi %mul3A_264, %reduce_max3A_257 : i32
      %add3A_266 = arith.addi %scan3A_226#2, %reduce_sum3A_262 : i32
      %eq3A_267 = arith.constant 0 : i32
      %eq3A_268 = vector.broadcast %eq3A_267 : i32 to vector<16xi32>
      %eq3A_269 = arith.cmpi eq, %iota3A, %eq3A_268 : vector<16xi32>
      %eq3A_270 = arith.constant 1 : i32
      %eq3A_271 = vector.broadcast %eq3A_270 : i32 to vector<16xi32>
      %eq3A_272 = arith.cmpi eq, %iota3A, %eq3A_271 : vector<16xi32>
      %jit3A_273 = arith.constant 0 : i32
      %broadcast_in_dim3A_274 = vector.broadcast %add3A_266 : i32 to vector<16xi32>
      %broadcast_in_dim3A_275 = vector.broadcast %jit3A_273 : i32 to vector<16xi32>
      %select_n3A_276 = arith.select %eq3A_272, %broadcast_in_dim3A_274, %broadcast_in_dim3A_275 : vector<16xi1>, vector<16xi32>
      %broadcast_in_dim3A_277 = vector.broadcast %add3A_265 : i32 to vector<16xi32>
      %select_n3A_278 = arith.select %eq3A_269, %broadcast_in_dim3A_277, %select_n3A_276 : vector<16xi1>, vector<16xi32>
      %swap3A_279 = arith.constant 0 : index
      %swap3A_280 = tpu.vector_load %arg8[%swap3A_279] {strides = array<i32>} : memref<16xi32, #tpu.memory_space<vmem>>, vector<16xi32>,
      tpu.vector_store %arg8[%swap3A_279], %select_n3A_278 {strides = array<i32>} : memref<16xi32, #tpu.memory_space<vmem>>, vector<16xi32>,
      "tpu.region"() ({
        %run_scoped3A = tpu.sem_alloc : memref<!tpu.dma_semaphore, #tpu.memory_space<semaphore_mem>>
        tpu.enqueue_dma source(%arg8 : memref<16xi32, #tpu.memory_space<vmem>>) target(%arg16 : memref<16xi32, #tpu.memory_space<vmem_shared>>) target_semaphore(%run_scoped3A : memref<!tpu.dma_semaphore, #tpu.memory_space<semaphore_mem>>)
        tpu.wait_dma2 semaphore(%run_scoped3A : memref<!tpu.dma_semaphore, #tpu.memory_space<semaphore_mem>>) src(%arg8 : memref<16xi32, #tpu.memory_space<vmem>>) dst(%arg16 : memref<16xi32, #tpu.memory_space<vmem_shared>>)
        tpu.yield
      }) : () -> ()
    } else {
    }
    %barrier3A_30 = arith.constant 0 : index
    tpu.barrier barrier_id(%barrier3A_30)
    "tpu.region"() ({
      %run_scoped3A = tpu.sem_alloc : memref<!tpu.dma_semaphore, #tpu.memory_space<semaphore_mem>>
      tpu.enqueue_dma source(%arg16 : memref<16xi32, #tpu.memory_space<vmem_shared>>) target(%arg8 : memref<16xi32, #tpu.memory_space<vmem>>) target_semaphore(%run_scoped3A : memref<!tpu.dma_semaphore, #tpu.memory_space<semaphore_mem>>)
      tpu.wait_dma2 semaphore(%run_scoped3A : memref<!tpu.dma_semaphore, #tpu.memory_space<semaphore_mem>>) src(%arg16 : memref<16xi32, #tpu.memory_space<vmem_shared>>) dst(%arg8 : memref<16xi32, #tpu.memory_space<vmem>>)
      tpu.yield
    }) : () -> ()
    %get3A = arith.constant 0 : index
    %get3A_31 = tpu.vector_load %arg8[%get3A] {strides = array<i32>} : memref<16xi32, #tpu.memory_space<vmem>>, vector<16xi32>,
    %slice3A = vector.extract_strided_slice %get3A_31 {offsets = [0], sizes = [1], strides = [1]} : vector<16xi32> to vector<1xi32>
    %squeeze3A = vector.extract %slice3A[0] : i32 from vector<1xi32>
    %slice3A_32 = vector.extract_strided_slice %get3A_31 {offsets = [1], sizes = [1], strides = [1]} : vector<16xi32> to vector<1xi32>
    %squeeze3A_33 = vector.extract %slice3A_32[0] : i32 from vector<1xi32>
    %scan3A_34 = arith.constant 0 : i32
    %scan3A_35 = arith.constant 0 : i32
    %scan3A_36 = arith.constant 2048 : i32
    %scan3A_37 = arith.addi %scan3A_35, %scan3A_36 : i32
    %scan3A_38 = arith.constant 1 : i32
    %scan3A_39 = scf.for %scan3A_212 = %scan3A_35 to %scan3A_37 step %scan3A_38 iter_args(%scan3A_213 = %scan3A_34) -> (i32)  : i32 {
      %mul3A_214 = arith.constant 16 : i32
      %mul3A_215 = arith.muli %scan3A_212, %mul3A_214 : i32
      %swap3A_216 = arith.index_cast %mul3A_215 : i32 to index
      %swap3A_217 = tpu.vector_load %arg5[%swap3A_216] {strides = array<i32>} : memref<32768xi32, #tpu.memory_space<vmem>>, vector<16xi32>,
      tpu.vector_store %arg5[%swap3A_216], %broadcast_in_dim3A_2 {strides = array<i32>} : memref<32768xi32, #tpu.memory_space<vmem>>, vector<16xi32>,
      %scan3A_218 = arith.constant 0 : i32
      scf.yield %scan3A_218 : i32
    }
    %scan3A_40 = arith.constant 2048 : i32
    %scan3A_41 = arith.constant 0 : i32
    %scan3A_42 = arith.constant 0 : i32
    %scan3A_43 = arith.constant 4096 : i32
    %scan3A_44 = arith.addi %scan3A_42, %scan3A_43 : i32
    %scan3A_45 = arith.constant 1 : i32
    %scan3A_46 = scf.for %scan3A_212 = %scan3A_42 to %scan3A_44 step %scan3A_45 iter_args(%scan3A_213 = %scan3A_41) -> (i32)  : i32 {
      %mul3A_214 = arith.constant 16 : i32
      %mul3A_215 = arith.muli %scan3A_212, %mul3A_214 : i32
      %get3A_216 = arith.index_cast %mul3A_215 : i32 to index
      %get3A_217 = tpu.vector_load %arg4[%get3A_216] {strides = array<i32>} : memref<65536xf32, #tpu.memory_space<vmem>>, vector<16xf32>,
      %bitcast_convert_type3A = tpu.bitcast %get3A_217 : vector<16xf32> -> vector<16xi32>
      %shift_right_arithmetic3A = arith.constant 10 : i32
      %shift_right_arithmetic3A_218 = vector.broadcast %shift_right_arithmetic3A : i32 to vector<16xi32>
      %shift_right_arithmetic3A_219 = arith.shrsi %bitcast_convert_type3A, %shift_right_arithmetic3A_218 : vector<16xi32>
      %and3A = arith.constant 2047 : i32
      %and3A_220 = vector.broadcast %and3A : i32 to vector<16xi32>
      %and3A_221 = arith.andi %shift_right_arithmetic3A_219, %and3A_220 : vector<16xi32>
      %shift_right_arithmetic3A_222 = arith.constant 21 : i32
      %shift_right_arithmetic3A_223 = vector.broadcast %shift_right_arithmetic3A_222 : i32 to vector<16xi32>
      %shift_right_arithmetic3A_224 = arith.shrsi %bitcast_convert_type3A, %shift_right_arithmetic3A_223 : vector<16xi32>
      %eq3A_225 = vector.broadcast %squeeze3A : i32 to vector<16xi32>
      %eq3A_226 = arith.cmpi eq, %shift_right_arithmetic3A_224, %eq3A_225 : vector<16xi32>
      %add3A = arith.addi %and3A_221, %mul3A_4 : vector<16xi32>
      tpu.vector_store_idx %arg5[%add3A], %broadcast_in_dim3A_0 masked %eq3A_226 {add = true} : memref<32768xi32, #tpu.memory_space<vmem>>[vector<16xi32>], vector<16xi32>, vector<16xi1>
      %scan3A_227 = arith.constant 0 : i32
      scf.yield %scan3A_227 : i32
    }
    %scan3A_47 = arith.constant 4096 : i32
    %scan3A_48 = arith.constant 0 : i32
    %scan3A_49 = arith.constant 0 : i32
    %scan3A_50 = arith.constant 128 : i32
    %scan3A_51 = arith.addi %scan3A_49, %scan3A_50 : i32
    %scan3A_52 = arith.constant 1 : i32
    %scan3A_53 = scf.for %scan3A_212 = %scan3A_49 to %scan3A_51 step %scan3A_52 iter_args(%scan3A_213 = %scan3A_48) -> (i32)  : i32 {
      %mul3A_214 = arith.constant 16 : i32
      %mul3A_215 = arith.muli %scan3A_212, %mul3A_214 : i32
      %add3A = arith.constant 0 : i32
      %add3A_216 = arith.addi %add3A, %mul3A_215 : i32
      %get3A_217 = arith.index_cast %add3A_216 : i32 to index
      %get3A_218 = tpu.vector_load %arg5[%get3A_217] {strides = array<i32>} : memref<32768xi32, #tpu.memory_space<vmem>>, vector<16xi32>,
      %add3A_219 = arith.addi %broadcast_in_dim3A_2, %get3A_218 : vector<16xi32>
      %mul3A_220 = arith.constant 16 : i32
      %mul3A_221 = arith.muli %scan3A_212, %mul3A_220 : i32
      %add3A_222 = arith.constant 2048 : i32
      %add3A_223 = arith.addi %add3A_222, %mul3A_221 : i32
      %get3A_224 = arith.index_cast %add3A_223 : i32 to index
      %get3A_225 = tpu.vector_load %arg5[%get3A_224] {strides = array<i32>} : memref<32768xi32, #tpu.memory_space<vmem>>, vector<16xi32>,
      %add3A_226 = arith.addi %add3A_219, %get3A_225 : vector<16xi32>
      %mul3A_227 = arith.constant 16 : i32
      %mul3A_228 = arith.muli %scan3A_212, %mul3A_227 : i32
      %add3A_229 = arith.constant 4096 : i32
      %add3A_230 = arith.addi %add3A_229, %mul3A_228 : i32
      %get3A_231 = arith.index_cast %add3A_230 : i32 to index
      %get3A_232 = tpu.vector_load %arg5[%get3A_231] {strides = array<i32>} : memref<32768xi32, #tpu.memory_space<vmem>>, vector<16xi32>,
      %add3A_233 = arith.addi %add3A_226, %get3A_232 : vector<16xi32>
      %mul3A_234 = arith.constant 16 : i32
      %mul3A_235 = arith.muli %scan3A_212, %mul3A_234 : i32
      %add3A_236 = arith.constant 6144 : i32
      %add3A_237 = arith.addi %add3A_236, %mul3A_235 : i32
      %get3A_238 = arith.index_cast %add3A_237 : i32 to index
      %get3A_239 = tpu.vector_load %arg5[%get3A_238] {strides = array<i32>} : memref<32768xi32, #tpu.memory_space<vmem>>, vector<16xi32>,
      %add3A_240 = arith.addi %add3A_233, %get3A_239 : vector<16xi32>
      %mul3A_241 = arith.constant 16 : i32
      %mul3A_242 = arith.muli %scan3A_212, %mul3A_241 : i32
      %add3A_243 = arith.constant 8192 : i32
      %add3A_244 = arith.addi %add3A_243, %mul3A_242 : i32
      %get3A_245 = arith.index_cast %add3A_244 : i32 to index
      %get3A_246 = tpu.vector_load %arg5[%get3A_245] {strides = array<i32>} : memref<32768xi32, #tpu.memory_space<vmem>>, vector<16xi32>,
      %add3A_247 = arith.addi %add3A_240, %get3A_246 : vector<16xi32>
      %mul3A_248 = arith.constant 16 : i32
      %mul3A_249 = arith.muli %scan3A_212, %mul3A_248 : i32
      %add3A_250 = arith.constant 10240 : i32
      %add3A_251 = arith.addi %add3A_250, %mul3A_249 : i32
      %get3A_252 = arith.index_cast %add3A_251 : i32 to index
      %get3A_253 = tpu.vector_load %arg5[%get3A_252] {strides = array<i32>} : memref<32768xi32, #tpu.memory_space<vmem>>, vector<16xi32>,
      %add3A_254 = arith.addi %add3A_247, %get3A_253 : vector<16xi32>
      %mul3A_255 = arith.constant 16 : i32
      %mul3A_256 = arith.muli %scan3A_212, %mul3A_255 : i32
      %add3A_257 = arith.constant 12288 : i32
      %add3A_258 = arith.addi %add3A_257, %mul3A_256 : i32
      %get3A_259 = arith.index_cast %add3A_258 : i32 to index
      %get3A_260 = tpu.vector_load %arg5[%get3A_259] {strides = array<i32>} : memref<32768xi32, #tpu.memory_space<vmem>>, vector<16xi32>,
      %add3A_261 = arith.addi %add3A_254, %get3A_260 : vector<16xi32>
      %mul3A_262 = arith.constant 16 : i32
      %mul3A_263 = arith.muli %scan3A_212, %mul3A_262 : i32
      %add3A_264 = arith.constant 14336 : i32
      %add3A_265 = arith.addi %add3A_264, %mul3A_263 : i32
      %get3A_266 = arith.index_cast %add3A_265 : i32 to index
      %get3A_267 = tpu.vector_load %arg5[%get3A_266] {strides = array<i32>} : memref<32768xi32, #tpu.memory_space<vmem>>, vector<16xi32>,
      %add3A_268 = arith.addi %add3A_261, %get3A_267 : vector<16xi32>
      %mul3A_269 = arith.constant 16 : i32
      %mul3A_270 = arith.muli %scan3A_212, %mul3A_269 : i32
      %add3A_271 = arith.constant 16384 : i32
      %add3A_272 = arith.addi %add3A_271, %mul3A_270 : i32
      %get3A_273 = arith.index_cast %add3A_272 : i32 to index
      %get3A_274 = tpu.vector_load %arg5[%get3A_273] {strides = array<i32>} : memref<32768xi32, #tpu.memory_space<vmem>>, vector<16xi32>,
      %add3A_275 = arith.addi %add3A_268, %get3A_274 : vector<16xi32>
      %mul3A_276 = arith.constant 16 : i32
      %mul3A_277 = arith.muli %scan3A_212, %mul3A_276 : i32
      %add3A_278 = arith.constant 18432 : i32
      %add3A_279 = arith.addi %add3A_278, %mul3A_277 : i32
      %get3A_280 = arith.index_cast %add3A_279 : i32 to index
      %get3A_281 = tpu.vector_load %arg5[%get3A_280] {strides = array<i32>} : memref<32768xi32, #tpu.memory_space<vmem>>, vector<16xi32>,
      %add3A_282 = arith.addi %add3A_275, %get3A_281 : vector<16xi32>
      %mul3A_283 = arith.constant 16 : i32
      %mul3A_284 = arith.muli %scan3A_212, %mul3A_283 : i32
      %add3A_285 = arith.constant 20480 : i32
      %add3A_286 = arith.addi %add3A_285, %mul3A_284 : i32
      %get3A_287 = arith.index_cast %add3A_286 : i32 to index
      %get3A_288 = tpu.vector_load %arg5[%get3A_287] {strides = array<i32>} : memref<32768xi32, #tpu.memory_space<vmem>>, vector<16xi32>,
      %add3A_289 = arith.addi %add3A_282, %get3A_288 : vector<16xi32>
      %mul3A_290 = arith.constant 16 : i32
      %mul3A_291 = arith.muli %scan3A_212, %mul3A_290 : i32
      %add3A_292 = arith.constant 22528 : i32
      %add3A_293 = arith.addi %add3A_292, %mul3A_291 : i32
      %get3A_294 = arith.index_cast %add3A_293 : i32 to index
      %get3A_295 = tpu.vector_load %arg5[%get3A_294] {strides = array<i32>} : memref<32768xi32, #tpu.memory_space<vmem>>, vector<16xi32>,
      %add3A_296 = arith.addi %add3A_289, %get3A_295 : vector<16xi32>
      %mul3A_297 = arith.constant 16 : i32
      %mul3A_298 = arith.muli %scan3A_212, %mul3A_297 : i32
      %add3A_299 = arith.constant 24576 : i32
      %add3A_300 = arith.addi %add3A_299, %mul3A_298 : i32
      %get3A_301 = arith.index_cast %add3A_300 : i32 to index
      %get3A_302 = tpu.vector_load %arg5[%get3A_301] {strides = array<i32>} : memref<32768xi32, #tpu.memory_space<vmem>>, vector<16xi32>,
      %add3A_303 = arith.addi %add3A_296, %get3A_302 : vector<16xi32>
      %mul3A_304 = arith.constant 16 : i32
      %mul3A_305 = arith.muli %scan3A_212, %mul3A_304 : i32
      %add3A_306 = arith.constant 26624 : i32
      %add3A_307 = arith.addi %add3A_306, %mul3A_305 : i32
      %get3A_308 = arith.index_cast %add3A_307 : i32 to index
      %get3A_309 = tpu.vector_load %arg5[%get3A_308] {strides = array<i32>} : memref<32768xi32, #tpu.memory_space<vmem>>, vector<16xi32>,
      %add3A_310 = arith.addi %add3A_303, %get3A_309 : vector<16xi32>
      %mul3A_311 = arith.constant 16 : i32
      %mul3A_312 = arith.muli %scan3A_212, %mul3A_311 : i32
      %add3A_313 = arith.constant 28672 : i32
      %add3A_314 = arith.addi %add3A_313, %mul3A_312 : i32
      %get3A_315 = arith.index_cast %add3A_314 : i32 to index
      %get3A_316 = tpu.vector_load %arg5[%get3A_315] {strides = array<i32>} : memref<32768xi32, #tpu.memory_space<vmem>>, vector<16xi32>,
      %add3A_317 = arith.addi %add3A_310, %get3A_316 : vector<16xi32>
      %mul3A_318 = arith.constant 16 : i32
      %mul3A_319 = arith.muli %scan3A_212, %mul3A_318 : i32
      %add3A_320 = arith.constant 30720 : i32
      %add3A_321 = arith.addi %add3A_320, %mul3A_319 : i32
      %get3A_322 = arith.index_cast %add3A_321 : i32 to index
      %get3A_323 = tpu.vector_load %arg5[%get3A_322] {strides = array<i32>} : memref<32768xi32, #tpu.memory_space<vmem>>, vector<16xi32>,
      %add3A_324 = arith.addi %add3A_317, %get3A_323 : vector<16xi32>
      %mul3A_325 = arith.constant 16 : i32
      %mul3A_326 = arith.muli %scan3A_212, %mul3A_325 : i32
      %swap3A_327 = arith.index_cast %mul3A_326 : i32 to index
      %swap3A_328 = tpu.vector_load %arg6[%swap3A_327] {strides = array<i32>} : memref<2048xi32, #tpu.memory_space<vmem>>, vector<16xi32>,
      tpu.vector_store %arg6[%swap3A_327], %add3A_324 {strides = array<i32>} : memref<2048xi32, #tpu.memory_space<vmem>>, vector<16xi32>,
      %scan3A_329 = arith.constant 0 : i32
      scf.yield %scan3A_329 : i32
    }
    %scan3A_54 = arith.constant 128 : i32
    "tpu.region"() ({
      %run_scoped3A = tpu.sem_alloc : memref<!tpu.dma_semaphore, #tpu.memory_space<semaphore_mem>>
      %dma_start3A = arith.constant 0 : i32
      %dma_start3A_212 = tpu.memref_slice %arg15[%arg1, %dma_start3A] : memref<16x2048xi32, #tpu.memory_space<vmem_shared>> -> memref<1x2048xi32, #tpu.memory_space<vmem_shared>>
      %dma_start3A_213 = tpu.memref_squeeze %dma_start3A_212 : memref<1x2048xi32, #tpu.memory_space<vmem_shared>> -> memref<2048xi32, #tpu.memory_space<vmem_shared>>
      %dma_start3A_214 = arith.constant 0 : i32
      %dma_start3A_215 = tpu.memref_slice %arg15[%arg1, %dma_start3A_214] : memref<16x2048xi32, #tpu.memory_space<vmem_shared>> -> memref<1x2048xi32, #tpu.memory_space<vmem_shared>>
      %dma_start3A_216 = tpu.memref_squeeze %dma_start3A_215 : memref<1x2048xi32, #tpu.memory_space<vmem_shared>> -> memref<2048xi32, #tpu.memory_space<vmem_shared>>
      tpu.enqueue_dma source(%arg6 : memref<2048xi32, #tpu.memory_space<vmem>>) target(%dma_start3A_216 : memref<2048xi32, #tpu.memory_space<vmem_shared>>) target_semaphore(%run_scoped3A : memref<!tpu.dma_semaphore, #tpu.memory_space<semaphore_mem>>)
      %dma_wait3A = arith.constant 0 : i32
      %dma_wait3A_217 = tpu.memref_slice %arg15[%arg1, %dma_wait3A] : memref<16x2048xi32, #tpu.memory_space<vmem_shared>> -> memref<1x2048xi32, #tpu.memory_space<vmem_shared>>
      %dma_wait3A_218 = tpu.memref_squeeze %dma_wait3A_217 : memref<1x2048xi32, #tpu.memory_space<vmem_shared>> -> memref<2048xi32, #tpu.memory_space<vmem_shared>>
      %dma_wait3A_219 = arith.constant 0 : i32
      %dma_wait3A_220 = tpu.memref_slice %arg15[%arg1, %dma_wait3A_219] : memref<16x2048xi32, #tpu.memory_space<vmem_shared>> -> memref<1x2048xi32, #tpu.memory_space<vmem_shared>>
      %dma_wait3A_221 = tpu.memref_squeeze %dma_wait3A_220 : memref<1x2048xi32, #tpu.memory_space<vmem_shared>> -> memref<2048xi32, #tpu.memory_space<vmem_shared>>
      tpu.wait_dma2 semaphore(%run_scoped3A : memref<!tpu.dma_semaphore, #tpu.memory_space<semaphore_mem>>) src(%arg6 : memref<2048xi32, #tpu.memory_space<vmem>>) dst(%dma_wait3A_221 : memref<2048xi32, #tpu.memory_space<vmem_shared>>)
      tpu.yield
    }) : () -> ()
    %barrier3A_55 = arith.constant 0 : index
    tpu.barrier barrier_id(%barrier3A_55)
    %eq3A_56 = arith.constant 0 : i32
    %eq3A_57 = arith.cmpi eq, %arg1, %eq3A_56 : i32
    %convert_element_type3A_58 = arith.extui %eq3A_57 : i1 to i32
    %cond3A_59 = arith.constant 0 : i32
    %cond3A_60 = arith.cmpi ne, %convert_element_type3A_58, %cond3A_59 : i32
    scf.if %cond3A_60 {
      %scan3A_212 = arith.constant 0 : i32
      %scan3A_213 = arith.constant 1 : i32
      %scan3A_214 = arith.constant 15 : i32
      %scan3A_215 = arith.addi %scan3A_213, %scan3A_214 : i32
      %scan3A_216 = arith.constant 1 : i32
      %scan3A_217 = scf.for %scan3A_281 = %scan3A_213 to %scan3A_215 step %scan3A_216 iter_args(%scan3A_282 = %scan3A_212) -> (i32)  : i32 {
        "tpu.region"() ({
          %run_scoped3A = tpu.sem_alloc : memref<!tpu.dma_semaphore, #tpu.memory_space<semaphore_mem>>
          %dma_start3A = arith.constant 0 : i32
          %dma_start3A_291 = tpu.memref_slice %arg15[%scan3A_281, %dma_start3A] : memref<16x2048xi32, #tpu.memory_space<vmem_shared>> -> memref<1x2048xi32, #tpu.memory_space<vmem_shared>>
          %dma_start3A_292 = tpu.memref_squeeze %dma_start3A_291 : memref<1x2048xi32, #tpu.memory_space<vmem_shared>> -> memref<2048xi32, #tpu.memory_space<vmem_shared>>
          %dma_start3A_293 = arith.constant 0 : i32
          %dma_start3A_294 = tpu.memref_slice %arg15[%scan3A_281, %dma_start3A_293] : memref<16x2048xi32, #tpu.memory_space<vmem_shared>> -> memref<1x2048xi32, #tpu.memory_space<vmem_shared>>
          %dma_start3A_295 = tpu.memref_squeeze %dma_start3A_294 : memref<1x2048xi32, #tpu.memory_space<vmem_shared>> -> memref<2048xi32, #tpu.memory_space<vmem_shared>>
          tpu.enqueue_dma source(%dma_start3A_295 : memref<2048xi32, #tpu.memory_space<vmem_shared>>) target(%arg7 : memref<2048xi32, #tpu.memory_space<vmem>>) target_semaphore(%run_scoped3A : memref<!tpu.dma_semaphore, #tpu.memory_space<semaphore_mem>>)
          %dma_wait3A = arith.constant 0 : i32
          %dma_wait3A_296 = tpu.memref_slice %arg15[%scan3A_281, %dma_wait3A] : memref<16x2048xi32, #tpu.memory_space<vmem_shared>> -> memref<1x2048xi32, #tpu.memory_space<vmem_shared>>
          %dma_wait3A_297 = tpu.memref_squeeze %dma_wait3A_296 : memref<1x2048xi32, #tpu.memory_space<vmem_shared>> -> memref<2048xi32, #tpu.memory_space<vmem_shared>>
          %dma_wait3A_298 = arith.constant 0 : i32
          %dma_wait3A_299 = tpu.memref_slice %arg15[%scan3A_281, %dma_wait3A_298] : memref<16x2048xi32, #tpu.memory_space<vmem_shared>> -> memref<1x2048xi32, #tpu.memory_space<vmem_shared>>
          %dma_wait3A_300 = tpu.memref_squeeze %dma_wait3A_299 : memref<1x2048xi32, #tpu.memory_space<vmem_shared>> -> memref<2048xi32, #tpu.memory_space<vmem_shared>>
          tpu.wait_dma2 semaphore(%run_scoped3A : memref<!tpu.dma_semaphore, #tpu.memory_space<semaphore_mem>>) src(%dma_wait3A_300 : memref<2048xi32, #tpu.memory_space<vmem_shared>>) dst(%arg7 : memref<2048xi32, #tpu.memory_space<vmem>>)
          tpu.yield
        }) : () -> ()
        %scan3A_283 = arith.constant 0 : i32
        %scan3A_284 = arith.constant 0 : i32
        %scan3A_285 = arith.constant 128 : i32
        %scan3A_286 = arith.addi %scan3A_284, %scan3A_285 : i32
        %scan3A_287 = arith.constant 1 : i32
        %scan3A_288 = scf.for %scan3A_291 = %scan3A_284 to %scan3A_286 step %scan3A_287 iter_args(%scan3A_292 = %scan3A_283) -> (i32)  : i32 {
          %mul3A_293 = arith.constant 16 : i32
          %mul3A_294 = arith.muli %scan3A_291, %mul3A_293 : i32
          %get3A_295 = arith.index_cast %mul3A_294 : i32 to index
          %get3A_296 = tpu.vector_load %arg6[%get3A_295] {strides = array<i32>} : memref<2048xi32, #tpu.memory_space<vmem>>, vector<16xi32>,
          %mul3A_297 = arith.constant 16 : i32
          %mul3A_298 = arith.muli %scan3A_291, %mul3A_297 : i32
          %get3A_299 = arith.index_cast %mul3A_298 : i32 to index
          %get3A_300 = tpu.vector_load %arg7[%get3A_299] {strides = array<i32>} : memref<2048xi32, #tpu.memory_space<vmem>>, vector<16xi32>,
          %add3A_301 = arith.addi %get3A_296, %get3A_300 : vector<16xi32>
          %mul3A_302 = arith.constant 16 : i32
          %mul3A_303 = arith.muli %scan3A_291, %mul3A_302 : i32
          %swap3A_304 = arith.index_cast %mul3A_303 : i32 to index
          %swap3A_305 = tpu.vector_load %arg6[%swap3A_304] {strides = array<i32>} : memref<2048xi32, #tpu.memory_space<vmem>>, vector<16xi32>,
          tpu.vector_store %arg6[%swap3A_304], %add3A_301 {strides = array<i32>} : memref<2048xi32, #tpu.memory_space<vmem>>, vector<16xi32>,
          %scan3A_306 = arith.constant 0 : i32
          scf.yield %scan3A_306 : i32
        }
        %scan3A_289 = arith.constant 128 : i32
        %scan3A_290 = arith.constant 0 : i32
        scf.yield %scan3A_290 : i32
      }
      %scan3A_218 = arith.constant 15 : i32
      %scan3A_219 = arith.constant 0 : i32
      %scan3A_220 = arith.constant -1 : i32
      %scan3A_221 = arith.constant 0 : i32
      %scan3A_222 = arith.constant 0 : i32
      %scan3A_223 = arith.constant 128 : i32
      %scan3A_224 = arith.addi %scan3A_222, %scan3A_223 : i32
      %scan3A_225 = arith.constant 1 : i32
      %scan3A_226:3 = scf.for %scan3A_281 = %scan3A_222 to %scan3A_224 step %scan3A_225 iter_args(%scan3A_282 = %scan3A_219, %scan3A_283 = %scan3A_220, %scan3A_284 = %scan3A_221) -> (i32, i32, i32)  : i32 {
        %sub3A = arith.constant 127 : i32
        %sub3A_285 = arith.subi %sub3A, %scan3A_281 : i32
        %mul3A_286 = arith.constant 16 : i32
        %mul3A_287 = arith.muli %sub3A_285, %mul3A_286 : i32
        %get3A_288 = arith.index_cast %mul3A_287 : i32 to index
        %get3A_289 = tpu.vector_load %arg6[%get3A_288] {strides = array<i32>} : memref<2048xi32, #tpu.memory_space<vmem>>, vector<16xi32>,
        %reduce_sum3A_290 = arith.constant true
        %reduce_sum3A_291 = vector.broadcast %reduce_sum3A_290 : i1 to vector<16xi1>
        %reduce_sum3A_292 = tpu.scan <sum>, %get3A_289 masked %reduce_sum3A_291 : vector<16xi32>, vector<16xi1> -> vector<16xi32>
        %reduce_sum3A_293 = vector.extract %reduce_sum3A_292[15] : i32 from vector<16xi32>
        %add3A_294 = arith.addi %scan3A_282, %reduce_sum3A_293 : i32
        %add3A_295 = arith.addi %squeeze3A_33, %add3A_294 : i32
        %ge3A_296 = arith.constant 256 : i32
        %ge3A_297 = arith.cmpi sge, %add3A_295, %ge3A_296 : i32
        %lt3A = arith.constant 0 : i32
        %lt3A_298 = arith.cmpi slt, %scan3A_283, %lt3A : i32
        %and3A = arith.andi %ge3A_297, %lt3A_298 : i1
        %select_n3A_299 = arith.select %and3A, %sub3A_285, %scan3A_283 : i32
        %add3A_300 = arith.addi %squeeze3A_33, %scan3A_282 : i32
        %select_n3A_301 = arith.select %and3A, %add3A_300, %scan3A_284 : i32
        scf.yield %add3A_294, %select_n3A_299, %select_n3A_301 : i32, i32, i32
      }
      %scan3A_227 = arith.constant 128 : i32
      %mul3A_228 = arith.constant 16 : i32
      %mul3A_229 = arith.muli %scan3A_226#1, %mul3A_228 : i32
      %get3A_230 = arith.index_cast %mul3A_229 : i32 to index
      %get3A_231 = tpu.vector_load %arg6[%get3A_230] {strides = array<i32>} : memref<2048xi32, #tpu.memory_space<vmem>>, vector<16xi32>,
      %broadcast_in_dim3A_232 = arith.constant 0 : i32
      %broadcast_in_dim3A_233 = vector.broadcast %broadcast_in_dim3A_232 : i32 to vector<16xi32>
      %rev3A = arith.constant 15 : i32
      %rev3A_234 = vector.broadcast %rev3A : i32 to vector<16xi32>
      %rev3A_235 = tpu.iota {dimensions = array<i32: 0>} : vector<16xi32>
      %rev3A_236 = arith.subi %rev3A_234, %rev3A_235 : vector<16xi32>
      %rev3A_237 = tpu.dynamic_gather %get3A_231[%rev3A_236] in [0] : vector<16xi32>, vector<16xi32> -> vector<16xi32>
      %broadcast_in_dim3A_238 = arith.constant true
      %broadcast_in_dim3A_239 = vector.broadcast %broadcast_in_dim3A_238 : i1 to vector<16xi1>
      %masked_cumsum3A = tpu.scan <sum>, %rev3A_237 masked %broadcast_in_dim3A_239 : vector<16xi32>, vector<16xi1> -> vector<16xi32>
      %rev3A_240 = arith.constant 15 : i32
      %rev3A_241 = vector.broadcast %rev3A_240 : i32 to vector<16xi32>
      %rev3A_242 = tpu.iota {dimensions = array<i32: 0>} : vector<16xi32>
      %rev3A_243 = arith.subi %rev3A_241, %rev3A_242 : vector<16xi32>
      %rev3A_244 = tpu.dynamic_gather %masked_cumsum3A[%rev3A_243] in [0] : vector<16xi32>, vector<16xi32> -> vector<16xi32>
      %add3A = vector.broadcast %scan3A_226#2 : i32 to vector<16xi32>
      %add3A_245 = arith.addi %add3A, %rev3A_244 : vector<16xi32>
      %ge3A = arith.constant 256 : i32
      %ge3A_246 = vector.broadcast %ge3A : i32 to vector<16xi32>
      %ge3A_247 = arith.cmpi sge, %add3A_245, %ge3A_246 : vector<16xi32>
      %jit3A_248 = arith.constant -1 : i32
      %broadcast_in_dim3A_249 = vector.broadcast %jit3A_248 : i32 to vector<16xi32>
      %select_n3A_250 = arith.select %ge3A_247, %iota3A, %broadcast_in_dim3A_249 : vector<16xi1>, vector<16xi32>
      %reduce_max3A = arith.constant true
      %reduce_max3A_251 = vector.broadcast %reduce_max3A : i1 to vector<16xi1>
      %reduce_max3A_252 = arith.constant -2147483648 : i32
      %reduce_max3A_253 = vector.broadcast %reduce_max3A_252 : i32 to vector<16xi32>
      %reduce_max3A_254 = arith.xori %select_n3A_250, %reduce_max3A_253 : vector<16xi32>
      %reduce_max3A_255 = tpu.scan <max>, %reduce_max3A_254 masked %reduce_max3A_251 : vector<16xi32>, vector<16xi1> -> vector<16xi32>
      %reduce_max3A_256 = arith.xori %reduce_max3A_255, %reduce_max3A_253 : vector<16xi32>
      %reduce_max3A_257 = vector.extract %reduce_max3A_256[15] : i32 from vector<16xi32>
      %gt3A = vector.broadcast %reduce_max3A_257 : i32 to vector<16xi32>
      %gt3A_258 = arith.cmpi sgt, %iota3A, %gt3A : vector<16xi32>
      %select_n3A_259 = arith.select %gt3A_258, %get3A_231, %broadcast_in_dim3A_233 : vector<16xi1>, vector<16xi32>
      %reduce_sum3A = arith.constant true
      %reduce_sum3A_260 = vector.broadcast %reduce_sum3A : i1 to vector<16xi1>
      %reduce_sum3A_261 = tpu.scan <sum>, %select_n3A_259 masked %reduce_sum3A_260 : vector<16xi32>, vector<16xi1> -> vector<16xi32>
      %reduce_sum3A_262 = vector.extract %reduce_sum3A_261[15] : i32 from vector<16xi32>
      %mul3A_263 = arith.constant 16 : i32
      %mul3A_264 = arith.muli %scan3A_226#1, %mul3A_263 : i32
      %add3A_265 = arith.addi %mul3A_264, %reduce_max3A_257 : i32
      %add3A_266 = arith.addi %scan3A_226#2, %reduce_sum3A_262 : i32
      %eq3A_267 = arith.constant 0 : i32
      %eq3A_268 = vector.broadcast %eq3A_267 : i32 to vector<16xi32>
      %eq3A_269 = arith.cmpi eq, %iota3A, %eq3A_268 : vector<16xi32>
      %eq3A_270 = arith.constant 1 : i32
      %eq3A_271 = vector.broadcast %eq3A_270 : i32 to vector<16xi32>
      %eq3A_272 = arith.cmpi eq, %iota3A, %eq3A_271 : vector<16xi32>
      %jit3A_273 = arith.constant 0 : i32
      %broadcast_in_dim3A_274 = vector.broadcast %add3A_266 : i32 to vector<16xi32>
      %broadcast_in_dim3A_275 = vector.broadcast %jit3A_273 : i32 to vector<16xi32>
      %select_n3A_276 = arith.select %eq3A_272, %broadcast_in_dim3A_274, %broadcast_in_dim3A_275 : vector<16xi1>, vector<16xi32>
      %broadcast_in_dim3A_277 = vector.broadcast %add3A_265 : i32 to vector<16xi32>
      %select_n3A_278 = arith.select %eq3A_269, %broadcast_in_dim3A_277, %select_n3A_276 : vector<16xi1>, vector<16xi32>
      %swap3A_279 = arith.constant 0 : index
      %swap3A_280 = tpu.vector_load %arg8[%swap3A_279] {strides = array<i32>} : memref<16xi32, #tpu.memory_space<vmem>>, vector<16xi32>,
      tpu.vector_store %arg8[%swap3A_279], %select_n3A_278 {strides = array<i32>} : memref<16xi32, #tpu.memory_space<vmem>>, vector<16xi32>,
      "tpu.region"() ({
        %run_scoped3A = tpu.sem_alloc : memref<!tpu.dma_semaphore, #tpu.memory_space<semaphore_mem>>
        tpu.enqueue_dma source(%arg8 : memref<16xi32, #tpu.memory_space<vmem>>) target(%arg16 : memref<16xi32, #tpu.memory_space<vmem_shared>>) target_semaphore(%run_scoped3A : memref<!tpu.dma_semaphore, #tpu.memory_space<semaphore_mem>>)
        tpu.wait_dma2 semaphore(%run_scoped3A : memref<!tpu.dma_semaphore, #tpu.memory_space<semaphore_mem>>) src(%arg8 : memref<16xi32, #tpu.memory_space<vmem>>) dst(%arg16 : memref<16xi32, #tpu.memory_space<vmem_shared>>)
        tpu.yield
      }) : () -> ()
    } else {
    }
    %barrier3A_61 = arith.constant 0 : index
    tpu.barrier barrier_id(%barrier3A_61)
    "tpu.region"() ({
      %run_scoped3A = tpu.sem_alloc : memref<!tpu.dma_semaphore, #tpu.memory_space<semaphore_mem>>
      tpu.enqueue_dma source(%arg16 : memref<16xi32, #tpu.memory_space<vmem_shared>>) target(%arg8 : memref<16xi32, #tpu.memory_space<vmem>>) target_semaphore(%run_scoped3A : memref<!tpu.dma_semaphore, #tpu.memory_space<semaphore_mem>>)
      tpu.wait_dma2 semaphore(%run_scoped3A : memref<!tpu.dma_semaphore, #tpu.memory_space<semaphore_mem>>) src(%arg16 : memref<16xi32, #tpu.memory_space<vmem_shared>>) dst(%arg8 : memref<16xi32, #tpu.memory_space<vmem>>)
      tpu.yield
    }) : () -> ()
    %get3A_62 = arith.constant 0 : index
    %get3A_63 = tpu.vector_load %arg8[%get3A_62] {strides = array<i32>} : memref<16xi32, #tpu.memory_space<vmem>>, vector<16xi32>,
    %slice3A_64 = vector.extract_strided_slice %get3A_63 {offsets = [0], sizes = [1], strides = [1]} : vector<16xi32> to vector<1xi32>
    %squeeze3A_65 = vector.extract %slice3A_64[0] : i32 from vector<1xi32>
    %slice3A_66 = vector.extract_strided_slice %get3A_63 {offsets = [1], sizes = [1], strides = [1]} : vector<16xi32> to vector<1xi32>
    %squeeze3A_67 = vector.extract %slice3A_66[0] : i32 from vector<1xi32>
    %shift_left3A = arith.constant 11 : i32
    %shift_left3A_68 = arith.shli %squeeze3A, %shift_left3A : i32
    %or3A = arith.ori %shift_left3A_68, %squeeze3A_65 : i32
    %shift_left3A_69 = arith.constant 10 : i32
    %shift_left3A_70 = arith.shli %or3A, %shift_left3A_69 : i32
    %scan3A_71 = arith.constant 0 : i32
    %scan3A_72 = arith.constant 0 : i32
    %scan3A_73 = arith.constant 0 : i32
    %scan3A_74 = arith.constant 4096 : i32
    %scan3A_75 = arith.addi %scan3A_73, %scan3A_74 : i32
    %scan3A_76 = arith.constant 1 : i32
    %scan3A_77:2 = scf.for %scan3A_212 = %scan3A_73 to %scan3A_75 step %scan3A_76 iter_args(%scan3A_213 = %scan3A_71, %scan3A_214 = %scan3A_72) -> (i32, i32)  : i32 {
      %mul3A_215 = arith.constant 16 : i32
      %mul3A_216 = arith.muli %scan3A_212, %mul3A_215 : i32
      %get3A_217 = arith.index_cast %mul3A_216 : i32 to index
      %get3A_218 = tpu.vector_load %arg4[%get3A_217] {strides = array<i32>} : memref<65536xf32, #tpu.memory_space<vmem>>, vector<16xf32>,
      %bitcast_convert_type3A = tpu.bitcast %get3A_218 : vector<16xf32> -> vector<16xi32>
      %sub3A = vector.broadcast %shift_left3A_70 : i32 to vector<16xi32>
      %sub3A_219 = arith.subi %bitcast_convert_type3A, %sub3A : vector<16xi32>
      %ge3A = arith.constant 1024 : i32
      %ge3A_220 = vector.broadcast %ge3A : i32 to vector<16xi32>
      %ge3A_221 = arith.cmpi sge, %sub3A_219, %ge3A_220 : vector<16xi32>
      %ge3A_222 = arith.constant 0 : i32
      %ge3A_223 = vector.broadcast %ge3A_222 : i32 to vector<16xi32>
      %ge3A_224 = arith.cmpi sge, %sub3A_219, %ge3A_223 : vector<16xi32>
      %lt3A = arith.constant 1024 : i32
      %lt3A_225 = vector.broadcast %lt3A : i32 to vector<16xi32>
      %lt3A_226 = arith.cmpi slt, %sub3A_219, %lt3A_225 : vector<16xi32>
      %and3A = arith.andi %ge3A_224, %lt3A_226 : vector<16xi1>
      %swap3A_227 = arith.index_cast %scan3A_213 : i32 to index
      %swap3A_228 = tpu.vector_load %arg9[%swap3A_227] masked %ge3A_221 {strides = array<i32>} : memref<272xf32, #tpu.memory_space<vmem>>, vector<16xf32>, vector<16xi1>
      tpu.vector_store %arg9[%swap3A_227], %get3A_218 masked %ge3A_221 {strides = array<i32>} : memref<272xf32, #tpu.memory_space<vmem>>, vector<16xf32>, vector<16xi1>
      %select_n3A_229 = arith.select %ge3A_221, %broadcast_in_dim3A_0, %broadcast_in_dim3A_2 : vector<16xi1>, vector<16xi32>
      %reduce_sum3A = arith.constant true
      %reduce_sum3A_230 = vector.broadcast %reduce_sum3A : i1 to vector<16xi1>
      %reduce_sum3A_231 = tpu.scan <sum>, %select_n3A_229 masked %reduce_sum3A_230 : vector<16xi32>, vector<16xi1> -> vector<16xi32>
      %reduce_sum3A_232 = vector.extract %reduce_sum3A_231[15] : i32 from vector<16xi32>
      %add3A = arith.addi %scan3A_213, %reduce_sum3A_232 : i32
      %lt3A_233 = arith.constant 256 : i32
      %lt3A_234 = arith.cmpi slt, %scan3A_214, %lt3A_233 : i32
      %convert_element_type3A_235 = arith.extui %lt3A_234 : i1 to i32
      %cond3A_236 = arith.constant 0 : i32
      %cond3A_237 = arith.cmpi ne, %convert_element_type3A_235, %cond3A_236 : i32
      %cond3A_238 = scf.if %cond3A_237 -> (i32) {
        %swap3A_239 = arith.index_cast %scan3A_214 : i32 to index
        %swap3A_240 = tpu.vector_load %arg10[%swap3A_239] masked %and3A {strides = array<i32>} : memref<272xf32, #tpu.memory_space<vmem>>, vector<16xf32>, vector<16xi1>
        tpu.vector_store %arg10[%swap3A_239], %get3A_218 masked %and3A {strides = array<i32>} : memref<272xf32, #tpu.memory_space<vmem>>, vector<16xf32>, vector<16xi1>
        %select_n3A_241 = arith.select %and3A, %broadcast_in_dim3A_0, %broadcast_in_dim3A_2 : vector<16xi1>, vector<16xi32>
        %reduce_sum3A_242 = arith.constant true
        %reduce_sum3A_243 = vector.broadcast %reduce_sum3A_242 : i1 to vector<16xi1>
        %reduce_sum3A_244 = tpu.scan <sum>, %select_n3A_241 masked %reduce_sum3A_243 : vector<16xi32>, vector<16xi1> -> vector<16xi32>
        %reduce_sum3A_245 = vector.extract %reduce_sum3A_244[15] : i32 from vector<16xi32>
        %add3A_246 = arith.addi %scan3A_214, %reduce_sum3A_245 : i32
        scf.yield %add3A_246 : i32
      } else {
        scf.yield %scan3A_214 : i32
      }
      scf.yield %add3A, %cond3A_238 : i32, i32
    }
    %scan3A_78 = arith.constant 4096 : i32
    %eq3A_79 = arith.constant 0 : i32
    %eq3A_80 = vector.broadcast %eq3A_79 : i32 to vector<16xi32>
    %eq3A_81 = arith.cmpi eq, %iota3A, %eq3A_80 : vector<16xi32>
    %eq3A_82 = arith.constant 1 : i32
    %eq3A_83 = vector.broadcast %eq3A_82 : i32 to vector<16xi32>
    %eq3A_84 = arith.cmpi eq, %iota3A, %eq3A_83 : vector<16xi32>
    %jit3A = arith.constant 0 : i32
    %broadcast_in_dim3A_85 = vector.broadcast %scan3A_77#1 : i32 to vector<16xi32>
    %broadcast_in_dim3A_86 = vector.broadcast %jit3A : i32 to vector<16xi32>
    %select_n3A = arith.select %eq3A_84, %broadcast_in_dim3A_85, %broadcast_in_dim3A_86 : vector<16xi1>, vector<16xi32>
    %broadcast_in_dim3A_87 = vector.broadcast %scan3A_77#0 : i32 to vector<16xi32>
    %select_n3A_88 = arith.select %eq3A_81, %broadcast_in_dim3A_87, %select_n3A : vector<16xi1>, vector<16xi32>
    %swap3A = arith.constant 0 : index
    %swap3A_89 = tpu.vector_load %arg8[%swap3A] {strides = array<i32>} : memref<16xi32, #tpu.memory_space<vmem>>, vector<16xi32>,
    tpu.vector_store %arg8[%swap3A], %select_n3A_88 {strides = array<i32>} : memref<16xi32, #tpu.memory_space<vmem>>, vector<16xi32>,
    %mul3A_90 = arith.constant 16 : i32
    %mul3A_91 = arith.muli %arg1, %mul3A_90 : i32
    "tpu.region"() ({
      %run_scoped3A = tpu.sem_alloc : memref<!tpu.dma_semaphore, #tpu.memory_space<semaphore_mem>>
      %dma_start3A = tpu.memref_slice %arg19[%mul3A_91] : memref<256xi32, #tpu.memory_space<vmem_shared>> -> memref<16xi32, #tpu.memory_space<vmem_shared>>
      %dma_start3A_212 = tpu.memref_slice %arg19[%mul3A_91] : memref<256xi32, #tpu.memory_space<vmem_shared>> -> memref<16xi32, #tpu.memory_space<vmem_shared>>
      tpu.enqueue_dma source(%arg8 : memref<16xi32, #tpu.memory_space<vmem>>) target(%dma_start3A_212 : memref<16xi32, #tpu.memory_space<vmem_shared>>) target_semaphore(%run_scoped3A : memref<!tpu.dma_semaphore, #tpu.memory_space<semaphore_mem>>)
      %dma_wait3A = tpu.memref_slice %arg19[%mul3A_91] : memref<256xi32, #tpu.memory_space<vmem_shared>> -> memref<16xi32, #tpu.memory_space<vmem_shared>>
      %dma_wait3A_213 = tpu.memref_slice %arg19[%mul3A_91] : memref<256xi32, #tpu.memory_space<vmem_shared>> -> memref<16xi32, #tpu.memory_space<vmem_shared>>
      tpu.wait_dma2 semaphore(%run_scoped3A : memref<!tpu.dma_semaphore, #tpu.memory_space<semaphore_mem>>) src(%arg8 : memref<16xi32, #tpu.memory_space<vmem>>) dst(%dma_wait3A_213 : memref<16xi32, #tpu.memory_space<vmem_shared>>)
      tpu.yield
    }) : () -> ()
    %mul3A_92 = arith.constant 272 : i32
    %mul3A_93 = arith.muli %arg1, %mul3A_92 : i32
    "tpu.region"() ({
      %run_scoped3A = tpu.sem_alloc : memref<!tpu.dma_semaphore, #tpu.memory_space<semaphore_mem>>
      %dma_start3A = tpu.memref_slice %arg17[%mul3A_93] : memref<4352xf32, #tpu.memory_space<vmem_shared>> -> memref<272xf32, #tpu.memory_space<vmem_shared>>
      %dma_start3A_212 = tpu.memref_slice %arg17[%mul3A_93] : memref<4352xf32, #tpu.memory_space<vmem_shared>> -> memref<272xf32, #tpu.memory_space<vmem_shared>>
      tpu.enqueue_dma source(%arg9 : memref<272xf32, #tpu.memory_space<vmem>>) target(%dma_start3A_212 : memref<272xf32, #tpu.memory_space<vmem_shared>>) target_semaphore(%run_scoped3A : memref<!tpu.dma_semaphore, #tpu.memory_space<semaphore_mem>>)
      %dma_wait3A = tpu.memref_slice %arg17[%mul3A_93] : memref<4352xf32, #tpu.memory_space<vmem_shared>> -> memref<272xf32, #tpu.memory_space<vmem_shared>>
      %dma_wait3A_213 = tpu.memref_slice %arg17[%mul3A_93] : memref<4352xf32, #tpu.memory_space<vmem_shared>> -> memref<272xf32, #tpu.memory_space<vmem_shared>>
      tpu.wait_dma2 semaphore(%run_scoped3A : memref<!tpu.dma_semaphore, #tpu.memory_space<semaphore_mem>>) src(%arg9 : memref<272xf32, #tpu.memory_space<vmem>>) dst(%dma_wait3A_213 : memref<272xf32, #tpu.memory_space<vmem_shared>>)
      tpu.yield
    }) : () -> ()
    %mul3A_94 = arith.constant 272 : i32
    %mul3A_95 = arith.muli %arg1, %mul3A_94 : i32
    "tpu.region"() ({
      %run_scoped3A = tpu.sem_alloc : memref<!tpu.dma_semaphore, #tpu.memory_space<semaphore_mem>>
      %dma_start3A = tpu.memref_slice %arg18[%mul3A_95] : memref<4352xf32, #tpu.memory_space<vmem_shared>> -> memref<272xf32, #tpu.memory_space<vmem_shared>>
      %dma_start3A_212 = tpu.memref_slice %arg18[%mul3A_95] : memref<4352xf32, #tpu.memory_space<vmem_shared>> -> memref<272xf32, #tpu.memory_space<vmem_shared>>
      tpu.enqueue_dma source(%arg10 : memref<272xf32, #tpu.memory_space<vmem>>) target(%dma_start3A_212 : memref<272xf32, #tpu.memory_space<vmem_shared>>) target_semaphore(%run_scoped3A : memref<!tpu.dma_semaphore, #tpu.memory_space<semaphore_mem>>)
      %dma_wait3A = tpu.memref_slice %arg18[%mul3A_95] : memref<4352xf32, #tpu.memory_space<vmem_shared>> -> memref<272xf32, #tpu.memory_space<vmem_shared>>
      %dma_wait3A_213 = tpu.memref_slice %arg18[%mul3A_95] : memref<4352xf32, #tpu.memory_space<vmem_shared>> -> memref<272xf32, #tpu.memory_space<vmem_shared>>
      tpu.wait_dma2 semaphore(%run_scoped3A : memref<!tpu.dma_semaphore, #tpu.memory_space<semaphore_mem>>) src(%arg10 : memref<272xf32, #tpu.memory_space<vmem>>) dst(%dma_wait3A_213 : memref<272xf32, #tpu.memory_space<vmem_shared>>)
      tpu.yield
    }) : () -> ()
    %barrier3A_96 = arith.constant 0 : index
    tpu.barrier barrier_id(%barrier3A_96)
    %eq3A_97 = arith.constant 0 : i32
    %eq3A_98 = arith.cmpi eq, %arg1, %eq3A_97 : i32
    %convert_element_type3A_99 = arith.extui %eq3A_98 : i1 to i32
    %cond3A_100 = arith.constant 0 : i32
    %cond3A_101 = arith.cmpi ne, %convert_element_type3A_99, %cond3A_100 : i32
    scf.if %cond3A_101 {
      "tpu.region"() ({
        %run_scoped3A_225 = tpu.sem_alloc : memref<!tpu.dma_semaphore, #tpu.memory_space<semaphore_mem>>
        tpu.enqueue_dma source(%arg19 : memref<256xi32, #tpu.memory_space<vmem_shared>>) target(%arg14 : memref<256xi32, #tpu.memory_space<vmem>>) target_semaphore(%run_scoped3A_225 : memref<!tpu.dma_semaphore, #tpu.memory_space<semaphore_mem>>)
        tpu.wait_dma2 semaphore(%run_scoped3A_225 : memref<!tpu.dma_semaphore, #tpu.memory_space<semaphore_mem>>) src(%arg19 : memref<256xi32, #tpu.memory_space<vmem_shared>>) dst(%arg14 : memref<256xi32, #tpu.memory_space<vmem>>)
        tpu.yield
      }) : () -> ()
      "tpu.region"() ({
        %run_scoped3A_225 = tpu.sem_alloc : memref<!tpu.dma_semaphore, #tpu.memory_space<semaphore_mem>>
        tpu.enqueue_dma source(%arg17 : memref<4352xf32, #tpu.memory_space<vmem_shared>>) target(%arg12 : memref<4352xf32, #tpu.memory_space<vmem>>) target_semaphore(%run_scoped3A_225 : memref<!tpu.dma_semaphore, #tpu.memory_space<semaphore_mem>>)
        tpu.wait_dma2 semaphore(%run_scoped3A_225 : memref<!tpu.dma_semaphore, #tpu.memory_space<semaphore_mem>>) src(%arg17 : memref<4352xf32, #tpu.memory_space<vmem_shared>>) dst(%arg12 : memref<4352xf32, #tpu.memory_space<vmem>>)
        tpu.yield
      }) : () -> ()
      "tpu.region"() ({
        %run_scoped3A_225 = tpu.sem_alloc : memref<!tpu.dma_semaphore, #tpu.memory_space<semaphore_mem>>
        tpu.enqueue_dma source(%arg18 : memref<4352xf32, #tpu.memory_space<vmem_shared>>) target(%arg13 : memref<4352xf32, #tpu.memory_space<vmem>>) target_semaphore(%run_scoped3A_225 : memref<!tpu.dma_semaphore, #tpu.memory_space<semaphore_mem>>)
        tpu.wait_dma2 semaphore(%run_scoped3A_225 : memref<!tpu.dma_semaphore, #tpu.memory_space<semaphore_mem>>) src(%arg18 : memref<4352xf32, #tpu.memory_space<vmem_shared>>) dst(%arg13 : memref<4352xf32, #tpu.memory_space<vmem>>)
        tpu.yield
      }) : () -> ()
      %scan3A_212 = arith.constant 0 : i32
      %scan3A_213 = arith.constant 0 : i32
      %scan3A_214 = arith.constant 16 : i32
      %scan3A_215 = arith.addi %scan3A_213, %scan3A_214 : i32
      %scan3A_216 = arith.constant 1 : i32
      %scan3A_217 = scf.for %scan3A_225 = %scan3A_213 to %scan3A_215 step %scan3A_216 iter_args(%scan3A_226 = %scan3A_212) -> (i32)  : i32 {
        %mul3A_227 = arith.constant 16 : i32
        %mul3A_228 = arith.muli %scan3A_225, %mul3A_227 : i32
        %get3A_229 = arith.index_cast %mul3A_228 : i32 to index
        %get3A_230 = tpu.vector_load %arg14[%get3A_229] {strides = array<i32>} : memref<256xi32, #tpu.memory_space<vmem>>, vector<16xi32>,
        %slice3A_231 = vector.extract_strided_slice %get3A_230 {offsets = [0], sizes = [1], strides = [1]} : vector<16xi32> to vector<1xi32>
        %squeeze3A_232 = vector.extract %slice3A_231[0] : i32 from vector<1xi32>
        %scan3A_233 = arith.constant 0 : i32
        %scan3A_234 = arith.constant 0 : i32
        %scan3A_235 = arith.constant 17 : i32
        %scan3A_236 = arith.addi %scan3A_234, %scan3A_235 : i32
        %scan3A_237 = arith.constant 1 : i32
        %scan3A_238 = scf.for %scan3A_240 = %scan3A_234 to %scan3A_236 step %scan3A_237 iter_args(%scan3A_241 = %scan3A_233) -> (i32)  : i32 {
          %mul3A_242 = arith.constant 272 : i32
          %mul3A_243 = arith.muli %scan3A_225, %mul3A_242 : i32
          %mul3A_244 = arith.constant 16 : i32
          %mul3A_245 = arith.muli %scan3A_240, %mul3A_244 : i32
          %add3A_246 = arith.addi %mul3A_243, %mul3A_245 : i32
          %get3A_247 = arith.index_cast %add3A_246 : i32 to index
          %get3A_248 = tpu.vector_load %arg12[%get3A_247] {strides = array<i32>} : memref<4352xf32, #tpu.memory_space<vmem>>, vector<16xf32>,
          %mul3A_249 = arith.constant 16 : i32
          %mul3A_250 = arith.muli %scan3A_240, %mul3A_249 : i32
          %add3A_251 = vector.broadcast %mul3A_250 : i32 to vector<16xi32>
          %add3A_252 = arith.addi %add3A_251, %iota3A : vector<16xi32>
          %add3A_253 = vector.broadcast %scan3A_226 : i32 to vector<16xi32>
          %add3A_254 = arith.addi %add3A_253, %add3A_252 : vector<16xi32>
          %lt3A = vector.broadcast %squeeze3A_232 : i32 to vector<16xi32>
          %lt3A_255 = arith.cmpi slt, %add3A_252, %lt3A : vector<16xi32>
          %lt3A_256 = arith.constant 256 : i32
          %lt3A_257 = vector.broadcast %lt3A_256 : i32 to vector<16xi32>
          %lt3A_258 = arith.cmpi slt, %add3A_254, %lt3A_257 : vector<16xi32>
          %and3A = arith.andi %lt3A_255, %lt3A_258 : vector<16xi1>
          tpu.vector_store_idx %arg11[%add3A_254], %get3A_248 masked %and3A : memref<256xf32, #tpu.memory_space<vmem>>[vector<16xi32>], vector<16xf32>, vector<16xi1>
          %scan3A_259 = arith.constant 0 : i32
          scf.yield %scan3A_259 : i32
        }
        %scan3A_239 = arith.constant 17 : i32
        %add3A = arith.addi %scan3A_226, %squeeze3A_232 : i32
        scf.yield %add3A : i32
      }
      %scan3A_218 = arith.constant 16 : i32
      %scan3A_219 = arith.constant 0 : i32
      %scan3A_220 = arith.constant 16 : i32
      %scan3A_221 = arith.addi %scan3A_219, %scan3A_220 : i32
      %scan3A_222 = arith.constant 1 : i32
      %scan3A_223 = scf.for %scan3A_225 = %scan3A_219 to %scan3A_221 step %scan3A_222 iter_args(%scan3A_226 = %scan3A_217) -> (i32)  : i32 {
        %mul3A_227 = arith.constant 16 : i32
        %mul3A_228 = arith.muli %scan3A_225, %mul3A_227 : i32
        %get3A_229 = arith.index_cast %mul3A_228 : i32 to index
        %get3A_230 = tpu.vector_load %arg14[%get3A_229] {strides = array<i32>} : memref<256xi32, #tpu.memory_space<vmem>>, vector<16xi32>,
        %slice3A_231 = vector.extract_strided_slice %get3A_230 {offsets = [1], sizes = [1], strides = [1]} : vector<16xi32> to vector<1xi32>
        %squeeze3A_232 = vector.extract %slice3A_231[0] : i32 from vector<1xi32>
        %scan3A_233 = arith.constant 0 : i32
        %scan3A_234 = arith.constant 0 : i32
        %scan3A_235 = arith.constant 17 : i32
        %scan3A_236 = arith.addi %scan3A_234, %scan3A_235 : i32
        %scan3A_237 = arith.constant 1 : i32
        %scan3A_238 = scf.for %scan3A_240 = %scan3A_234 to %scan3A_236 step %scan3A_237 iter_args(%scan3A_241 = %scan3A_233) -> (i32)  : i32 {
          %mul3A_242 = arith.constant 272 : i32
          %mul3A_243 = arith.muli %scan3A_225, %mul3A_242 : i32
          %mul3A_244 = arith.constant 16 : i32
          %mul3A_245 = arith.muli %scan3A_240, %mul3A_244 : i32
          %add3A_246 = arith.addi %mul3A_243, %mul3A_245 : i32
          %get3A_247 = arith.index_cast %add3A_246 : i32 to index
          %get3A_248 = tpu.vector_load %arg13[%get3A_247] {strides = array<i32>} : memref<4352xf32, #tpu.memory_space<vmem>>, vector<16xf32>,
          %mul3A_249 = arith.constant 16 : i32
          %mul3A_250 = arith.muli %scan3A_240, %mul3A_249 : i32
          %add3A_251 = vector.broadcast %mul3A_250 : i32 to vector<16xi32>
          %add3A_252 = arith.addi %add3A_251, %iota3A : vector<16xi32>
          %add3A_253 = vector.broadcast %scan3A_226 : i32 to vector<16xi32>
          %add3A_254 = arith.addi %add3A_253, %add3A_252 : vector<16xi32>
          %lt3A = vector.broadcast %squeeze3A_232 : i32 to vector<16xi32>
          %lt3A_255 = arith.cmpi slt, %add3A_252, %lt3A : vector<16xi32>
          %lt3A_256 = arith.constant 256 : i32
          %lt3A_257 = vector.broadcast %lt3A_256 : i32 to vector<16xi32>
          %lt3A_258 = arith.cmpi slt, %add3A_254, %lt3A_257 : vector<16xi32>
          %and3A = arith.andi %lt3A_255, %lt3A_258 : vector<16xi1>
          tpu.vector_store_idx %arg11[%add3A_254], %get3A_248 masked %and3A : memref<256xf32, #tpu.memory_space<vmem>>[vector<16xi32>], vector<16xf32>, vector<16xi1>
          %scan3A_259 = arith.constant 0 : i32
          scf.yield %scan3A_259 : i32
        }
        %scan3A_239 = arith.constant 17 : i32
        %add3A = arith.addi %scan3A_226, %squeeze3A_232 : i32
        scf.yield %add3A : i32
      }
      %scan3A_224 = arith.constant 16 : i32
      %run_scoped3A = arith.constant 0 : i32
      "tpu.region"() ({
        %run_scoped3A_225 = tpu.sem_alloc : memref<!tpu.dma_semaphore, #tpu.memory_space<semaphore_mem>>
        %dma_start3A = arith.constant 0 : i32
        %dma_start3A_226 = tpu.memref_slice %arg3[%run_scoped3A, %dma_start3A] : memref<2x256xf32, #tpu.memory_space<hbm>> -> memref<1x256xf32, #tpu.memory_space<hbm>>
        %dma_start3A_227 = tpu.memref_squeeze %dma_start3A_226 : memref<1x256xf32, #tpu.memory_space<hbm>> -> memref<256xf32, #tpu.memory_space<hbm>>
        %dma_start3A_228 = arith.constant 0 : i32
        %dma_start3A_229 = tpu.memref_slice %arg3[%run_scoped3A, %dma_start3A_228] : memref<2x256xf32, #tpu.memory_space<hbm>> -> memref<1x256xf32, #tpu.memory_space<hbm>>
        %dma_start3A_230 = tpu.memref_squeeze %dma_start3A_229 : memref<1x256xf32, #tpu.memory_space<hbm>> -> memref<256xf32, #tpu.memory_space<hbm>>
        tpu.enqueue_dma source(%arg11 : memref<256xf32, #tpu.memory_space<vmem>>) target(%dma_start3A_230 : memref<256xf32, #tpu.memory_space<hbm>>) target_semaphore(%run_scoped3A_225 : memref<!tpu.dma_semaphore, #tpu.memory_space<semaphore_mem>>)
        %dma_wait3A = arith.constant 0 : i32
        %dma_wait3A_231 = tpu.memref_slice %arg3[%run_scoped3A, %dma_wait3A] : memref<2x256xf32, #tpu.memory_space<hbm>> -> memref<1x256xf32, #tpu.memory_space<hbm>>
        %dma_wait3A_232 = tpu.memref_squeeze %dma_wait3A_231 : memref<1x256xf32, #tpu.memory_space<hbm>> -> memref<256xf32, #tpu.memory_space<hbm>>
        %dma_wait3A_233 = arith.constant 0 : i32
        %dma_wait3A_234 = tpu.memref_slice %arg3[%run_scoped3A, %dma_wait3A_233] : memref<2x256xf32, #tpu.memory_space<hbm>> -> memref<1x256xf32, #tpu.memory_space<hbm>>
        %dma_wait3A_235 = tpu.memref_squeeze %dma_wait3A_234 : memref<1x256xf32, #tpu.memory_space<hbm>> -> memref<256xf32, #tpu.memory_space<hbm>>
        tpu.wait_dma2 semaphore(%run_scoped3A_225 : memref<!tpu.dma_semaphore, #tpu.memory_space<semaphore_mem>>) src(%arg11 : memref<256xf32, #tpu.memory_space<vmem>>) dst(%dma_wait3A_235 : memref<256xf32, #tpu.memory_space<hbm>>)
        tpu.yield
      }) : () -> ()
    } else {
    }
    %barrier3A_102 = arith.constant 0 : index
    tpu.barrier barrier_id(%barrier3A_102)
    %scan3A_103 = arith.constant 0 : i32
    %scan3A_104 = arith.constant 0 : i32
    %scan3A_105 = arith.constant 2048 : i32
    %scan3A_106 = arith.addi %scan3A_104, %scan3A_105 : i32
    %scan3A_107 = arith.constant 1 : i32
    %scan3A_108 = scf.for %scan3A_212 = %scan3A_104 to %scan3A_106 step %scan3A_107 iter_args(%scan3A_213 = %scan3A_103) -> (i32)  : i32 {
      %mul3A_214 = arith.constant 16 : i32
      %mul3A_215 = arith.muli %scan3A_212, %mul3A_214 : i32
      %swap3A_216 = arith.index_cast %mul3A_215 : i32 to index
      %swap3A_217 = tpu.vector_load %arg5[%swap3A_216] {strides = array<i32>} : memref<32768xi32, #tpu.memory_space<vmem>>, vector<16xi32>,
      tpu.vector_store %arg5[%swap3A_216], %broadcast_in_dim3A_2 {strides = array<i32>} : memref<32768xi32, #tpu.memory_space<vmem>>, vector<16xi32>,
      %scan3A_218 = arith.constant 0 : i32
      scf.yield %scan3A_218 : i32
    }
    %scan3A_109 = arith.constant 2048 : i32
    %scan3A_110 = arith.constant 0 : i32
    %scan3A_111 = arith.constant 0 : i32
    %scan3A_112 = arith.constant 4096 : i32
    %scan3A_113 = arith.addi %scan3A_111, %scan3A_112 : i32
    %scan3A_114 = arith.constant 1 : i32
    %scan3A_115 = scf.for %scan3A_212 = %scan3A_111 to %scan3A_113 step %scan3A_114 iter_args(%scan3A_213 = %scan3A_110) -> (i32)  : i32 {
      %mul3A_214 = arith.constant 16 : i32
      %mul3A_215 = arith.muli %scan3A_212, %mul3A_214 : i32
      %get3A_216 = arith.index_cast %mul3A_215 : i32 to index
      %get3A_217 = tpu.vector_load %arg4[%get3A_216] {strides = array<i32>} : memref<65536xf32, #tpu.memory_space<vmem>>, vector<16xf32>,
      %bitcast_convert_type3A = tpu.bitcast %get3A_217 : vector<16xf32> -> vector<16xi32>
      %sub3A = arith.constant 2147483647 : i32
      %sub3A_218 = vector.broadcast %sub3A : i32 to vector<16xi32>
      %sub3A_219 = arith.subi %sub3A_218, %bitcast_convert_type3A : vector<16xi32>
      %mul3A_220 = arith.constant 16 : i32
      %mul3A_221 = arith.muli %scan3A_212, %mul3A_220 : i32
      %add3A = vector.broadcast %mul3A_221 : i32 to vector<16xi32>
      %add3A_222 = arith.addi %add3A, %iota3A : vector<16xi32>
      %and3A = arith.constant 1023 : i32
      %and3A_223 = vector.broadcast %and3A : i32 to vector<16xi32>
      %and3A_224 = arith.andi %add3A_222, %and3A_223 : vector<16xi32>
      %mul3A_225 = arith.constant 64 : i32
      %mul3A_226 = arith.muli %arg1, %mul3A_225 : i32
      %shift_right_arithmetic3A = arith.constant 10 : i32
      %shift_right_arithmetic3A_227 = vector.broadcast %shift_right_arithmetic3A : i32 to vector<16xi32>
      %shift_right_arithmetic3A_228 = arith.shrsi %add3A_222, %shift_right_arithmetic3A_227 : vector<16xi32>
      %add3A_229 = vector.broadcast %mul3A_226 : i32 to vector<16xi32>
      %add3A_230 = arith.addi %add3A_229, %shift_right_arithmetic3A_228 : vector<16xi32>
      %eq3A_231 = arith.cmpi eq, %and3A_224, %add3A_230 : vector<16xi32>
      %not3A = arith.constant dense<true> : vector<16xi1>
      %not3A_232 = arith.xori %eq3A_231, %not3A : vector<16xi1>
      %shift_right_arithmetic3A_233 = arith.constant 21 : i32
      %shift_right_arithmetic3A_234 = vector.broadcast %shift_right_arithmetic3A_233 : i32 to vector<16xi32>
      %shift_right_arithmetic3A_235 = arith.shrsi %sub3A_219, %shift_right_arithmetic3A_234 : vector<16xi32>
      %and3A_236 = arith.constant 2047 : i32
      %and3A_237 = vector.broadcast %and3A_236 : i32 to vector<16xi32>
      %and3A_238 = arith.andi %shift_right_arithmetic3A_235, %and3A_237 : vector<16xi32>
      %add3A_239 = arith.addi %and3A_238, %mul3A_4 : vector<16xi32>
      tpu.vector_store_idx %arg5[%add3A_239], %broadcast_in_dim3A_0 masked %not3A_232 {add = true} : memref<32768xi32, #tpu.memory_space<vmem>>[vector<16xi32>], vector<16xi32>, vector<16xi1>
      %scan3A_240 = arith.constant 0 : i32
      scf.yield %scan3A_240 : i32
    }
    %scan3A_116 = arith.constant 4096 : i32
    %scan3A_117 = arith.constant 0 : i32
    %scan3A_118 = arith.constant 0 : i32
    %scan3A_119 = arith.constant 128 : i32
    %scan3A_120 = arith.addi %scan3A_118, %scan3A_119 : i32
    %scan3A_121 = arith.constant 1 : i32
    %scan3A_122 = scf.for %scan3A_212 = %scan3A_118 to %scan3A_120 step %scan3A_121 iter_args(%scan3A_213 = %scan3A_117) -> (i32)  : i32 {
      %mul3A_214 = arith.constant 16 : i32
      %mul3A_215 = arith.muli %scan3A_212, %mul3A_214 : i32
      %add3A = arith.constant 0 : i32
      %add3A_216 = arith.addi %add3A, %mul3A_215 : i32
      %get3A_217 = arith.index_cast %add3A_216 : i32 to index
      %get3A_218 = tpu.vector_load %arg5[%get3A_217] {strides = array<i32>} : memref<32768xi32, #tpu.memory_space<vmem>>, vector<16xi32>,
      %add3A_219 = arith.addi %broadcast_in_dim3A_2, %get3A_218 : vector<16xi32>
      %mul3A_220 = arith.constant 16 : i32
      %mul3A_221 = arith.muli %scan3A_212, %mul3A_220 : i32
      %add3A_222 = arith.constant 2048 : i32
      %add3A_223 = arith.addi %add3A_222, %mul3A_221 : i32
      %get3A_224 = arith.index_cast %add3A_223 : i32 to index
      %get3A_225 = tpu.vector_load %arg5[%get3A_224] {strides = array<i32>} : memref<32768xi32, #tpu.memory_space<vmem>>, vector<16xi32>,
      %add3A_226 = arith.addi %add3A_219, %get3A_225 : vector<16xi32>
      %mul3A_227 = arith.constant 16 : i32
      %mul3A_228 = arith.muli %scan3A_212, %mul3A_227 : i32
      %add3A_229 = arith.constant 4096 : i32
      %add3A_230 = arith.addi %add3A_229, %mul3A_228 : i32
      %get3A_231 = arith.index_cast %add3A_230 : i32 to index
      %get3A_232 = tpu.vector_load %arg5[%get3A_231] {strides = array<i32>} : memref<32768xi32, #tpu.memory_space<vmem>>, vector<16xi32>,
      %add3A_233 = arith.addi %add3A_226, %get3A_232 : vector<16xi32>
      %mul3A_234 = arith.constant 16 : i32
      %mul3A_235 = arith.muli %scan3A_212, %mul3A_234 : i32
      %add3A_236 = arith.constant 6144 : i32
      %add3A_237 = arith.addi %add3A_236, %mul3A_235 : i32
      %get3A_238 = arith.index_cast %add3A_237 : i32 to index
      %get3A_239 = tpu.vector_load %arg5[%get3A_238] {strides = array<i32>} : memref<32768xi32, #tpu.memory_space<vmem>>, vector<16xi32>,
      %add3A_240 = arith.addi %add3A_233, %get3A_239 : vector<16xi32>
      %mul3A_241 = arith.constant 16 : i32
      %mul3A_242 = arith.muli %scan3A_212, %mul3A_241 : i32
      %add3A_243 = arith.constant 8192 : i32
      %add3A_244 = arith.addi %add3A_243, %mul3A_242 : i32
      %get3A_245 = arith.index_cast %add3A_244 : i32 to index
      %get3A_246 = tpu.vector_load %arg5[%get3A_245] {strides = array<i32>} : memref<32768xi32, #tpu.memory_space<vmem>>, vector<16xi32>,
      %add3A_247 = arith.addi %add3A_240, %get3A_246 : vector<16xi32>
      %mul3A_248 = arith.constant 16 : i32
      %mul3A_249 = arith.muli %scan3A_212, %mul3A_248 : i32
      %add3A_250 = arith.constant 10240 : i32
      %add3A_251 = arith.addi %add3A_250, %mul3A_249 : i32
      %get3A_252 = arith.index_cast %add3A_251 : i32 to index
      %get3A_253 = tpu.vector_load %arg5[%get3A_252] {strides = array<i32>} : memref<32768xi32, #tpu.memory_space<vmem>>, vector<16xi32>,
      %add3A_254 = arith.addi %add3A_247, %get3A_253 : vector<16xi32>
      %mul3A_255 = arith.constant 16 : i32
      %mul3A_256 = arith.muli %scan3A_212, %mul3A_255 : i32
      %add3A_257 = arith.constant 12288 : i32
      %add3A_258 = arith.addi %add3A_257, %mul3A_256 : i32
      %get3A_259 = arith.index_cast %add3A_258 : i32 to index
      %get3A_260 = tpu.vector_load %arg5[%get3A_259] {strides = array<i32>} : memref<32768xi32, #tpu.memory_space<vmem>>, vector<16xi32>,
      %add3A_261 = arith.addi %add3A_254, %get3A_260 : vector<16xi32>
      %mul3A_262 = arith.constant 16 : i32
      %mul3A_263 = arith.muli %scan3A_212, %mul3A_262 : i32
      %add3A_264 = arith.constant 14336 : i32
      %add3A_265 = arith.addi %add3A_264, %mul3A_263 : i32
      %get3A_266 = arith.index_cast %add3A_265 : i32 to index
      %get3A_267 = tpu.vector_load %arg5[%get3A_266] {strides = array<i32>} : memref<32768xi32, #tpu.memory_space<vmem>>, vector<16xi32>,
      %add3A_268 = arith.addi %add3A_261, %get3A_267 : vector<16xi32>
      %mul3A_269 = arith.constant 16 : i32
      %mul3A_270 = arith.muli %scan3A_212, %mul3A_269 : i32
      %add3A_271 = arith.constant 16384 : i32
      %add3A_272 = arith.addi %add3A_271, %mul3A_270 : i32
      %get3A_273 = arith.index_cast %add3A_272 : i32 to index
      %get3A_274 = tpu.vector_load %arg5[%get3A_273] {strides = array<i32>} : memref<32768xi32, #tpu.memory_space<vmem>>, vector<16xi32>,
      %add3A_275 = arith.addi %add3A_268, %get3A_274 : vector<16xi32>
      %mul3A_276 = arith.constant 16 : i32
      %mul3A_277 = arith.muli %scan3A_212, %mul3A_276 : i32
      %add3A_278 = arith.constant 18432 : i32
      %add3A_279 = arith.addi %add3A_278, %mul3A_277 : i32
      %get3A_280 = arith.index_cast %add3A_279 : i32 to index
      %get3A_281 = tpu.vector_load %arg5[%get3A_280] {strides = array<i32>} : memref<32768xi32, #tpu.memory_space<vmem>>, vector<16xi32>,
      %add3A_282 = arith.addi %add3A_275, %get3A_281 : vector<16xi32>
      %mul3A_283 = arith.constant 16 : i32
      %mul3A_284 = arith.muli %scan3A_212, %mul3A_283 : i32
      %add3A_285 = arith.constant 20480 : i32
      %add3A_286 = arith.addi %add3A_285, %mul3A_284 : i32
      %get3A_287 = arith.index_cast %add3A_286 : i32 to index
      %get3A_288 = tpu.vector_load %arg5[%get3A_287] {strides = array<i32>} : memref<32768xi32, #tpu.memory_space<vmem>>, vector<16xi32>,
      %add3A_289 = arith.addi %add3A_282, %get3A_288 : vector<16xi32>
      %mul3A_290 = arith.constant 16 : i32
      %mul3A_291 = arith.muli %scan3A_212, %mul3A_290 : i32
      %add3A_292 = arith.constant 22528 : i32
      %add3A_293 = arith.addi %add3A_292, %mul3A_291 : i32
      %get3A_294 = arith.index_cast %add3A_293 : i32 to index
      %get3A_295 = tpu.vector_load %arg5[%get3A_294] {strides = array<i32>} : memref<32768xi32, #tpu.memory_space<vmem>>, vector<16xi32>,
      %add3A_296 = arith.addi %add3A_289, %get3A_295 : vector<16xi32>
      %mul3A_297 = arith.constant 16 : i32
      %mul3A_298 = arith.muli %scan3A_212, %mul3A_297 : i32
      %add3A_299 = arith.constant 24576 : i32
      %add3A_300 = arith.addi %add3A_299, %mul3A_298 : i32
      %get3A_301 = arith.index_cast %add3A_300 : i32 to index
      %get3A_302 = tpu.vector_load %arg5[%get3A_301] {strides = array<i32>} : memref<32768xi32, #tpu.memory_space<vmem>>, vector<16xi32>,
      %add3A_303 = arith.addi %add3A_296, %get3A_302 : vector<16xi32>
      %mul3A_304 = arith.constant 16 : i32
      %mul3A_305 = arith.muli %scan3A_212, %mul3A_304 : i32
      %add3A_306 = arith.constant 26624 : i32
      %add3A_307 = arith.addi %add3A_306, %mul3A_305 : i32
      %get3A_308 = arith.index_cast %add3A_307 : i32 to index
      %get3A_309 = tpu.vector_load %arg5[%get3A_308] {strides = array<i32>} : memref<32768xi32, #tpu.memory_space<vmem>>, vector<16xi32>,
      %add3A_310 = arith.addi %add3A_303, %get3A_309 : vector<16xi32>
      %mul3A_311 = arith.constant 16 : i32
      %mul3A_312 = arith.muli %scan3A_212, %mul3A_311 : i32
      %add3A_313 = arith.constant 28672 : i32
      %add3A_314 = arith.addi %add3A_313, %mul3A_312 : i32
      %get3A_315 = arith.index_cast %add3A_314 : i32 to index
      %get3A_316 = tpu.vector_load %arg5[%get3A_315] {strides = array<i32>} : memref<32768xi32, #tpu.memory_space<vmem>>, vector<16xi32>,
      %add3A_317 = arith.addi %add3A_310, %get3A_316 : vector<16xi32>
      %mul3A_318 = arith.constant 16 : i32
      %mul3A_319 = arith.muli %scan3A_212, %mul3A_318 : i32
      %add3A_320 = arith.constant 30720 : i32
      %add3A_321 = arith.addi %add3A_320, %mul3A_319 : i32
      %get3A_322 = arith.index_cast %add3A_321 : i32 to index
      %get3A_323 = tpu.vector_load %arg5[%get3A_322] {strides = array<i32>} : memref<32768xi32, #tpu.memory_space<vmem>>, vector<16xi32>,
      %add3A_324 = arith.addi %add3A_317, %get3A_323 : vector<16xi32>
      %mul3A_325 = arith.constant 16 : i32
      %mul3A_326 = arith.muli %scan3A_212, %mul3A_325 : i32
      %swap3A_327 = arith.index_cast %mul3A_326 : i32 to index
      %swap3A_328 = tpu.vector_load %arg6[%swap3A_327] {strides = array<i32>} : memref<2048xi32, #tpu.memory_space<vmem>>, vector<16xi32>,
      tpu.vector_store %arg6[%swap3A_327], %add3A_324 {strides = array<i32>} : memref<2048xi32, #tpu.memory_space<vmem>>, vector<16xi32>,
      %scan3A_329 = arith.constant 0 : i32
      scf.yield %scan3A_329 : i32
    }
    %scan3A_123 = arith.constant 128 : i32
    "tpu.region"() ({
      %run_scoped3A = tpu.sem_alloc : memref<!tpu.dma_semaphore, #tpu.memory_space<semaphore_mem>>
      %dma_start3A = arith.constant 0 : i32
      %dma_start3A_212 = tpu.memref_slice %arg15[%arg1, %dma_start3A] : memref<16x2048xi32, #tpu.memory_space<vmem_shared>> -> memref<1x2048xi32, #tpu.memory_space<vmem_shared>>
      %dma_start3A_213 = tpu.memref_squeeze %dma_start3A_212 : memref<1x2048xi32, #tpu.memory_space<vmem_shared>> -> memref<2048xi32, #tpu.memory_space<vmem_shared>>
      %dma_start3A_214 = arith.constant 0 : i32
      %dma_start3A_215 = tpu.memref_slice %arg15[%arg1, %dma_start3A_214] : memref<16x2048xi32, #tpu.memory_space<vmem_shared>> -> memref<1x2048xi32, #tpu.memory_space<vmem_shared>>
      %dma_start3A_216 = tpu.memref_squeeze %dma_start3A_215 : memref<1x2048xi32, #tpu.memory_space<vmem_shared>> -> memref<2048xi32, #tpu.memory_space<vmem_shared>>
      tpu.enqueue_dma source(%arg6 : memref<2048xi32, #tpu.memory_space<vmem>>) target(%dma_start3A_216 : memref<2048xi32, #tpu.memory_space<vmem_shared>>) target_semaphore(%run_scoped3A : memref<!tpu.dma_semaphore, #tpu.memory_space<semaphore_mem>>)
      %dma_wait3A = arith.constant 0 : i32
      %dma_wait3A_217 = tpu.memref_slice %arg15[%arg1, %dma_wait3A] : memref<16x2048xi32, #tpu.memory_space<vmem_shared>> -> memref<1x2048xi32, #tpu.memory_space<vmem_shared>>
      %dma_wait3A_218 = tpu.memref_squeeze %dma_wait3A_217 : memref<1x2048xi32, #tpu.memory_space<vmem_shared>> -> memref<2048xi32, #tpu.memory_space<vmem_shared>>
      %dma_wait3A_219 = arith.constant 0 : i32
      %dma_wait3A_220 = tpu.memref_slice %arg15[%arg1, %dma_wait3A_219] : memref<16x2048xi32, #tpu.memory_space<vmem_shared>> -> memref<1x2048xi32, #tpu.memory_space<vmem_shared>>
      %dma_wait3A_221 = tpu.memref_squeeze %dma_wait3A_220 : memref<1x2048xi32, #tpu.memory_space<vmem_shared>> -> memref<2048xi32, #tpu.memory_space<vmem_shared>>
      tpu.wait_dma2 semaphore(%run_scoped3A : memref<!tpu.dma_semaphore, #tpu.memory_space<semaphore_mem>>) src(%arg6 : memref<2048xi32, #tpu.memory_space<vmem>>) dst(%dma_wait3A_221 : memref<2048xi32, #tpu.memory_space<vmem_shared>>)
      tpu.yield
    }) : () -> ()
    %barrier3A_124 = arith.constant 0 : index
    tpu.barrier barrier_id(%barrier3A_124)
    %eq3A_125 = arith.constant 0 : i32
    %eq3A_126 = arith.cmpi eq, %arg1, %eq3A_125 : i32
    %convert_element_type3A_127 = arith.extui %eq3A_126 : i1 to i32
    %cond3A_128 = arith.constant 0 : i32
    %cond3A_129 = arith.constant 0 : i32
    %cond3A_130 = arith.cmpi ne, %convert_element_type3A_127, %cond3A_129 : i32
    scf.if %cond3A_130 {
      %scan3A_212 = arith.constant 0 : i32
      %scan3A_213 = arith.constant 1 : i32
      %scan3A_214 = arith.constant 15 : i32
      %scan3A_215 = arith.addi %scan3A_213, %scan3A_214 : i32
      %scan3A_216 = arith.constant 1 : i32
      %scan3A_217 = scf.for %scan3A_281 = %scan3A_213 to %scan3A_215 step %scan3A_216 iter_args(%scan3A_282 = %scan3A_212) -> (i32)  : i32 {
        "tpu.region"() ({
          %run_scoped3A = tpu.sem_alloc : memref<!tpu.dma_semaphore, #tpu.memory_space<semaphore_mem>>
          %dma_start3A = arith.constant 0 : i32
          %dma_start3A_291 = tpu.memref_slice %arg15[%scan3A_281, %dma_start3A] : memref<16x2048xi32, #tpu.memory_space<vmem_shared>> -> memref<1x2048xi32, #tpu.memory_space<vmem_shared>>
          %dma_start3A_292 = tpu.memref_squeeze %dma_start3A_291 : memref<1x2048xi32, #tpu.memory_space<vmem_shared>> -> memref<2048xi32, #tpu.memory_space<vmem_shared>>
          %dma_start3A_293 = arith.constant 0 : i32
          %dma_start3A_294 = tpu.memref_slice %arg15[%scan3A_281, %dma_start3A_293] : memref<16x2048xi32, #tpu.memory_space<vmem_shared>> -> memref<1x2048xi32, #tpu.memory_space<vmem_shared>>
          %dma_start3A_295 = tpu.memref_squeeze %dma_start3A_294 : memref<1x2048xi32, #tpu.memory_space<vmem_shared>> -> memref<2048xi32, #tpu.memory_space<vmem_shared>>
          tpu.enqueue_dma source(%dma_start3A_295 : memref<2048xi32, #tpu.memory_space<vmem_shared>>) target(%arg7 : memref<2048xi32, #tpu.memory_space<vmem>>) target_semaphore(%run_scoped3A : memref<!tpu.dma_semaphore, #tpu.memory_space<semaphore_mem>>)
          %dma_wait3A = arith.constant 0 : i32
          %dma_wait3A_296 = tpu.memref_slice %arg15[%scan3A_281, %dma_wait3A] : memref<16x2048xi32, #tpu.memory_space<vmem_shared>> -> memref<1x2048xi32, #tpu.memory_space<vmem_shared>>
          %dma_wait3A_297 = tpu.memref_squeeze %dma_wait3A_296 : memref<1x2048xi32, #tpu.memory_space<vmem_shared>> -> memref<2048xi32, #tpu.memory_space<vmem_shared>>
          %dma_wait3A_298 = arith.constant 0 : i32
          %dma_wait3A_299 = tpu.memref_slice %arg15[%scan3A_281, %dma_wait3A_298] : memref<16x2048xi32, #tpu.memory_space<vmem_shared>> -> memref<1x2048xi32, #tpu.memory_space<vmem_shared>>
          %dma_wait3A_300 = tpu.memref_squeeze %dma_wait3A_299 : memref<1x2048xi32, #tpu.memory_space<vmem_shared>> -> memref<2048xi32, #tpu.memory_space<vmem_shared>>
          tpu.wait_dma2 semaphore(%run_scoped3A : memref<!tpu.dma_semaphore, #tpu.memory_space<semaphore_mem>>) src(%dma_wait3A_300 : memref<2048xi32, #tpu.memory_space<vmem_shared>>) dst(%arg7 : memref<2048xi32, #tpu.memory_space<vmem>>)
          tpu.yield
        }) : () -> ()
        %scan3A_283 = arith.constant 0 : i32
        %scan3A_284 = arith.constant 0 : i32
        %scan3A_285 = arith.constant 128 : i32
        %scan3A_286 = arith.addi %scan3A_284, %scan3A_285 : i32
        %scan3A_287 = arith.constant 1 : i32
        %scan3A_288 = scf.for %scan3A_291 = %scan3A_284 to %scan3A_286 step %scan3A_287 iter_args(%scan3A_292 = %scan3A_283) -> (i32)  : i32 {
          %mul3A_293 = arith.constant 16 : i32
          %mul3A_294 = arith.muli %scan3A_291, %mul3A_293 : i32
          %get3A_295 = arith.index_cast %mul3A_294 : i32 to index
          %get3A_296 = tpu.vector_load %arg6[%get3A_295] {strides = array<i32>} : memref<2048xi32, #tpu.memory_space<vmem>>, vector<16xi32>,
          %mul3A_297 = arith.constant 16 : i32
          %mul3A_298 = arith.muli %scan3A_291, %mul3A_297 : i32
          %get3A_299 = arith.index_cast %mul3A_298 : i32 to index
          %get3A_300 = tpu.vector_load %arg7[%get3A_299] {strides = array<i32>} : memref<2048xi32, #tpu.memory_space<vmem>>, vector<16xi32>,
          %add3A_301 = arith.addi %get3A_296, %get3A_300 : vector<16xi32>
          %mul3A_302 = arith.constant 16 : i32
          %mul3A_303 = arith.muli %scan3A_291, %mul3A_302 : i32
          %swap3A_304 = arith.index_cast %mul3A_303 : i32 to index
          %swap3A_305 = tpu.vector_load %arg6[%swap3A_304] {strides = array<i32>} : memref<2048xi32, #tpu.memory_space<vmem>>, vector<16xi32>,
          tpu.vector_store %arg6[%swap3A_304], %add3A_301 {strides = array<i32>} : memref<2048xi32, #tpu.memory_space<vmem>>, vector<16xi32>,
          %scan3A_306 = arith.constant 0 : i32
          scf.yield %scan3A_306 : i32
        }
        %scan3A_289 = arith.constant 128 : i32
        %scan3A_290 = arith.constant 0 : i32
        scf.yield %scan3A_290 : i32
      }
      %scan3A_218 = arith.constant 15 : i32
      %scan3A_219 = arith.constant 0 : i32
      %scan3A_220 = arith.constant -1 : i32
      %scan3A_221 = arith.constant 0 : i32
      %scan3A_222 = arith.constant 0 : i32
      %scan3A_223 = arith.constant 128 : i32
      %scan3A_224 = arith.addi %scan3A_222, %scan3A_223 : i32
      %scan3A_225 = arith.constant 1 : i32
      %scan3A_226:3 = scf.for %scan3A_281 = %scan3A_222 to %scan3A_224 step %scan3A_225 iter_args(%scan3A_282 = %scan3A_219, %scan3A_283 = %scan3A_220, %scan3A_284 = %scan3A_221) -> (i32, i32, i32)  : i32 {
        %sub3A = arith.constant 127 : i32
        %sub3A_285 = arith.subi %sub3A, %scan3A_281 : i32
        %mul3A_286 = arith.constant 16 : i32
        %mul3A_287 = arith.muli %sub3A_285, %mul3A_286 : i32
        %get3A_288 = arith.index_cast %mul3A_287 : i32 to index
        %get3A_289 = tpu.vector_load %arg6[%get3A_288] {strides = array<i32>} : memref<2048xi32, #tpu.memory_space<vmem>>, vector<16xi32>,
        %reduce_sum3A_290 = arith.constant true
        %reduce_sum3A_291 = vector.broadcast %reduce_sum3A_290 : i1 to vector<16xi1>
        %reduce_sum3A_292 = tpu.scan <sum>, %get3A_289 masked %reduce_sum3A_291 : vector<16xi32>, vector<16xi1> -> vector<16xi32>
        %reduce_sum3A_293 = vector.extract %reduce_sum3A_292[15] : i32 from vector<16xi32>
        %add3A_294 = arith.addi %scan3A_282, %reduce_sum3A_293 : i32
        %add3A_295 = arith.addi %cond3A_128, %add3A_294 : i32
        %ge3A_296 = arith.constant 256 : i32
        %ge3A_297 = arith.cmpi sge, %add3A_295, %ge3A_296 : i32
        %lt3A = arith.constant 0 : i32
        %lt3A_298 = arith.cmpi slt, %scan3A_283, %lt3A : i32
        %and3A = arith.andi %ge3A_297, %lt3A_298 : i1
        %select_n3A_299 = arith.select %and3A, %sub3A_285, %scan3A_283 : i32
        %add3A_300 = arith.addi %cond3A_128, %scan3A_282 : i32
        %select_n3A_301 = arith.select %and3A, %add3A_300, %scan3A_284 : i32
        scf.yield %add3A_294, %select_n3A_299, %select_n3A_301 : i32, i32, i32
      }
      %scan3A_227 = arith.constant 128 : i32
      %mul3A_228 = arith.constant 16 : i32
      %mul3A_229 = arith.muli %scan3A_226#1, %mul3A_228 : i32
      %get3A_230 = arith.index_cast %mul3A_229 : i32 to index
      %get3A_231 = tpu.vector_load %arg6[%get3A_230] {strides = array<i32>} : memref<2048xi32, #tpu.memory_space<vmem>>, vector<16xi32>,
      %broadcast_in_dim3A_232 = arith.constant 0 : i32
      %broadcast_in_dim3A_233 = vector.broadcast %broadcast_in_dim3A_232 : i32 to vector<16xi32>
      %rev3A = arith.constant 15 : i32
      %rev3A_234 = vector.broadcast %rev3A : i32 to vector<16xi32>
      %rev3A_235 = tpu.iota {dimensions = array<i32: 0>} : vector<16xi32>
      %rev3A_236 = arith.subi %rev3A_234, %rev3A_235 : vector<16xi32>
      %rev3A_237 = tpu.dynamic_gather %get3A_231[%rev3A_236] in [0] : vector<16xi32>, vector<16xi32> -> vector<16xi32>
      %broadcast_in_dim3A_238 = arith.constant true
      %broadcast_in_dim3A_239 = vector.broadcast %broadcast_in_dim3A_238 : i1 to vector<16xi1>
      %masked_cumsum3A = tpu.scan <sum>, %rev3A_237 masked %broadcast_in_dim3A_239 : vector<16xi32>, vector<16xi1> -> vector<16xi32>
      %rev3A_240 = arith.constant 15 : i32
      %rev3A_241 = vector.broadcast %rev3A_240 : i32 to vector<16xi32>
      %rev3A_242 = tpu.iota {dimensions = array<i32: 0>} : vector<16xi32>
      %rev3A_243 = arith.subi %rev3A_241, %rev3A_242 : vector<16xi32>
      %rev3A_244 = tpu.dynamic_gather %masked_cumsum3A[%rev3A_243] in [0] : vector<16xi32>, vector<16xi32> -> vector<16xi32>
      %add3A = vector.broadcast %scan3A_226#2 : i32 to vector<16xi32>
      %add3A_245 = arith.addi %add3A, %rev3A_244 : vector<16xi32>
      %ge3A = arith.constant 256 : i32
      %ge3A_246 = vector.broadcast %ge3A : i32 to vector<16xi32>
      %ge3A_247 = arith.cmpi sge, %add3A_245, %ge3A_246 : vector<16xi32>
      %jit3A_248 = arith.constant -1 : i32
      %broadcast_in_dim3A_249 = vector.broadcast %jit3A_248 : i32 to vector<16xi32>
      %select_n3A_250 = arith.select %ge3A_247, %iota3A, %broadcast_in_dim3A_249 : vector<16xi1>, vector<16xi32>
      %reduce_max3A = arith.constant true
      %reduce_max3A_251 = vector.broadcast %reduce_max3A : i1 to vector<16xi1>
      %reduce_max3A_252 = arith.constant -2147483648 : i32
      %reduce_max3A_253 = vector.broadcast %reduce_max3A_252 : i32 to vector<16xi32>
      %reduce_max3A_254 = arith.xori %select_n3A_250, %reduce_max3A_253 : vector<16xi32>
      %reduce_max3A_255 = tpu.scan <max>, %reduce_max3A_254 masked %reduce_max3A_251 : vector<16xi32>, vector<16xi1> -> vector<16xi32>
      %reduce_max3A_256 = arith.xori %reduce_max3A_255, %reduce_max3A_253 : vector<16xi32>
      %reduce_max3A_257 = vector.extract %reduce_max3A_256[15] : i32 from vector<16xi32>
      %gt3A = vector.broadcast %reduce_max3A_257 : i32 to vector<16xi32>
      %gt3A_258 = arith.cmpi sgt, %iota3A, %gt3A : vector<16xi32>
      %select_n3A_259 = arith.select %gt3A_258, %get3A_231, %broadcast_in_dim3A_233 : vector<16xi1>, vector<16xi32>
      %reduce_sum3A = arith.constant true
      %reduce_sum3A_260 = vector.broadcast %reduce_sum3A : i1 to vector<16xi1>
      %reduce_sum3A_261 = tpu.scan <sum>, %select_n3A_259 masked %reduce_sum3A_260 : vector<16xi32>, vector<16xi1> -> vector<16xi32>
      %reduce_sum3A_262 = vector.extract %reduce_sum3A_261[15] : i32 from vector<16xi32>
      %mul3A_263 = arith.constant 16 : i32
      %mul3A_264 = arith.muli %scan3A_226#1, %mul3A_263 : i32
      %add3A_265 = arith.addi %mul3A_264, %reduce_max3A_257 : i32
      %add3A_266 = arith.addi %scan3A_226#2, %reduce_sum3A_262 : i32
      %eq3A_267 = arith.constant 0 : i32
      %eq3A_268 = vector.broadcast %eq3A_267 : i32 to vector<16xi32>
      %eq3A_269 = arith.cmpi eq, %iota3A, %eq3A_268 : vector<16xi32>
      %eq3A_270 = arith.constant 1 : i32
      %eq3A_271 = vector.broadcast %eq3A_270 : i32 to vector<16xi32>
      %eq3A_272 = arith.cmpi eq, %iota3A, %eq3A_271 : vector<16xi32>
      %jit3A_273 = arith.constant 0 : i32
      %broadcast_in_dim3A_274 = vector.broadcast %add3A_266 : i32 to vector<16xi32>
      %broadcast_in_dim3A_275 = vector.broadcast %jit3A_273 : i32 to vector<16xi32>
      %select_n3A_276 = arith.select %eq3A_272, %broadcast_in_dim3A_274, %broadcast_in_dim3A_275 : vector<16xi1>, vector<16xi32>
      %broadcast_in_dim3A_277 = vector.broadcast %add3A_265 : i32 to vector<16xi32>
      %select_n3A_278 = arith.select %eq3A_269, %broadcast_in_dim3A_277, %select_n3A_276 : vector<16xi1>, vector<16xi32>
      %swap3A_279 = arith.constant 0 : index
      %swap3A_280 = tpu.vector_load %arg8[%swap3A_279] {strides = array<i32>} : memref<16xi32, #tpu.memory_space<vmem>>, vector<16xi32>,
      tpu.vector_store %arg8[%swap3A_279], %select_n3A_278 {strides = array<i32>} : memref<16xi32, #tpu.memory_space<vmem>>, vector<16xi32>,
      "tpu.region"() ({
        %run_scoped3A = tpu.sem_alloc : memref<!tpu.dma_semaphore, #tpu.memory_space<semaphore_mem>>
        tpu.enqueue_dma source(%arg8 : memref<16xi32, #tpu.memory_space<vmem>>) target(%arg16 : memref<16xi32, #tpu.memory_space<vmem_shared>>) target_semaphore(%run_scoped3A : memref<!tpu.dma_semaphore, #tpu.memory_space<semaphore_mem>>)
        tpu.wait_dma2 semaphore(%run_scoped3A : memref<!tpu.dma_semaphore, #tpu.memory_space<semaphore_mem>>) src(%arg8 : memref<16xi32, #tpu.memory_space<vmem>>) dst(%arg16 : memref<16xi32, #tpu.memory_space<vmem_shared>>)
        tpu.yield
      }) : () -> ()
    } else {
    }
    %barrier3A_131 = arith.constant 0 : index
    tpu.barrier barrier_id(%barrier3A_131)
    "tpu.region"() ({
      %run_scoped3A = tpu.sem_alloc : memref<!tpu.dma_semaphore, #tpu.memory_space<semaphore_mem>>
      tpu.enqueue_dma source(%arg16 : memref<16xi32, #tpu.memory_space<vmem_shared>>) target(%arg8 : memref<16xi32, #tpu.memory_space<vmem>>) target_semaphore(%run_scoped3A : memref<!tpu.dma_semaphore, #tpu.memory_space<semaphore_mem>>)
      tpu.wait_dma2 semaphore(%run_scoped3A : memref<!tpu.dma_semaphore, #tpu.memory_space<semaphore_mem>>) src(%arg16 : memref<16xi32, #tpu.memory_space<vmem_shared>>) dst(%arg8 : memref<16xi32, #tpu.memory_space<vmem>>)
      tpu.yield
    }) : () -> ()
    %get3A_132 = arith.constant 0 : index
    %get3A_133 = tpu.vector_load %arg8[%get3A_132] {strides = array<i32>} : memref<16xi32, #tpu.memory_space<vmem>>, vector<16xi32>,
    %slice3A_134 = vector.extract_strided_slice %get3A_133 {offsets = [0], sizes = [1], strides = [1]} : vector<16xi32> to vector<1xi32>
    %squeeze3A_135 = vector.extract %slice3A_134[0] : i32 from vector<1xi32>
    %slice3A_136 = vector.extract_strided_slice %get3A_133 {offsets = [1], sizes = [1], strides = [1]} : vector<16xi32> to vector<1xi32>
    %squeeze3A_137 = vector.extract %slice3A_136[0] : i32 from vector<1xi32>
    %scan3A_138 = arith.constant 0 : i32
    %scan3A_139 = arith.constant 0 : i32
    %scan3A_140 = arith.constant 2048 : i32
    %scan3A_141 = arith.addi %scan3A_139, %scan3A_140 : i32
    %scan3A_142 = arith.constant 1 : i32
    %scan3A_143 = scf.for %scan3A_212 = %scan3A_139 to %scan3A_141 step %scan3A_142 iter_args(%scan3A_213 = %scan3A_138) -> (i32)  : i32 {
      %mul3A_214 = arith.constant 16 : i32
      %mul3A_215 = arith.muli %scan3A_212, %mul3A_214 : i32
      %swap3A_216 = arith.index_cast %mul3A_215 : i32 to index
      %swap3A_217 = tpu.vector_load %arg5[%swap3A_216] {strides = array<i32>} : memref<32768xi32, #tpu.memory_space<vmem>>, vector<16xi32>,
      tpu.vector_store %arg5[%swap3A_216], %broadcast_in_dim3A_2 {strides = array<i32>} : memref<32768xi32, #tpu.memory_space<vmem>>, vector<16xi32>,
      %scan3A_218 = arith.constant 0 : i32
      scf.yield %scan3A_218 : i32
    }
    %scan3A_144 = arith.constant 2048 : i32
    %scan3A_145 = arith.constant 0 : i32
    %scan3A_146 = arith.constant 0 : i32
    %scan3A_147 = arith.constant 4096 : i32
    %scan3A_148 = arith.addi %scan3A_146, %scan3A_147 : i32
    %scan3A_149 = arith.constant 1 : i32
    %scan3A_150 = scf.for %scan3A_212 = %scan3A_146 to %scan3A_148 step %scan3A_149 iter_args(%scan3A_213 = %scan3A_145) -> (i32)  : i32 {
      %mul3A_214 = arith.constant 16 : i32
      %mul3A_215 = arith.muli %scan3A_212, %mul3A_214 : i32
      %get3A_216 = arith.index_cast %mul3A_215 : i32 to index
      %get3A_217 = tpu.vector_load %arg4[%get3A_216] {strides = array<i32>} : memref<65536xf32, #tpu.memory_space<vmem>>, vector<16xf32>,
      %bitcast_convert_type3A = tpu.bitcast %get3A_217 : vector<16xf32> -> vector<16xi32>
      %sub3A = arith.constant 2147483647 : i32
      %sub3A_218 = vector.broadcast %sub3A : i32 to vector<16xi32>
      %sub3A_219 = arith.subi %sub3A_218, %bitcast_convert_type3A : vector<16xi32>
      %mul3A_220 = arith.constant 16 : i32
      %mul3A_221 = arith.muli %scan3A_212, %mul3A_220 : i32
      %add3A = vector.broadcast %mul3A_221 : i32 to vector<16xi32>
      %add3A_222 = arith.addi %add3A, %iota3A : vector<16xi32>
      %and3A = arith.constant 1023 : i32
      %and3A_223 = vector.broadcast %and3A : i32 to vector<16xi32>
      %and3A_224 = arith.andi %add3A_222, %and3A_223 : vector<16xi32>
      %mul3A_225 = arith.constant 64 : i32
      %mul3A_226 = arith.muli %arg1, %mul3A_225 : i32
      %shift_right_arithmetic3A = arith.constant 10 : i32
      %shift_right_arithmetic3A_227 = vector.broadcast %shift_right_arithmetic3A : i32 to vector<16xi32>
      %shift_right_arithmetic3A_228 = arith.shrsi %add3A_222, %shift_right_arithmetic3A_227 : vector<16xi32>
      %add3A_229 = vector.broadcast %mul3A_226 : i32 to vector<16xi32>
      %add3A_230 = arith.addi %add3A_229, %shift_right_arithmetic3A_228 : vector<16xi32>
      %eq3A_231 = arith.cmpi eq, %and3A_224, %add3A_230 : vector<16xi32>
      %not3A = arith.constant dense<true> : vector<16xi1>
      %not3A_232 = arith.xori %eq3A_231, %not3A : vector<16xi1>
      %shift_right_arithmetic3A_233 = arith.constant 10 : i32
      %shift_right_arithmetic3A_234 = vector.broadcast %shift_right_arithmetic3A_233 : i32 to vector<16xi32>
      %shift_right_arithmetic3A_235 = arith.shrsi %sub3A_219, %shift_right_arithmetic3A_234 : vector<16xi32>
      %and3A_236 = arith.constant 2047 : i32
      %and3A_237 = vector.broadcast %and3A_236 : i32 to vector<16xi32>
      %and3A_238 = arith.andi %shift_right_arithmetic3A_235, %and3A_237 : vector<16xi32>
      %shift_right_arithmetic3A_239 = arith.constant 21 : i32
      %shift_right_arithmetic3A_240 = vector.broadcast %shift_right_arithmetic3A_239 : i32 to vector<16xi32>
      %shift_right_arithmetic3A_241 = arith.shrsi %sub3A_219, %shift_right_arithmetic3A_240 : vector<16xi32>
      %eq3A_242 = vector.broadcast %squeeze3A_135 : i32 to vector<16xi32>
      %eq3A_243 = arith.cmpi eq, %shift_right_arithmetic3A_241, %eq3A_242 : vector<16xi32>
      %and3A_244 = arith.andi %eq3A_243, %not3A_232 : vector<16xi1>
      %add3A_245 = arith.addi %and3A_238, %mul3A_4 : vector<16xi32>
      tpu.vector_store_idx %arg5[%add3A_245], %broadcast_in_dim3A_0 masked %and3A_244 {add = true} : memref<32768xi32, #tpu.memory_space<vmem>>[vector<16xi32>], vector<16xi32>, vector<16xi1>
      %scan3A_246 = arith.constant 0 : i32
      scf.yield %scan3A_246 : i32
    }
    %scan3A_151 = arith.constant 4096 : i32
    %scan3A_152 = arith.constant 0 : i32
    %scan3A_153 = arith.constant 0 : i32
    %scan3A_154 = arith.constant 128 : i32
    %scan3A_155 = arith.addi %scan3A_153, %scan3A_154 : i32
    %scan3A_156 = arith.constant 1 : i32
    %scan3A_157 = scf.for %scan3A_212 = %scan3A_153 to %scan3A_155 step %scan3A_156 iter_args(%scan3A_213 = %scan3A_152) -> (i32)  : i32 {
      %mul3A_214 = arith.constant 16 : i32
      %mul3A_215 = arith.muli %scan3A_212, %mul3A_214 : i32
      %add3A = arith.constant 0 : i32
      %add3A_216 = arith.addi %add3A, %mul3A_215 : i32
      %get3A_217 = arith.index_cast %add3A_216 : i32 to index
      %get3A_218 = tpu.vector_load %arg5[%get3A_217] {strides = array<i32>} : memref<32768xi32, #tpu.memory_space<vmem>>, vector<16xi32>,
      %add3A_219 = arith.addi %broadcast_in_dim3A_2, %get3A_218 : vector<16xi32>
      %mul3A_220 = arith.constant 16 : i32
      %mul3A_221 = arith.muli %scan3A_212, %mul3A_220 : i32
      %add3A_222 = arith.constant 2048 : i32
      %add3A_223 = arith.addi %add3A_222, %mul3A_221 : i32
      %get3A_224 = arith.index_cast %add3A_223 : i32 to index
      %get3A_225 = tpu.vector_load %arg5[%get3A_224] {strides = array<i32>} : memref<32768xi32, #tpu.memory_space<vmem>>, vector<16xi32>,
      %add3A_226 = arith.addi %add3A_219, %get3A_225 : vector<16xi32>
      %mul3A_227 = arith.constant 16 : i32
      %mul3A_228 = arith.muli %scan3A_212, %mul3A_227 : i32
      %add3A_229 = arith.constant 4096 : i32
      %add3A_230 = arith.addi %add3A_229, %mul3A_228 : i32
      %get3A_231 = arith.index_cast %add3A_230 : i32 to index
      %get3A_232 = tpu.vector_load %arg5[%get3A_231] {strides = array<i32>} : memref<32768xi32, #tpu.memory_space<vmem>>, vector<16xi32>,
      %add3A_233 = arith.addi %add3A_226, %get3A_232 : vector<16xi32>
      %mul3A_234 = arith.constant 16 : i32
      %mul3A_235 = arith.muli %scan3A_212, %mul3A_234 : i32
      %add3A_236 = arith.constant 6144 : i32
      %add3A_237 = arith.addi %add3A_236, %mul3A_235 : i32
      %get3A_238 = arith.index_cast %add3A_237 : i32 to index
      %get3A_239 = tpu.vector_load %arg5[%get3A_238] {strides = array<i32>} : memref<32768xi32, #tpu.memory_space<vmem>>, vector<16xi32>,
      %add3A_240 = arith.addi %add3A_233, %get3A_239 : vector<16xi32>
      %mul3A_241 = arith.constant 16 : i32
      %mul3A_242 = arith.muli %scan3A_212, %mul3A_241 : i32
      %add3A_243 = arith.constant 8192 : i32
      %add3A_244 = arith.addi %add3A_243, %mul3A_242 : i32
      %get3A_245 = arith.index_cast %add3A_244 : i32 to index
      %get3A_246 = tpu.vector_load %arg5[%get3A_245] {strides = array<i32>} : memref<32768xi32, #tpu.memory_space<vmem>>, vector<16xi32>,
      %add3A_247 = arith.addi %add3A_240, %get3A_246 : vector<16xi32>
      %mul3A_248 = arith.constant 16 : i32
      %mul3A_249 = arith.muli %scan3A_212, %mul3A_248 : i32
      %add3A_250 = arith.constant 10240 : i32
      %add3A_251 = arith.addi %add3A_250, %mul3A_249 : i32
      %get3A_252 = arith.index_cast %add3A_251 : i32 to index
      %get3A_253 = tpu.vector_load %arg5[%get3A_252] {strides = array<i32>} : memref<32768xi32, #tpu.memory_space<vmem>>, vector<16xi32>,
      %add3A_254 = arith.addi %add3A_247, %get3A_253 : vector<16xi32>
      %mul3A_255 = arith.constant 16 : i32
      %mul3A_256 = arith.muli %scan3A_212, %mul3A_255 : i32
      %add3A_257 = arith.constant 12288 : i32
      %add3A_258 = arith.addi %add3A_257, %mul3A_256 : i32
      %get3A_259 = arith.index_cast %add3A_258 : i32 to index
      %get3A_260 = tpu.vector_load %arg5[%get3A_259] {strides = array<i32>} : memref<32768xi32, #tpu.memory_space<vmem>>, vector<16xi32>,
      %add3A_261 = arith.addi %add3A_254, %get3A_260 : vector<16xi32>
      %mul3A_262 = arith.constant 16 : i32
      %mul3A_263 = arith.muli %scan3A_212, %mul3A_262 : i32
      %add3A_264 = arith.constant 14336 : i32
      %add3A_265 = arith.addi %add3A_264, %mul3A_263 : i32
      %get3A_266 = arith.index_cast %add3A_265 : i32 to index
      %get3A_267 = tpu.vector_load %arg5[%get3A_266] {strides = array<i32>} : memref<32768xi32, #tpu.memory_space<vmem>>, vector<16xi32>,
      %add3A_268 = arith.addi %add3A_261, %get3A_267 : vector<16xi32>
      %mul3A_269 = arith.constant 16 : i32
      %mul3A_270 = arith.muli %scan3A_212, %mul3A_269 : i32
      %add3A_271 = arith.constant 16384 : i32
      %add3A_272 = arith.addi %add3A_271, %mul3A_270 : i32
      %get3A_273 = arith.index_cast %add3A_272 : i32 to index
      %get3A_274 = tpu.vector_load %arg5[%get3A_273] {strides = array<i32>} : memref<32768xi32, #tpu.memory_space<vmem>>, vector<16xi32>,
      %add3A_275 = arith.addi %add3A_268, %get3A_274 : vector<16xi32>
      %mul3A_276 = arith.constant 16 : i32
      %mul3A_277 = arith.muli %scan3A_212, %mul3A_276 : i32
      %add3A_278 = arith.constant 18432 : i32
      %add3A_279 = arith.addi %add3A_278, %mul3A_277 : i32
      %get3A_280 = arith.index_cast %add3A_279 : i32 to index
      %get3A_281 = tpu.vector_load %arg5[%get3A_280] {strides = array<i32>} : memref<32768xi32, #tpu.memory_space<vmem>>, vector<16xi32>,
      %add3A_282 = arith.addi %add3A_275, %get3A_281 : vector<16xi32>
      %mul3A_283 = arith.constant 16 : i32
      %mul3A_284 = arith.muli %scan3A_212, %mul3A_283 : i32
      %add3A_285 = arith.constant 20480 : i32
      %add3A_286 = arith.addi %add3A_285, %mul3A_284 : i32
      %get3A_287 = arith.index_cast %add3A_286 : i32 to index
      %get3A_288 = tpu.vector_load %arg5[%get3A_287] {strides = array<i32>} : memref<32768xi32, #tpu.memory_space<vmem>>, vector<16xi32>,
      %add3A_289 = arith.addi %add3A_282, %get3A_288 : vector<16xi32>
      %mul3A_290 = arith.constant 16 : i32
      %mul3A_291 = arith.muli %scan3A_212, %mul3A_290 : i32
      %add3A_292 = arith.constant 22528 : i32
      %add3A_293 = arith.addi %add3A_292, %mul3A_291 : i32
      %get3A_294 = arith.index_cast %add3A_293 : i32 to index
      %get3A_295 = tpu.vector_load %arg5[%get3A_294] {strides = array<i32>} : memref<32768xi32, #tpu.memory_space<vmem>>, vector<16xi32>,
      %add3A_296 = arith.addi %add3A_289, %get3A_295 : vector<16xi32>
      %mul3A_297 = arith.constant 16 : i32
      %mul3A_298 = arith.muli %scan3A_212, %mul3A_297 : i32
      %add3A_299 = arith.constant 24576 : i32
      %add3A_300 = arith.addi %add3A_299, %mul3A_298 : i32
      %get3A_301 = arith.index_cast %add3A_300 : i32 to index
      %get3A_302 = tpu.vector_load %arg5[%get3A_301] {strides = array<i32>} : memref<32768xi32, #tpu.memory_space<vmem>>, vector<16xi32>,
      %add3A_303 = arith.addi %add3A_296, %get3A_302 : vector<16xi32>
      %mul3A_304 = arith.constant 16 : i32
      %mul3A_305 = arith.muli %scan3A_212, %mul3A_304 : i32
      %add3A_306 = arith.constant 26624 : i32
      %add3A_307 = arith.addi %add3A_306, %mul3A_305 : i32
      %get3A_308 = arith.index_cast %add3A_307 : i32 to index
      %get3A_309 = tpu.vector_load %arg5[%get3A_308] {strides = array<i32>} : memref<32768xi32, #tpu.memory_space<vmem>>, vector<16xi32>,
      %add3A_310 = arith.addi %add3A_303, %get3A_309 : vector<16xi32>
      %mul3A_311 = arith.constant 16 : i32
      %mul3A_312 = arith.muli %scan3A_212, %mul3A_311 : i32
      %add3A_313 = arith.constant 28672 : i32
      %add3A_314 = arith.addi %add3A_313, %mul3A_312 : i32
      %get3A_315 = arith.index_cast %add3A_314 : i32 to index
      %get3A_316 = tpu.vector_load %arg5[%get3A_315] {strides = array<i32>} : memref<32768xi32, #tpu.memory_space<vmem>>, vector<16xi32>,
      %add3A_317 = arith.addi %add3A_310, %get3A_316 : vector<16xi32>
      %mul3A_318 = arith.constant 16 : i32
      %mul3A_319 = arith.muli %scan3A_212, %mul3A_318 : i32
      %add3A_320 = arith.constant 30720 : i32
      %add3A_321 = arith.addi %add3A_320, %mul3A_319 : i32
      %get3A_322 = arith.index_cast %add3A_321 : i32 to index
      %get3A_323 = tpu.vector_load %arg5[%get3A_322] {strides = array<i32>} : memref<32768xi32, #tpu.memory_space<vmem>>, vector<16xi32>,
      %add3A_324 = arith.addi %add3A_317, %get3A_323 : vector<16xi32>
      %mul3A_325 = arith.constant 16 : i32
      %mul3A_326 = arith.muli %scan3A_212, %mul3A_325 : i32
      %swap3A_327 = arith.index_cast %mul3A_326 : i32 to index
      %swap3A_328 = tpu.vector_load %arg6[%swap3A_327] {strides = array<i32>} : memref<2048xi32, #tpu.memory_space<vmem>>, vector<16xi32>,
      tpu.vector_store %arg6[%swap3A_327], %add3A_324 {strides = array<i32>} : memref<2048xi32, #tpu.memory_space<vmem>>, vector<16xi32>,
      %scan3A_329 = arith.constant 0 : i32
      scf.yield %scan3A_329 : i32
    }
    %scan3A_158 = arith.constant 128 : i32
    "tpu.region"() ({
      %run_scoped3A = tpu.sem_alloc : memref<!tpu.dma_semaphore, #tpu.memory_space<semaphore_mem>>
      %dma_start3A = arith.constant 0 : i32
      %dma_start3A_212 = tpu.memref_slice %arg15[%arg1, %dma_start3A] : memref<16x2048xi32, #tpu.memory_space<vmem_shared>> -> memref<1x2048xi32, #tpu.memory_space<vmem_shared>>
      %dma_start3A_213 = tpu.memref_squeeze %dma_start3A_212 : memref<1x2048xi32, #tpu.memory_space<vmem_shared>> -> memref<2048xi32, #tpu.memory_space<vmem_shared>>
      %dma_start3A_214 = arith.constant 0 : i32
      %dma_start3A_215 = tpu.memref_slice %arg15[%arg1, %dma_start3A_214] : memref<16x2048xi32, #tpu.memory_space<vmem_shared>> -> memref<1x2048xi32, #tpu.memory_space<vmem_shared>>
      %dma_start3A_216 = tpu.memref_squeeze %dma_start3A_215 : memref<1x2048xi32, #tpu.memory_space<vmem_shared>> -> memref<2048xi32, #tpu.memory_space<vmem_shared>>
      tpu.enqueue_dma source(%arg6 : memref<2048xi32, #tpu.memory_space<vmem>>) target(%dma_start3A_216 : memref<2048xi32, #tpu.memory_space<vmem_shared>>) target_semaphore(%run_scoped3A : memref<!tpu.dma_semaphore, #tpu.memory_space<semaphore_mem>>)
      %dma_wait3A = arith.constant 0 : i32
      %dma_wait3A_217 = tpu.memref_slice %arg15[%arg1, %dma_wait3A] : memref<16x2048xi32, #tpu.memory_space<vmem_shared>> -> memref<1x2048xi32, #tpu.memory_space<vmem_shared>>
      %dma_wait3A_218 = tpu.memref_squeeze %dma_wait3A_217 : memref<1x2048xi32, #tpu.memory_space<vmem_shared>> -> memref<2048xi32, #tpu.memory_space<vmem_shared>>
      %dma_wait3A_219 = arith.constant 0 : i32
      %dma_wait3A_220 = tpu.memref_slice %arg15[%arg1, %dma_wait3A_219] : memref<16x2048xi32, #tpu.memory_space<vmem_shared>> -> memref<1x2048xi32, #tpu.memory_space<vmem_shared>>
      %dma_wait3A_221 = tpu.memref_squeeze %dma_wait3A_220 : memref<1x2048xi32, #tpu.memory_space<vmem_shared>> -> memref<2048xi32, #tpu.memory_space<vmem_shared>>
      tpu.wait_dma2 semaphore(%run_scoped3A : memref<!tpu.dma_semaphore, #tpu.memory_space<semaphore_mem>>) src(%arg6 : memref<2048xi32, #tpu.memory_space<vmem>>) dst(%dma_wait3A_221 : memref<2048xi32, #tpu.memory_space<vmem_shared>>)
      tpu.yield
    }) : () -> ()
    %barrier3A_159 = arith.constant 0 : index
    tpu.barrier barrier_id(%barrier3A_159)
    %eq3A_160 = arith.constant 0 : i32
    %eq3A_161 = arith.cmpi eq, %arg1, %eq3A_160 : i32
    %convert_element_type3A_162 = arith.extui %eq3A_161 : i1 to i32
    %cond3A_163 = arith.constant 0 : i32
    %cond3A_164 = arith.cmpi ne, %convert_element_type3A_162, %cond3A_163 : i32
    scf.if %cond3A_164 {
      %scan3A_212 = arith.constant 0 : i32
      %scan3A_213 = arith.constant 1 : i32
      %scan3A_214 = arith.constant 15 : i32
      %scan3A_215 = arith.addi %scan3A_213, %scan3A_214 : i32
      %scan3A_216 = arith.constant 1 : i32
      %scan3A_217 = scf.for %scan3A_281 = %scan3A_213 to %scan3A_215 step %scan3A_216 iter_args(%scan3A_282 = %scan3A_212) -> (i32)  : i32 {
        "tpu.region"() ({
          %run_scoped3A = tpu.sem_alloc : memref<!tpu.dma_semaphore, #tpu.memory_space<semaphore_mem>>
          %dma_start3A = arith.constant 0 : i32
          %dma_start3A_291 = tpu.memref_slice %arg15[%scan3A_281, %dma_start3A] : memref<16x2048xi32, #tpu.memory_space<vmem_shared>> -> memref<1x2048xi32, #tpu.memory_space<vmem_shared>>
          %dma_start3A_292 = tpu.memref_squeeze %dma_start3A_291 : memref<1x2048xi32, #tpu.memory_space<vmem_shared>> -> memref<2048xi32, #tpu.memory_space<vmem_shared>>
          %dma_start3A_293 = arith.constant 0 : i32
          %dma_start3A_294 = tpu.memref_slice %arg15[%scan3A_281, %dma_start3A_293] : memref<16x2048xi32, #tpu.memory_space<vmem_shared>> -> memref<1x2048xi32, #tpu.memory_space<vmem_shared>>
          %dma_start3A_295 = tpu.memref_squeeze %dma_start3A_294 : memref<1x2048xi32, #tpu.memory_space<vmem_shared>> -> memref<2048xi32, #tpu.memory_space<vmem_shared>>
          tpu.enqueue_dma source(%dma_start3A_295 : memref<2048xi32, #tpu.memory_space<vmem_shared>>) target(%arg7 : memref<2048xi32, #tpu.memory_space<vmem>>) target_semaphore(%run_scoped3A : memref<!tpu.dma_semaphore, #tpu.memory_space<semaphore_mem>>)
          %dma_wait3A = arith.constant 0 : i32
          %dma_wait3A_296 = tpu.memref_slice %arg15[%scan3A_281, %dma_wait3A] : memref<16x2048xi32, #tpu.memory_space<vmem_shared>> -> memref<1x2048xi32, #tpu.memory_space<vmem_shared>>
          %dma_wait3A_297 = tpu.memref_squeeze %dma_wait3A_296 : memref<1x2048xi32, #tpu.memory_space<vmem_shared>> -> memref<2048xi32, #tpu.memory_space<vmem_shared>>
          %dma_wait3A_298 = arith.constant 0 : i32
          %dma_wait3A_299 = tpu.memref_slice %arg15[%scan3A_281, %dma_wait3A_298] : memref<16x2048xi32, #tpu.memory_space<vmem_shared>> -> memref<1x2048xi32, #tpu.memory_space<vmem_shared>>
          %dma_wait3A_300 = tpu.memref_squeeze %dma_wait3A_299 : memref<1x2048xi32, #tpu.memory_space<vmem_shared>> -> memref<2048xi32, #tpu.memory_space<vmem_shared>>
          tpu.wait_dma2 semaphore(%run_scoped3A : memref<!tpu.dma_semaphore, #tpu.memory_space<semaphore_mem>>) src(%dma_wait3A_300 : memref<2048xi32, #tpu.memory_space<vmem_shared>>) dst(%arg7 : memref<2048xi32, #tpu.memory_space<vmem>>)
          tpu.yield
        }) : () -> ()
        %scan3A_283 = arith.constant 0 : i32
        %scan3A_284 = arith.constant 0 : i32
        %scan3A_285 = arith.constant 128 : i32
        %scan3A_286 = arith.addi %scan3A_284, %scan3A_285 : i32
        %scan3A_287 = arith.constant 1 : i32
        %scan3A_288 = scf.for %scan3A_291 = %scan3A_284 to %scan3A_286 step %scan3A_287 iter_args(%scan3A_292 = %scan3A_283) -> (i32)  : i32 {
          %mul3A_293 = arith.constant 16 : i32
          %mul3A_294 = arith.muli %scan3A_291, %mul3A_293 : i32
          %get3A_295 = arith.index_cast %mul3A_294 : i32 to index
          %get3A_296 = tpu.vector_load %arg6[%get3A_295] {strides = array<i32>} : memref<2048xi32, #tpu.memory_space<vmem>>, vector<16xi32>,
          %mul3A_297 = arith.constant 16 : i32
          %mul3A_298 = arith.muli %scan3A_291, %mul3A_297 : i32
          %get3A_299 = arith.index_cast %mul3A_298 : i32 to index
          %get3A_300 = tpu.vector_load %arg7[%get3A_299] {strides = array<i32>} : memref<2048xi32, #tpu.memory_space<vmem>>, vector<16xi32>,
          %add3A_301 = arith.addi %get3A_296, %get3A_300 : vector<16xi32>
          %mul3A_302 = arith.constant 16 : i32
          %mul3A_303 = arith.muli %scan3A_291, %mul3A_302 : i32
          %swap3A_304 = arith.index_cast %mul3A_303 : i32 to index
          %swap3A_305 = tpu.vector_load %arg6[%swap3A_304] {strides = array<i32>} : memref<2048xi32, #tpu.memory_space<vmem>>, vector<16xi32>,
          tpu.vector_store %arg6[%swap3A_304], %add3A_301 {strides = array<i32>} : memref<2048xi32, #tpu.memory_space<vmem>>, vector<16xi32>,
          %scan3A_306 = arith.constant 0 : i32
          scf.yield %scan3A_306 : i32
        }
        %scan3A_289 = arith.constant 128 : i32
        %scan3A_290 = arith.constant 0 : i32
        scf.yield %scan3A_290 : i32
      }
      %scan3A_218 = arith.constant 15 : i32
      %scan3A_219 = arith.constant 0 : i32
      %scan3A_220 = arith.constant -1 : i32
      %scan3A_221 = arith.constant 0 : i32
      %scan3A_222 = arith.constant 0 : i32
      %scan3A_223 = arith.constant 128 : i32
      %scan3A_224 = arith.addi %scan3A_222, %scan3A_223 : i32
      %scan3A_225 = arith.constant 1 : i32
      %scan3A_226:3 = scf.for %scan3A_281 = %scan3A_222 to %scan3A_224 step %scan3A_225 iter_args(%scan3A_282 = %scan3A_219, %scan3A_283 = %scan3A_220, %scan3A_284 = %scan3A_221) -> (i32, i32, i32)  : i32 {
        %sub3A = arith.constant 127 : i32
        %sub3A_285 = arith.subi %sub3A, %scan3A_281 : i32
        %mul3A_286 = arith.constant 16 : i32
        %mul3A_287 = arith.muli %sub3A_285, %mul3A_286 : i32
        %get3A_288 = arith.index_cast %mul3A_287 : i32 to index
        %get3A_289 = tpu.vector_load %arg6[%get3A_288] {strides = array<i32>} : memref<2048xi32, #tpu.memory_space<vmem>>, vector<16xi32>,
        %reduce_sum3A_290 = arith.constant true
        %reduce_sum3A_291 = vector.broadcast %reduce_sum3A_290 : i1 to vector<16xi1>
        %reduce_sum3A_292 = tpu.scan <sum>, %get3A_289 masked %reduce_sum3A_291 : vector<16xi32>, vector<16xi1> -> vector<16xi32>
        %reduce_sum3A_293 = vector.extract %reduce_sum3A_292[15] : i32 from vector<16xi32>
        %add3A_294 = arith.addi %scan3A_282, %reduce_sum3A_293 : i32
        %add3A_295 = arith.addi %squeeze3A_137, %add3A_294 : i32
        %ge3A_296 = arith.constant 256 : i32
        %ge3A_297 = arith.cmpi sge, %add3A_295, %ge3A_296 : i32
        %lt3A = arith.constant 0 : i32
        %lt3A_298 = arith.cmpi slt, %scan3A_283, %lt3A : i32
        %and3A = arith.andi %ge3A_297, %lt3A_298 : i1
        %select_n3A_299 = arith.select %and3A, %sub3A_285, %scan3A_283 : i32
        %add3A_300 = arith.addi %squeeze3A_137, %scan3A_282 : i32
        %select_n3A_301 = arith.select %and3A, %add3A_300, %scan3A_284 : i32
        scf.yield %add3A_294, %select_n3A_299, %select_n3A_301 : i32, i32, i32
      }
      %scan3A_227 = arith.constant 128 : i32
      %mul3A_228 = arith.constant 16 : i32
      %mul3A_229 = arith.muli %scan3A_226#1, %mul3A_228 : i32
      %get3A_230 = arith.index_cast %mul3A_229 : i32 to index
      %get3A_231 = tpu.vector_load %arg6[%get3A_230] {strides = array<i32>} : memref<2048xi32, #tpu.memory_space<vmem>>, vector<16xi32>,
      %broadcast_in_dim3A_232 = arith.constant 0 : i32
      %broadcast_in_dim3A_233 = vector.broadcast %broadcast_in_dim3A_232 : i32 to vector<16xi32>
      %rev3A = arith.constant 15 : i32
      %rev3A_234 = vector.broadcast %rev3A : i32 to vector<16xi32>
      %rev3A_235 = tpu.iota {dimensions = array<i32: 0>} : vector<16xi32>
      %rev3A_236 = arith.subi %rev3A_234, %rev3A_235 : vector<16xi32>
      %rev3A_237 = tpu.dynamic_gather %get3A_231[%rev3A_236] in [0] : vector<16xi32>, vector<16xi32> -> vector<16xi32>
      %broadcast_in_dim3A_238 = arith.constant true
      %broadcast_in_dim3A_239 = vector.broadcast %broadcast_in_dim3A_238 : i1 to vector<16xi1>
      %masked_cumsum3A = tpu.scan <sum>, %rev3A_237 masked %broadcast_in_dim3A_239 : vector<16xi32>, vector<16xi1> -> vector<16xi32>
      %rev3A_240 = arith.constant 15 : i32
      %rev3A_241 = vector.broadcast %rev3A_240 : i32 to vector<16xi32>
      %rev3A_242 = tpu.iota {dimensions = array<i32: 0>} : vector<16xi32>
      %rev3A_243 = arith.subi %rev3A_241, %rev3A_242 : vector<16xi32>
      %rev3A_244 = tpu.dynamic_gather %masked_cumsum3A[%rev3A_243] in [0] : vector<16xi32>, vector<16xi32> -> vector<16xi32>
      %add3A = vector.broadcast %scan3A_226#2 : i32 to vector<16xi32>
      %add3A_245 = arith.addi %add3A, %rev3A_244 : vector<16xi32>
      %ge3A = arith.constant 256 : i32
      %ge3A_246 = vector.broadcast %ge3A : i32 to vector<16xi32>
      %ge3A_247 = arith.cmpi sge, %add3A_245, %ge3A_246 : vector<16xi32>
      %jit3A_248 = arith.constant -1 : i32
      %broadcast_in_dim3A_249 = vector.broadcast %jit3A_248 : i32 to vector<16xi32>
      %select_n3A_250 = arith.select %ge3A_247, %iota3A, %broadcast_in_dim3A_249 : vector<16xi1>, vector<16xi32>
      %reduce_max3A = arith.constant true
      %reduce_max3A_251 = vector.broadcast %reduce_max3A : i1 to vector<16xi1>
      %reduce_max3A_252 = arith.constant -2147483648 : i32
      %reduce_max3A_253 = vector.broadcast %reduce_max3A_252 : i32 to vector<16xi32>
      %reduce_max3A_254 = arith.xori %select_n3A_250, %reduce_max3A_253 : vector<16xi32>
      %reduce_max3A_255 = tpu.scan <max>, %reduce_max3A_254 masked %reduce_max3A_251 : vector<16xi32>, vector<16xi1> -> vector<16xi32>
      %reduce_max3A_256 = arith.xori %reduce_max3A_255, %reduce_max3A_253 : vector<16xi32>
      %reduce_max3A_257 = vector.extract %reduce_max3A_256[15] : i32 from vector<16xi32>
      %gt3A = vector.broadcast %reduce_max3A_257 : i32 to vector<16xi32>
      %gt3A_258 = arith.cmpi sgt, %iota3A, %gt3A : vector<16xi32>
      %select_n3A_259 = arith.select %gt3A_258, %get3A_231, %broadcast_in_dim3A_233 : vector<16xi1>, vector<16xi32>
      %reduce_sum3A = arith.constant true
      %reduce_sum3A_260 = vector.broadcast %reduce_sum3A : i1 to vector<16xi1>
      %reduce_sum3A_261 = tpu.scan <sum>, %select_n3A_259 masked %reduce_sum3A_260 : vector<16xi32>, vector<16xi1> -> vector<16xi32>
      %reduce_sum3A_262 = vector.extract %reduce_sum3A_261[15] : i32 from vector<16xi32>
      %mul3A_263 = arith.constant 16 : i32
      %mul3A_264 = arith.muli %scan3A_226#1, %mul3A_263 : i32
      %add3A_265 = arith.addi %mul3A_264, %reduce_max3A_257 : i32
      %add3A_266 = arith.addi %scan3A_226#2, %reduce_sum3A_262 : i32
      %eq3A_267 = arith.constant 0 : i32
      %eq3A_268 = vector.broadcast %eq3A_267 : i32 to vector<16xi32>
      %eq3A_269 = arith.cmpi eq, %iota3A, %eq3A_268 : vector<16xi32>
      %eq3A_270 = arith.constant 1 : i32
      %eq3A_271 = vector.broadcast %eq3A_270 : i32 to vector<16xi32>
      %eq3A_272 = arith.cmpi eq, %iota3A, %eq3A_271 : vector<16xi32>
      %jit3A_273 = arith.constant 0 : i32
      %broadcast_in_dim3A_274 = vector.broadcast %add3A_266 : i32 to vector<16xi32>
      %broadcast_in_dim3A_275 = vector.broadcast %jit3A_273 : i32 to vector<16xi32>
      %select_n3A_276 = arith.select %eq3A_272, %broadcast_in_dim3A_274, %broadcast_in_dim3A_275 : vector<16xi1>, vector<16xi32>
      %broadcast_in_dim3A_277 = vector.broadcast %add3A_265 : i32 to vector<16xi32>
      %select_n3A_278 = arith.select %eq3A_269, %broadcast_in_dim3A_277, %select_n3A_276 : vector<16xi1>, vector<16xi32>
      %swap3A_279 = arith.constant 0 : index
      %swap3A_280 = tpu.vector_load %arg8[%swap3A_279] {strides = array<i32>} : memref<16xi32, #tpu.memory_space<vmem>>, vector<16xi32>,
      tpu.vector_store %arg8[%swap3A_279], %select_n3A_278 {strides = array<i32>} : memref<16xi32, #tpu.memory_space<vmem>>, vector<16xi32>,
      "tpu.region"() ({
        %run_scoped3A = tpu.sem_alloc : memref<!tpu.dma_semaphore, #tpu.memory_space<semaphore_mem>>
        tpu.enqueue_dma source(%arg8 : memref<16xi32, #tpu.memory_space<vmem>>) target(%arg16 : memref<16xi32, #tpu.memory_space<vmem_shared>>) target_semaphore(%run_scoped3A : memref<!tpu.dma_semaphore, #tpu.memory_space<semaphore_mem>>)
        tpu.wait_dma2 semaphore(%run_scoped3A : memref<!tpu.dma_semaphore, #tpu.memory_space<semaphore_mem>>) src(%arg8 : memref<16xi32, #tpu.memory_space<vmem>>) dst(%arg16 : memref<16xi32, #tpu.memory_space<vmem_shared>>)
        tpu.yield
      }) : () -> ()
    } else {
    }
    %barrier3A_165 = arith.constant 0 : index
    tpu.barrier barrier_id(%barrier3A_165)
    "tpu.region"() ({
      %run_scoped3A = tpu.sem_alloc : memref<!tpu.dma_semaphore, #tpu.memory_space<semaphore_mem>>
      tpu.enqueue_dma source(%arg16 : memref<16xi32, #tpu.memory_space<vmem_shared>>) target(%arg8 : memref<16xi32, #tpu.memory_space<vmem>>) target_semaphore(%run_scoped3A : memref<!tpu.dma_semaphore, #tpu.memory_space<semaphore_mem>>)
      tpu.wait_dma2 semaphore(%run_scoped3A : memref<!tpu.dma_semaphore, #tpu.memory_space<semaphore_mem>>) src(%arg16 : memref<16xi32, #tpu.memory_space<vmem_shared>>) dst(%arg8 : memref<16xi32, #tpu.memory_space<vmem>>)
      tpu.yield
    }) : () -> ()
    %get3A_166 = arith.constant 0 : index
    %get3A_167 = tpu.vector_load %arg8[%get3A_166] {strides = array<i32>} : memref<16xi32, #tpu.memory_space<vmem>>, vector<16xi32>,
    %slice3A_168 = vector.extract_strided_slice %get3A_167 {offsets = [0], sizes = [1], strides = [1]} : vector<16xi32> to vector<1xi32>
    %squeeze3A_169 = vector.extract %slice3A_168[0] : i32 from vector<1xi32>
    %slice3A_170 = vector.extract_strided_slice %get3A_167 {offsets = [1], sizes = [1], strides = [1]} : vector<16xi32> to vector<1xi32>
    %squeeze3A_171 = vector.extract %slice3A_170[0] : i32 from vector<1xi32>
    %shift_left3A_172 = arith.constant 11 : i32
    %shift_left3A_173 = arith.shli %squeeze3A_135, %shift_left3A_172 : i32
    %or3A_174 = arith.ori %shift_left3A_173, %squeeze3A_169 : i32
    %shift_left3A_175 = arith.constant 10 : i32
    %shift_left3A_176 = arith.shli %or3A_174, %shift_left3A_175 : i32
    %scan3A_177 = arith.constant 0 : i32
    %scan3A_178 = arith.constant 0 : i32
    %scan3A_179 = arith.constant 0 : i32
    %scan3A_180 = arith.constant 4096 : i32
    %scan3A_181 = arith.addi %scan3A_179, %scan3A_180 : i32
    %scan3A_182 = arith.constant 1 : i32
    %scan3A_183:2 = scf.for %scan3A_212 = %scan3A_179 to %scan3A_181 step %scan3A_182 iter_args(%scan3A_213 = %scan3A_177, %scan3A_214 = %scan3A_178) -> (i32, i32)  : i32 {
      %mul3A_215 = arith.constant 16 : i32
      %mul3A_216 = arith.muli %scan3A_212, %mul3A_215 : i32
      %get3A_217 = arith.index_cast %mul3A_216 : i32 to index
      %get3A_218 = tpu.vector_load %arg4[%get3A_217] {strides = array<i32>} : memref<65536xf32, #tpu.memory_space<vmem>>, vector<16xf32>,
      %bitcast_convert_type3A = tpu.bitcast %get3A_218 : vector<16xf32> -> vector<16xi32>
      %sub3A = arith.constant 2147483647 : i32
      %sub3A_219 = vector.broadcast %sub3A : i32 to vector<16xi32>
      %sub3A_220 = arith.subi %sub3A_219, %bitcast_convert_type3A : vector<16xi32>
      %mul3A_221 = arith.constant 16 : i32
      %mul3A_222 = arith.muli %scan3A_212, %mul3A_221 : i32
      %add3A = vector.broadcast %mul3A_222 : i32 to vector<16xi32>
      %add3A_223 = arith.addi %add3A, %iota3A : vector<16xi32>
      %and3A = arith.constant 1023 : i32
      %and3A_224 = vector.broadcast %and3A : i32 to vector<16xi32>
      %and3A_225 = arith.andi %add3A_223, %and3A_224 : vector<16xi32>
      %mul3A_226 = arith.constant 64 : i32
      %mul3A_227 = arith.muli %arg1, %mul3A_226 : i32
      %shift_right_arithmetic3A = arith.constant 10 : i32
      %shift_right_arithmetic3A_228 = vector.broadcast %shift_right_arithmetic3A : i32 to vector<16xi32>
      %shift_right_arithmetic3A_229 = arith.shrsi %add3A_223, %shift_right_arithmetic3A_228 : vector<16xi32>
      %add3A_230 = vector.broadcast %mul3A_227 : i32 to vector<16xi32>
      %add3A_231 = arith.addi %add3A_230, %shift_right_arithmetic3A_229 : vector<16xi32>
      %eq3A_232 = arith.cmpi eq, %and3A_225, %add3A_231 : vector<16xi32>
      %not3A = arith.constant dense<true> : vector<16xi1>
      %not3A_233 = arith.xori %eq3A_232, %not3A : vector<16xi1>
      %sub3A_234 = vector.broadcast %shift_left3A_176 : i32 to vector<16xi32>
      %sub3A_235 = arith.subi %sub3A_220, %sub3A_234 : vector<16xi32>
      %ge3A = arith.constant 1024 : i32
      %ge3A_236 = vector.broadcast %ge3A : i32 to vector<16xi32>
      %ge3A_237 = arith.cmpi sge, %sub3A_235, %ge3A_236 : vector<16xi32>
      %ge3A_238 = arith.constant 0 : i32
      %ge3A_239 = vector.broadcast %ge3A_238 : i32 to vector<16xi32>
      %ge3A_240 = arith.cmpi sge, %sub3A_235, %ge3A_239 : vector<16xi32>
      %lt3A = arith.constant 1024 : i32
      %lt3A_241 = vector.broadcast %lt3A : i32 to vector<16xi32>
      %lt3A_242 = arith.cmpi slt, %sub3A_235, %lt3A_241 : vector<16xi32>
      %and3A_243 = arith.andi %ge3A_240, %lt3A_242 : vector<16xi1>
      %and3A_244 = arith.andi %ge3A_237, %not3A_233 : vector<16xi1>
      %and3A_245 = arith.andi %and3A_243, %not3A_233 : vector<16xi1>
      %swap3A_246 = arith.index_cast %scan3A_213 : i32 to index
      %swap3A_247 = tpu.vector_load %arg9[%swap3A_246] masked %and3A_244 {strides = array<i32>} : memref<272xf32, #tpu.memory_space<vmem>>, vector<16xf32>, vector<16xi1>
      tpu.vector_store %arg9[%swap3A_246], %get3A_218 masked %and3A_244 {strides = array<i32>} : memref<272xf32, #tpu.memory_space<vmem>>, vector<16xf32>, vector<16xi1>
      %select_n3A_248 = arith.select %and3A_244, %broadcast_in_dim3A_0, %broadcast_in_dim3A_2 : vector<16xi1>, vector<16xi32>
      %reduce_sum3A = arith.constant true
      %reduce_sum3A_249 = vector.broadcast %reduce_sum3A : i1 to vector<16xi1>
      %reduce_sum3A_250 = tpu.scan <sum>, %select_n3A_248 masked %reduce_sum3A_249 : vector<16xi32>, vector<16xi1> -> vector<16xi32>
      %reduce_sum3A_251 = vector.extract %reduce_sum3A_250[15] : i32 from vector<16xi32>
      %add3A_252 = arith.addi %scan3A_213, %reduce_sum3A_251 : i32
      %lt3A_253 = arith.constant 256 : i32
      %lt3A_254 = arith.cmpi slt, %scan3A_214, %lt3A_253 : i32
      %convert_element_type3A_255 = arith.extui %lt3A_254 : i1 to i32
      %cond3A_256 = arith.constant 0 : i32
      %cond3A_257 = arith.cmpi ne, %convert_element_type3A_255, %cond3A_256 : i32
      %cond3A_258 = scf.if %cond3A_257 -> (i32) {
        %swap3A_259 = arith.index_cast %scan3A_214 : i32 to index
        %swap3A_260 = tpu.vector_load %arg10[%swap3A_259] masked %and3A_245 {strides = array<i32>} : memref<272xf32, #tpu.memory_space<vmem>>, vector<16xf32>, vector<16xi1>
        tpu.vector_store %arg10[%swap3A_259], %get3A_218 masked %and3A_245 {strides = array<i32>} : memref<272xf32, #tpu.memory_space<vmem>>, vector<16xf32>, vector<16xi1>
        %select_n3A_261 = arith.select %and3A_245, %broadcast_in_dim3A_0, %broadcast_in_dim3A_2 : vector<16xi1>, vector<16xi32>
        %reduce_sum3A_262 = arith.constant true
        %reduce_sum3A_263 = vector.broadcast %reduce_sum3A_262 : i1 to vector<16xi1>
        %reduce_sum3A_264 = tpu.scan <sum>, %select_n3A_261 masked %reduce_sum3A_263 : vector<16xi32>, vector<16xi1> -> vector<16xi32>
        %reduce_sum3A_265 = vector.extract %reduce_sum3A_264[15] : i32 from vector<16xi32>
        %add3A_266 = arith.addi %scan3A_214, %reduce_sum3A_265 : i32
        scf.yield %add3A_266 : i32
      } else {
        scf.yield %scan3A_214 : i32
      }
      scf.yield %add3A_252, %cond3A_258 : i32, i32
    }
    %scan3A_184 = arith.constant 4096 : i32
    %eq3A_185 = arith.constant 0 : i32
    %eq3A_186 = vector.broadcast %eq3A_185 : i32 to vector<16xi32>
    %eq3A_187 = arith.cmpi eq, %iota3A, %eq3A_186 : vector<16xi32>
    %eq3A_188 = arith.constant 1 : i32
    %eq3A_189 = vector.broadcast %eq3A_188 : i32 to vector<16xi32>
    %eq3A_190 = arith.cmpi eq, %iota3A, %eq3A_189 : vector<16xi32>
    %jit3A_191 = arith.constant 0 : i32
    %broadcast_in_dim3A_192 = vector.broadcast %scan3A_183#1 : i32 to vector<16xi32>
    %broadcast_in_dim3A_193 = vector.broadcast %jit3A_191 : i32 to vector<16xi32>
    %select_n3A_194 = arith.select %eq3A_190, %broadcast_in_dim3A_192, %broadcast_in_dim3A_193 : vector<16xi1>, vector<16xi32>
    %broadcast_in_dim3A_195 = vector.broadcast %scan3A_183#0 : i32 to vector<16xi32>
    %select_n3A_196 = arith.select %eq3A_187, %broadcast_in_dim3A_195, %select_n3A_194 : vector<16xi1>, vector<16xi32>
    %swap3A_197 = arith.constant 0 : index
    %swap3A_198 = tpu.vector_load %arg8[%swap3A_197] {strides = array<i32>} : memref<16xi32, #tpu.memory_space<vmem>>, vector<16xi32>,
    tpu.vector_store %arg8[%swap3A_197], %select_n3A_196 {strides = array<i32>} : memref<16xi32, #tpu.memory_space<vmem>>, vector<16xi32>,
    %mul3A_199 = arith.constant 16 : i32
    %mul3A_200 = arith.muli %arg1, %mul3A_199 : i32
    "tpu.region"() ({
      %run_scoped3A = tpu.sem_alloc : memref<!tpu.dma_semaphore, #tpu.memory_space<semaphore_mem>>
      %dma_start3A = tpu.memref_slice %arg19[%mul3A_200] : memref<256xi32, #tpu.memory_space<vmem_shared>> -> memref<16xi32, #tpu.memory_space<vmem_shared>>
      %dma_start3A_212 = tpu.memref_slice %arg19[%mul3A_200] : memref<256xi32, #tpu.memory_space<vmem_shared>> -> memref<16xi32, #tpu.memory_space<vmem_shared>>
      tpu.enqueue_dma source(%arg8 : memref<16xi32, #tpu.memory_space<vmem>>) target(%dma_start3A_212 : memref<16xi32, #tpu.memory_space<vmem_shared>>) target_semaphore(%run_scoped3A : memref<!tpu.dma_semaphore, #tpu.memory_space<semaphore_mem>>)
      %dma_wait3A = tpu.memref_slice %arg19[%mul3A_200] : memref<256xi32, #tpu.memory_space<vmem_shared>> -> memref<16xi32, #tpu.memory_space<vmem_shared>>
      %dma_wait3A_213 = tpu.memref_slice %arg19[%mul3A_200] : memref<256xi32, #tpu.memory_space<vmem_shared>> -> memref<16xi32, #tpu.memory_space<vmem_shared>>
      tpu.wait_dma2 semaphore(%run_scoped3A : memref<!tpu.dma_semaphore, #tpu.memory_space<semaphore_mem>>) src(%arg8 : memref<16xi32, #tpu.memory_space<vmem>>) dst(%dma_wait3A_213 : memref<16xi32, #tpu.memory_space<vmem_shared>>)
      tpu.yield
    }) : () -> ()
    %mul3A_201 = arith.constant 272 : i32
    %mul3A_202 = arith.muli %arg1, %mul3A_201 : i32
    "tpu.region"() ({
      %run_scoped3A = tpu.sem_alloc : memref<!tpu.dma_semaphore, #tpu.memory_space<semaphore_mem>>
      %dma_start3A = tpu.memref_slice %arg17[%mul3A_202] : memref<4352xf32, #tpu.memory_space<vmem_shared>> -> memref<272xf32, #tpu.memory_space<vmem_shared>>
      %dma_start3A_212 = tpu.memref_slice %arg17[%mul3A_202] : memref<4352xf32, #tpu.memory_space<vmem_shared>> -> memref<272xf32, #tpu.memory_space<vmem_shared>>
      tpu.enqueue_dma source(%arg9 : memref<272xf32, #tpu.memory_space<vmem>>) target(%dma_start3A_212 : memref<272xf32, #tpu.memory_space<vmem_shared>>) target_semaphore(%run_scoped3A : memref<!tpu.dma_semaphore, #tpu.memory_space<semaphore_mem>>)
      %dma_wait3A = tpu.memref_slice %arg17[%mul3A_202] : memref<4352xf32, #tpu.memory_space<vmem_shared>> -> memref<272xf32, #tpu.memory_space<vmem_shared>>
      %dma_wait3A_213 = tpu.memref_slice %arg17[%mul3A_202] : memref<4352xf32, #tpu.memory_space<vmem_shared>> -> memref<272xf32, #tpu.memory_space<vmem_shared>>
      tpu.wait_dma2 semaphore(%run_scoped3A : memref<!tpu.dma_semaphore, #tpu.memory_space<semaphore_mem>>) src(%arg9 : memref<272xf32, #tpu.memory_space<vmem>>) dst(%dma_wait3A_213 : memref<272xf32, #tpu.memory_space<vmem_shared>>)
      tpu.yield
    }) : () -> ()
    %mul3A_203 = arith.constant 272 : i32
    %mul3A_204 = arith.muli %arg1, %mul3A_203 : i32
    "tpu.region"() ({
      %run_scoped3A = tpu.sem_alloc : memref<!tpu.dma_semaphore, #tpu.memory_space<semaphore_mem>>
      %dma_start3A = tpu.memref_slice %arg18[%mul3A_204] : memref<4352xf32, #tpu.memory_space<vmem_shared>> -> memref<272xf32, #tpu.memory_space<vmem_shared>>
      %dma_start3A_212 = tpu.memref_slice %arg18[%mul3A_204] : memref<4352xf32, #tpu.memory_space<vmem_shared>> -> memref<272xf32, #tpu.memory_space<vmem_shared>>
      tpu.enqueue_dma source(%arg10 : memref<272xf32, #tpu.memory_space<vmem>>) target(%dma_start3A_212 : memref<272xf32, #tpu.memory_space<vmem_shared>>) target_semaphore(%run_scoped3A : memref<!tpu.dma_semaphore, #tpu.memory_space<semaphore_mem>>)
      %dma_wait3A = tpu.memref_slice %arg18[%mul3A_204] : memref<4352xf32, #tpu.memory_space<vmem_shared>> -> memref<272xf32, #tpu.memory_space<vmem_shared>>
      %dma_wait3A_213 = tpu.memref_slice %arg18[%mul3A_204] : memref<4352xf32, #tpu.memory_space<vmem_shared>> -> memref<272xf32, #tpu.memory_space<vmem_shared>>
      tpu.wait_dma2 semaphore(%run_scoped3A : memref<!tpu.dma_semaphore, #tpu.memory_space<semaphore_mem>>) src(%arg10 : memref<272xf32, #tpu.memory_space<vmem>>) dst(%dma_wait3A_213 : memref<272xf32, #tpu.memory_space<vmem_shared>>)
      tpu.yield
    }) : () -> ()
    %barrier3A_205 = arith.constant 0 : index
    tpu.barrier barrier_id(%barrier3A_205)
    %eq3A_206 = arith.constant 0 : i32
    %eq3A_207 = arith.cmpi eq, %arg1, %eq3A_206 : i32
    %convert_element_type3A_208 = arith.extui %eq3A_207 : i1 to i32
    %cond3A_209 = arith.constant 0 : i32
    %cond3A_210 = arith.cmpi ne, %convert_element_type3A_208, %cond3A_209 : i32
    scf.if %cond3A_210 {
      "tpu.region"() ({
        %run_scoped3A_225 = tpu.sem_alloc : memref<!tpu.dma_semaphore, #tpu.memory_space<semaphore_mem>>
        tpu.enqueue_dma source(%arg19 : memref<256xi32, #tpu.memory_space<vmem_shared>>) target(%arg14 : memref<256xi32, #tpu.memory_space<vmem>>) target_semaphore(%run_scoped3A_225 : memref<!tpu.dma_semaphore, #tpu.memory_space<semaphore_mem>>)
        tpu.wait_dma2 semaphore(%run_scoped3A_225 : memref<!tpu.dma_semaphore, #tpu.memory_space<semaphore_mem>>) src(%arg19 : memref<256xi32, #tpu.memory_space<vmem_shared>>) dst(%arg14 : memref<256xi32, #tpu.memory_space<vmem>>)
        tpu.yield
      }) : () -> ()
      "tpu.region"() ({
        %run_scoped3A_225 = tpu.sem_alloc : memref<!tpu.dma_semaphore, #tpu.memory_space<semaphore_mem>>
        tpu.enqueue_dma source(%arg17 : memref<4352xf32, #tpu.memory_space<vmem_shared>>) target(%arg12 : memref<4352xf32, #tpu.memory_space<vmem>>) target_semaphore(%run_scoped3A_225 : memref<!tpu.dma_semaphore, #tpu.memory_space<semaphore_mem>>)
        tpu.wait_dma2 semaphore(%run_scoped3A_225 : memref<!tpu.dma_semaphore, #tpu.memory_space<semaphore_mem>>) src(%arg17 : memref<4352xf32, #tpu.memory_space<vmem_shared>>) dst(%arg12 : memref<4352xf32, #tpu.memory_space<vmem>>)
        tpu.yield
      }) : () -> ()
      "tpu.region"() ({
        %run_scoped3A_225 = tpu.sem_alloc : memref<!tpu.dma_semaphore, #tpu.memory_space<semaphore_mem>>
        tpu.enqueue_dma source(%arg18 : memref<4352xf32, #tpu.memory_space<vmem_shared>>) target(%arg13 : memref<4352xf32, #tpu.memory_space<vmem>>) target_semaphore(%run_scoped3A_225 : memref<!tpu.dma_semaphore, #tpu.memory_space<semaphore_mem>>)
        tpu.wait_dma2 semaphore(%run_scoped3A_225 : memref<!tpu.dma_semaphore, #tpu.memory_space<semaphore_mem>>) src(%arg18 : memref<4352xf32, #tpu.memory_space<vmem_shared>>) dst(%arg13 : memref<4352xf32, #tpu.memory_space<vmem>>)
        tpu.yield
      }) : () -> ()
      %scan3A_212 = arith.constant 0 : i32
      %scan3A_213 = arith.constant 0 : i32
      %scan3A_214 = arith.constant 16 : i32
      %scan3A_215 = arith.addi %scan3A_213, %scan3A_214 : i32
      %scan3A_216 = arith.constant 1 : i32
      %scan3A_217 = scf.for %scan3A_225 = %scan3A_213 to %scan3A_215 step %scan3A_216 iter_args(%scan3A_226 = %scan3A_212) -> (i32)  : i32 {
        %mul3A_227 = arith.constant 16 : i32
        %mul3A_228 = arith.muli %scan3A_225, %mul3A_227 : i32
        %get3A_229 = arith.index_cast %mul3A_228 : i32 to index
        %get3A_230 = tpu.vector_load %arg14[%get3A_229] {strides = array<i32>} : memref<256xi32, #tpu.memory_space<vmem>>, vector<16xi32>,
        %slice3A_231 = vector.extract_strided_slice %get3A_230 {offsets = [0], sizes = [1], strides = [1]} : vector<16xi32> to vector<1xi32>
        %squeeze3A_232 = vector.extract %slice3A_231[0] : i32 from vector<1xi32>
        %scan3A_233 = arith.constant 0 : i32
        %scan3A_234 = arith.constant 0 : i32
        %scan3A_235 = arith.constant 17 : i32
        %scan3A_236 = arith.addi %scan3A_234, %scan3A_235 : i32
        %scan3A_237 = arith.constant 1 : i32
        %scan3A_238 = scf.for %scan3A_240 = %scan3A_234 to %scan3A_236 step %scan3A_237 iter_args(%scan3A_241 = %scan3A_233) -> (i32)  : i32 {
          %mul3A_242 = arith.constant 272 : i32
          %mul3A_243 = arith.muli %scan3A_225, %mul3A_242 : i32
          %mul3A_244 = arith.constant 16 : i32
          %mul3A_245 = arith.muli %scan3A_240, %mul3A_244 : i32
          %add3A_246 = arith.addi %mul3A_243, %mul3A_245 : i32
          %get3A_247 = arith.index_cast %add3A_246 : i32 to index
          %get3A_248 = tpu.vector_load %arg12[%get3A_247] {strides = array<i32>} : memref<4352xf32, #tpu.memory_space<vmem>>, vector<16xf32>,
          %mul3A_249 = arith.constant 16 : i32
          %mul3A_250 = arith.muli %scan3A_240, %mul3A_249 : i32
          %add3A_251 = vector.broadcast %mul3A_250 : i32 to vector<16xi32>
          %add3A_252 = arith.addi %add3A_251, %iota3A : vector<16xi32>
          %add3A_253 = vector.broadcast %scan3A_226 : i32 to vector<16xi32>
          %add3A_254 = arith.addi %add3A_253, %add3A_252 : vector<16xi32>
          %lt3A = vector.broadcast %squeeze3A_232 : i32 to vector<16xi32>
          %lt3A_255 = arith.cmpi slt, %add3A_252, %lt3A : vector<16xi32>
          %lt3A_256 = arith.constant 256 : i32
          %lt3A_257 = vector.broadcast %lt3A_256 : i32 to vector<16xi32>
          %lt3A_258 = arith.cmpi slt, %add3A_254, %lt3A_257 : vector<16xi32>
          %and3A = arith.andi %lt3A_255, %lt3A_258 : vector<16xi1>
          tpu.vector_store_idx %arg11[%add3A_254], %get3A_248 masked %and3A : memref<256xf32, #tpu.memory_space<vmem>>[vector<16xi32>], vector<16xf32>, vector<16xi1>
          %scan3A_259 = arith.constant 0 : i32
          scf.yield %scan3A_259 : i32
        }
        %scan3A_239 = arith.constant 17 : i32
        %add3A = arith.addi %scan3A_226, %squeeze3A_232 : i32
        scf.yield %add3A : i32
      }
      %scan3A_218 = arith.constant 16 : i32
      %scan3A_219 = arith.constant 0 : i32
      %scan3A_220 = arith.constant 16 : i32
      %scan3A_221 = arith.addi %scan3A_219, %scan3A_220 : i32
      %scan3A_222 = arith.constant 1 : i32
      %scan3A_223 = scf.for %scan3A_225 = %scan3A_219 to %scan3A_221 step %scan3A_222 iter_args(%scan3A_226 = %scan3A_217) -> (i32)  : i32 {
        %mul3A_227 = arith.constant 16 : i32
        %mul3A_228 = arith.muli %scan3A_225, %mul3A_227 : i32
        %get3A_229 = arith.index_cast %mul3A_228 : i32 to index
        %get3A_230 = tpu.vector_load %arg14[%get3A_229] {strides = array<i32>} : memref<256xi32, #tpu.memory_space<vmem>>, vector<16xi32>,
        %slice3A_231 = vector.extract_strided_slice %get3A_230 {offsets = [1], sizes = [1], strides = [1]} : vector<16xi32> to vector<1xi32>
        %squeeze3A_232 = vector.extract %slice3A_231[0] : i32 from vector<1xi32>
        %scan3A_233 = arith.constant 0 : i32
        %scan3A_234 = arith.constant 0 : i32
        %scan3A_235 = arith.constant 17 : i32
        %scan3A_236 = arith.addi %scan3A_234, %scan3A_235 : i32
        %scan3A_237 = arith.constant 1 : i32
        %scan3A_238 = scf.for %scan3A_240 = %scan3A_234 to %scan3A_236 step %scan3A_237 iter_args(%scan3A_241 = %scan3A_233) -> (i32)  : i32 {
          %mul3A_242 = arith.constant 272 : i32
          %mul3A_243 = arith.muli %scan3A_225, %mul3A_242 : i32
          %mul3A_244 = arith.constant 16 : i32
          %mul3A_245 = arith.muli %scan3A_240, %mul3A_244 : i32
          %add3A_246 = arith.addi %mul3A_243, %mul3A_245 : i32
          %get3A_247 = arith.index_cast %add3A_246 : i32 to index
          %get3A_248 = tpu.vector_load %arg13[%get3A_247] {strides = array<i32>} : memref<4352xf32, #tpu.memory_space<vmem>>, vector<16xf32>,
          %mul3A_249 = arith.constant 16 : i32
          %mul3A_250 = arith.muli %scan3A_240, %mul3A_249 : i32
          %add3A_251 = vector.broadcast %mul3A_250 : i32 to vector<16xi32>
          %add3A_252 = arith.addi %add3A_251, %iota3A : vector<16xi32>
          %add3A_253 = vector.broadcast %scan3A_226 : i32 to vector<16xi32>
          %add3A_254 = arith.addi %add3A_253, %add3A_252 : vector<16xi32>
          %lt3A = vector.broadcast %squeeze3A_232 : i32 to vector<16xi32>
          %lt3A_255 = arith.cmpi slt, %add3A_252, %lt3A : vector<16xi32>
          %lt3A_256 = arith.constant 256 : i32
          %lt3A_257 = vector.broadcast %lt3A_256 : i32 to vector<16xi32>
          %lt3A_258 = arith.cmpi slt, %add3A_254, %lt3A_257 : vector<16xi32>
          %and3A = arith.andi %lt3A_255, %lt3A_258 : vector<16xi1>
          tpu.vector_store_idx %arg11[%add3A_254], %get3A_248 masked %and3A : memref<256xf32, #tpu.memory_space<vmem>>[vector<16xi32>], vector<16xf32>, vector<16xi1>
          %scan3A_259 = arith.constant 0 : i32
          scf.yield %scan3A_259 : i32
        }
        %scan3A_239 = arith.constant 17 : i32
        %add3A = arith.addi %scan3A_226, %squeeze3A_232 : i32
        scf.yield %add3A : i32
      }
      %scan3A_224 = arith.constant 16 : i32
      %run_scoped3A = arith.constant 1 : i32
      "tpu.region"() ({
        %run_scoped3A_225 = tpu.sem_alloc : memref<!tpu.dma_semaphore, #tpu.memory_space<semaphore_mem>>
        %dma_start3A = arith.constant 0 : i32
        %dma_start3A_226 = tpu.memref_slice %arg3[%run_scoped3A, %dma_start3A] : memref<2x256xf32, #tpu.memory_space<hbm>> -> memref<1x256xf32, #tpu.memory_space<hbm>>
        %dma_start3A_227 = tpu.memref_squeeze %dma_start3A_226 : memref<1x256xf32, #tpu.memory_space<hbm>> -> memref<256xf32, #tpu.memory_space<hbm>>
        %dma_start3A_228 = arith.constant 0 : i32
        %dma_start3A_229 = tpu.memref_slice %arg3[%run_scoped3A, %dma_start3A_228] : memref<2x256xf32, #tpu.memory_space<hbm>> -> memref<1x256xf32, #tpu.memory_space<hbm>>
        %dma_start3A_230 = tpu.memref_squeeze %dma_start3A_229 : memref<1x256xf32, #tpu.memory_space<hbm>> -> memref<256xf32, #tpu.memory_space<hbm>>
        tpu.enqueue_dma source(%arg11 : memref<256xf32, #tpu.memory_space<vmem>>) target(%dma_start3A_230 : memref<256xf32, #tpu.memory_space<hbm>>) target_semaphore(%run_scoped3A_225 : memref<!tpu.dma_semaphore, #tpu.memory_space<semaphore_mem>>)
        %dma_wait3A = arith.constant 0 : i32
        %dma_wait3A_231 = tpu.memref_slice %arg3[%run_scoped3A, %dma_wait3A] : memref<2x256xf32, #tpu.memory_space<hbm>> -> memref<1x256xf32, #tpu.memory_space<hbm>>
        %dma_wait3A_232 = tpu.memref_squeeze %dma_wait3A_231 : memref<1x256xf32, #tpu.memory_space<hbm>> -> memref<256xf32, #tpu.memory_space<hbm>>
        %dma_wait3A_233 = arith.constant 0 : i32
        %dma_wait3A_234 = tpu.memref_slice %arg3[%run_scoped3A, %dma_wait3A_233] : memref<2x256xf32, #tpu.memory_space<hbm>> -> memref<1x256xf32, #tpu.memory_space<hbm>>
        %dma_wait3A_235 = tpu.memref_squeeze %dma_wait3A_234 : memref<1x256xf32, #tpu.memory_space<hbm>> -> memref<256xf32, #tpu.memory_space<hbm>>
        tpu.wait_dma2 semaphore(%run_scoped3A_225 : memref<!tpu.dma_semaphore, #tpu.memory_space<semaphore_mem>>) src(%arg11 : memref<256xf32, #tpu.memory_space<vmem>>) dst(%dma_wait3A_235 : memref<256xf32, #tpu.memory_space<hbm>>)
        tpu.yield
      }) : () -> ()
    } else {
    }
    %barrier3A_211 = arith.constant 0 : index
    tpu.barrier barrier_id(%barrier3A_211)
    return
  }
}

module attributes {stable_mosaic.version = 14 : i64} {
  func.func @_pool_body(%arg0: i32, %arg1: memref<32x256x256xf32, #tpu.memory_space<vmem>>, %arg2: memref<256x8xf32, #tpu.memory_space<vmem>>, %arg3: memref<8192x8xf32, #tpu.memory_space<vmem>>) attributes {dimension_semantics = [#tpu.dimension_semantics<arbitrary>], iteration_bounds = array<i64: 32>, scalar_prefetch = 0 : i64, scratch_operands = 0 : i64, tpu.core_type = #tpu.core_type<tc>, window_params = [{transform_indices = @transform_0, window_bounds = array<i64: 32, 256, 256>}, {pipeline_mode = #tpu.pipeline_mode<synchronous>, transform_indices = @transform_1, window_bounds = array<i64: 256, 8>}, {transform_indices = @transform_2, window_bounds = array<i64: 8192, 8>}]} {
    %get3A = arith.constant 0 : index
    %get3A_0 = arith.constant 0 : index
    %get3A_1 = arith.constant 0 : index
    %get3A_2 = vector.load %arg1[%get3A, %get3A_0, %get3A_1] : memref<32x256x256xf32, #tpu.memory_space<vmem>>, vector<32x256x256xf32>
    %reshape3A = vector.shape_cast %get3A_2 : vector<32x256x256xf32> to vector<8192x256xf32>
    %get3A_3 = arith.constant 0 : index
    %get3A_4 = arith.constant 0 : index
    %get3A_5 = vector.load %arg2[%get3A_3, %get3A_4] : memref<256x8xf32, #tpu.memory_space<vmem>>, vector<256x8xf32>
    %convert_element_type3A = arith.truncf %get3A_5 : vector<256x8xf32> to vector<256x8xbf16>
    %convert_element_type3A_6 = arith.truncf %reshape3A : vector<8192x256xf32> to vector<8192x256xbf16>
    %convert_element_type3A_7 = arith.extf %convert_element_type3A_6 : vector<8192x256xbf16> to vector<8192x256xf32>
    %sub3A = arith.subf %reshape3A, %convert_element_type3A_7 : vector<8192x256xf32>
    %convert_element_type3A_8 = arith.truncf %sub3A : vector<8192x256xf32> to vector<8192x256xbf16>
    %dot_general3A = arith.constant dense<0.000000e+00> : vector<8192x8xf32>
    %dot_general3A_9 = tpu.matmul %convert_element_type3A_6, %convert_element_type3A, %dot_general3A {dimension_numbers = #tpu.dot_dimension_numbers<[1], [0], [0], [1], [0, 0, 1, 1], [], []>, transpose_lhs_hint = false} : vector<8192x256xbf16>, vector<256x8xbf16>, vector<8192x8xf32> -> vector<8192x8xf32>
    %dot_general3A_10 = arith.constant dense<0.000000e+00> : vector<8192x8xf32>
    %dot_general3A_11 = tpu.matmul %convert_element_type3A_8, %convert_element_type3A, %dot_general3A_10 {dimension_numbers = #tpu.dot_dimension_numbers<[1], [0], [0], [1], [0, 0, 1, 1], [], []>, transpose_lhs_hint = false} : vector<8192x256xbf16>, vector<256x8xbf16>, vector<8192x8xf32> -> vector<8192x8xf32>
    %add3A = arith.addf %dot_general3A_9, %dot_general3A_11 : vector<8192x8xf32>
    %swap3A = arith.constant 0 : index
    %swap3A_12 = arith.constant 0 : index
    %swap3A_13 = vector.load %arg3[%swap3A, %swap3A_12] : memref<8192x8xf32, #tpu.memory_space<vmem>>, vector<8192x8xf32>
    tpu.vector_store %arg3[%swap3A, %swap3A_12], %add3A {strides = array<i32>} : memref<8192x8xf32, #tpu.memory_space<vmem>>, vector<8192x8xf32>,
    return
  }
  func.func @transform_0(%arg0: i32) -> (i32, i32, i32) {
    %c0_i32 = arith.constant 0 : i32
    %c0_i32_0 = arith.constant 0 : i32
    %c0_i32_1 = arith.constant 0 : i32
    return %arg0, %c0_i32, %c0_i32_0 : i32, i32, i32
  }
  func.func @transform_1(%arg0: i32) -> (i32, i32) {
    %c0_i32 = arith.constant 0 : i32
    %c0_i32_0 = arith.constant 0 : i32
    %c0_i32_1 = arith.constant 0 : i32
    return %c0_i32, %c0_i32_0 : i32, i32
  }
  func.func @transform_2(%arg0: i32) -> (i32, i32) {
    %c0_i32 = arith.constant 0 : i32
    %c0_i32_0 = arith.constant 0 : i32
    return %arg0, %c0_i32 : i32, i32
  }
}

module attributes {stable_mosaic.version = 14 : i64} {
  func.func @_fc1_body(%arg0: i32, %arg1: memref<256x2048xf32, #tpu.memory_space<vmem>>, %arg2: memref<2048x512xf32, #tpu.memory_space<vmem>>, %arg3: memref<1x512xf32, #tpu.memory_space<vmem>>, %arg4: memref<256x512xf32, #tpu.memory_space<vmem>>) attributes {dimension_semantics = [#tpu.dimension_semantics<arbitrary>], iteration_bounds = array<i64: 4>, scalar_prefetch = 0 : i64, scratch_operands = 0 : i64, tpu.core_type = #tpu.core_type<tc>, window_params = [{transform_indices = @transform_0, window_bounds = array<i64: 256, 2048>}, {pipeline_mode = #tpu.pipeline_mode<synchronous>, transform_indices = @transform_1, window_bounds = array<i64: 2048, 512>}, {pipeline_mode = #tpu.pipeline_mode<synchronous>, transform_indices = @transform_2, window_bounds = array<i64: 1, 512>}, {transform_indices = @transform_3, window_bounds = array<i64: 256, 512>}]} {
    %get3A = arith.constant 0 : index
    %get3A_0 = arith.constant 0 : index
    %get3A_1 = vector.load %arg1[%get3A, %get3A_0] : memref<256x2048xf32, #tpu.memory_space<vmem>>, vector<256x2048xf32>
    %get3A_2 = arith.constant 0 : index
    %get3A_3 = arith.constant 0 : index
    %get3A_4 = vector.load %arg2[%get3A_2, %get3A_3] : memref<2048x512xf32, #tpu.memory_space<vmem>>, vector<2048x512xf32>
    %dot_general3A = arith.constant dense<0.000000e+00> : vector<256x512xf32>
    %dot_general3A_5 = tpu.matmul %get3A_1, %get3A_4, %dot_general3A {dimension_numbers = #tpu.dot_dimension_numbers<[1], [0], [0], [1], [0, 0, 1, 1], [], []>, precision = #tpu.contract_precision<fp32>, transpose_lhs_hint = false} : vector<256x2048xf32>, vector<2048x512xf32>, vector<256x512xf32> -> vector<256x512xf32>
    %get3A_6 = arith.constant 0 : index
    %get3A_7 = arith.constant 0 : index
    %get3A_8 = vector.load %arg3[%get3A_6, %get3A_7] : memref<1x512xf32, #tpu.memory_space<vmem>>, vector<1x512xf32>
    %add3A = vector.broadcast %get3A_8 : vector<1x512xf32> to vector<256x512xf32>
    %add3A_9 = arith.addf %dot_general3A_5, %add3A : vector<256x512xf32>
    %swap3A = arith.constant 0 : index
    %swap3A_10 = arith.constant 0 : index
    %swap3A_11 = vector.load %arg4[%swap3A, %swap3A_10] : memref<256x512xf32, #tpu.memory_space<vmem>>, vector<256x512xf32>
    tpu.vector_store %arg4[%swap3A, %swap3A_10], %add3A_9 {strides = array<i32>} : memref<256x512xf32, #tpu.memory_space<vmem>>, vector<256x512xf32>,
    return
  }
  func.func @transform_0(%arg0: i32) -> (i32, i32) {
    %c0_i32 = arith.constant 0 : i32
    %c0_i32_0 = arith.constant 0 : i32
    return %arg0, %c0_i32 : i32, i32
  }
  func.func @transform_1(%arg0: i32) -> (i32, i32) {
    %c0_i32 = arith.constant 0 : i32
    %c0_i32_0 = arith.constant 0 : i32
    %c0_i32_1 = arith.constant 0 : i32
    return %c0_i32, %c0_i32_0 : i32, i32
  }
  func.func @transform_2(%arg0: i32) -> (i32, i32) {
    %c0_i32 = arith.constant 0 : i32
    %c0_i32_0 = arith.constant 0 : i32
    %c0_i32_1 = arith.constant 0 : i32
    return %c0_i32, %c0_i32_0 : i32, i32
  }
  func.func @transform_3(%arg0: i32) -> (i32, i32) {
    %c0_i32 = arith.constant 0 : i32
    %c0_i32_0 = arith.constant 0 : i32
    return %arg0, %c0_i32 : i32, i32
  }
}

module attributes {stable_mosaic.version = 14 : i64} {
  func.func @_dist_body(%arg0: i32, %arg1: i32, %arg2: memref<8x256x64xf32, #tpu.memory_space<vmem>>, %arg3: memref<8x256x64xf32, #tpu.memory_space<vmem>>, %arg4: memref<256x256xf32, #tpu.memory_space<vmem>>) attributes {dimension_semantics = [#tpu.dimension_semantics<arbitrary>, #tpu.dimension_semantics<arbitrary>], iteration_bounds = array<i64: 4, 4>, scalar_prefetch = 0 : i64, scratch_operands = 0 : i64, tpu.core_type = #tpu.core_type<tc>, window_params = [{transform_indices = @transform_0, window_bounds = array<i64: 8, 256, 64>}, {transform_indices = @transform_1, window_bounds = array<i64: 8, 256, 64>}, {transform_indices = @transform_2, window_bounds = array<i64: 256, 256>}]} {
    %get3A = arith.constant 0 : index
    %get3A_0 = arith.constant 0 : index
    %get3A_1 = arith.constant 0 : index
    %get3A_2 = vector.load %arg2[%get3A, %get3A_0, %get3A_1] : memref<8x256x64xf32, #tpu.memory_space<vmem>>, vector<1x256x64xf32>
    %get3A_3 = vector.shape_cast %get3A_2 : vector<1x256x64xf32> to vector<256x64xf32>
    %get3A_4 = arith.constant 0 : index
    %get3A_5 = arith.constant 0 : index
    %get3A_6 = arith.constant 0 : index
    %get3A_7 = vector.load %arg3[%get3A_4, %get3A_5, %get3A_6] : memref<8x256x64xf32, #tpu.memory_space<vmem>>, vector<1x256x64xf32>
    %get3A_8 = vector.shape_cast %get3A_7 : vector<1x256x64xf32> to vector<256x64xf32>
    %dot_general3A = arith.constant dense<0.000000e+00> : vector<256x256xf32>
    %dot_general3A_9 = tpu.matmul %get3A_3, %get3A_8, %dot_general3A {dimension_numbers = #tpu.dot_dimension_numbers<[1], [1], [0], [0], [0, 0, 1, 0], [], []>, precision = #tpu.contract_precision<fp32>, transpose_lhs_hint = false} : vector<256x64xf32>, vector<256x64xf32>, vector<256x256xf32> -> vector<256x256xf32>
    %mul3A = arith.mulf %get3A_3, %get3A_3 : vector<256x64xf32>
    %reduce_sum3A = arith.constant dense<0.000000e+00> : vector<256xf32>
    %reduce_sum3A_10 = vector.multi_reduction <add>, %mul3A, %reduce_sum3A [1] : vector<256x64xf32> to vector<256xf32>
    %mul3A_11 = arith.mulf %get3A_8, %get3A_8 : vector<256x64xf32>
    %reduce_sum3A_12 = arith.constant dense<0.000000e+00> : vector<256xf32>
    %reduce_sum3A_13 = vector.multi_reduction <add>, %mul3A_11, %reduce_sum3A_12 [1] : vector<256x64xf32> to vector<256xf32>
    %broadcast_in_dim3A = vector.shape_cast %reduce_sum3A_10 : vector<256xf32> to vector<256x1xf32>
    %broadcast_in_dim3A_14 = vector.shape_cast %reduce_sum3A_13 : vector<256xf32> to vector<1x256xf32>
    %add3A = vector.broadcast %broadcast_in_dim3A : vector<256x1xf32> to vector<256x256xf32>
    %add3A_15 = vector.broadcast %broadcast_in_dim3A_14 : vector<1x256xf32> to vector<256x256xf32>
    %add3A_16 = arith.addf %add3A, %add3A_15 : vector<256x256xf32>
    %mul3A_17 = arith.constant 2.000000e+00 : f32
    %mul3A_18 = vector.broadcast %mul3A_17 : f32 to vector<256x256xf32>
    %mul3A_19 = arith.mulf %mul3A_18, %dot_general3A_9 : vector<256x256xf32>
    %sub3A = arith.subf %add3A_16, %mul3A_19 : vector<256x256xf32>
    %max3A = arith.constant 0.000000e+00 : f32
    %max3A_20 = vector.broadcast %max3A : f32 to vector<256x256xf32>
    %max3A_21 = arith.maximumf %sub3A, %max3A_20 : vector<256x256xf32>
    %get3A_22 = arith.constant 1 : index
    %get3A_23 = arith.constant 0 : index
    %get3A_24 = arith.constant 0 : index
    %get3A_25 = vector.load %arg2[%get3A_22, %get3A_23, %get3A_24] : memref<8x256x64xf32, #tpu.memory_space<vmem>>, vector<1x256x64xf32>
    %get3A_26 = vector.shape_cast %get3A_25 : vector<1x256x64xf32> to vector<256x64xf32>
    %get3A_27 = arith.constant 1 : index
    %get3A_28 = arith.constant 0 : index
    %get3A_29 = arith.constant 0 : index
    %get3A_30 = vector.load %arg3[%get3A_27, %get3A_28, %get3A_29] : memref<8x256x64xf32, #tpu.memory_space<vmem>>, vector<1x256x64xf32>
    %get3A_31 = vector.shape_cast %get3A_30 : vector<1x256x64xf32> to vector<256x64xf32>
    %dot_general3A_32 = arith.constant dense<0.000000e+00> : vector<256x256xf32>
    %dot_general3A_33 = tpu.matmul %get3A_26, %get3A_31, %dot_general3A_32 {dimension_numbers = #tpu.dot_dimension_numbers<[1], [1], [0], [0], [0, 0, 1, 0], [], []>, precision = #tpu.contract_precision<fp32>, transpose_lhs_hint = false} : vector<256x64xf32>, vector<256x64xf32>, vector<256x256xf32> -> vector<256x256xf32>
    %mul3A_34 = arith.mulf %get3A_26, %get3A_26 : vector<256x64xf32>
    %reduce_sum3A_35 = arith.constant dense<0.000000e+00> : vector<256xf32>
    %reduce_sum3A_36 = vector.multi_reduction <add>, %mul3A_34, %reduce_sum3A_35 [1] : vector<256x64xf32> to vector<256xf32>
    %mul3A_37 = arith.mulf %get3A_31, %get3A_31 : vector<256x64xf32>
    %reduce_sum3A_38 = arith.constant dense<0.000000e+00> : vector<256xf32>
    %reduce_sum3A_39 = vector.multi_reduction <add>, %mul3A_37, %reduce_sum3A_38 [1] : vector<256x64xf32> to vector<256xf32>
    %broadcast_in_dim3A_40 = vector.shape_cast %reduce_sum3A_36 : vector<256xf32> to vector<256x1xf32>
    %broadcast_in_dim3A_41 = vector.shape_cast %reduce_sum3A_39 : vector<256xf32> to vector<1x256xf32>
    %add3A_42 = vector.broadcast %broadcast_in_dim3A_40 : vector<256x1xf32> to vector<256x256xf32>
    %add3A_43 = vector.broadcast %broadcast_in_dim3A_41 : vector<1x256xf32> to vector<256x256xf32>
    %add3A_44 = arith.addf %add3A_42, %add3A_43 : vector<256x256xf32>
    %mul3A_45 = arith.constant 2.000000e+00 : f32
    %mul3A_46 = vector.broadcast %mul3A_45 : f32 to vector<256x256xf32>
    %mul3A_47 = arith.mulf %mul3A_46, %dot_general3A_33 : vector<256x256xf32>
    %sub3A_48 = arith.subf %add3A_44, %mul3A_47 : vector<256x256xf32>
    %max3A_49 = arith.constant 0.000000e+00 : f32
    %max3A_50 = vector.broadcast %max3A_49 : f32 to vector<256x256xf32>
    %max3A_51 = arith.maximumf %sub3A_48, %max3A_50 : vector<256x256xf32>
    %min3A = arith.minimumf %max3A_21, %max3A_51 : vector<256x256xf32>
    %get3A_52 = arith.constant 2 : index
    %get3A_53 = arith.constant 0 : index
    %get3A_54 = arith.constant 0 : index
    %get3A_55 = vector.load %arg2[%get3A_52, %get3A_53, %get3A_54] : memref<8x256x64xf32, #tpu.memory_space<vmem>>, vector<1x256x64xf32>
    %get3A_56 = vector.shape_cast %get3A_55 : vector<1x256x64xf32> to vector<256x64xf32>
    %get3A_57 = arith.constant 2 : index
    %get3A_58 = arith.constant 0 : index
    %get3A_59 = arith.constant 0 : index
    %get3A_60 = vector.load %arg3[%get3A_57, %get3A_58, %get3A_59] : memref<8x256x64xf32, #tpu.memory_space<vmem>>, vector<1x256x64xf32>
    %get3A_61 = vector.shape_cast %get3A_60 : vector<1x256x64xf32> to vector<256x64xf32>
    %dot_general3A_62 = arith.constant dense<0.000000e+00> : vector<256x256xf32>
    %dot_general3A_63 = tpu.matmul %get3A_56, %get3A_61, %dot_general3A_62 {dimension_numbers = #tpu.dot_dimension_numbers<[1], [1], [0], [0], [0, 0, 1, 0], [], []>, precision = #tpu.contract_precision<fp32>, transpose_lhs_hint = false} : vector<256x64xf32>, vector<256x64xf32>, vector<256x256xf32> -> vector<256x256xf32>
    %mul3A_64 = arith.mulf %get3A_56, %get3A_56 : vector<256x64xf32>
    %reduce_sum3A_65 = arith.constant dense<0.000000e+00> : vector<256xf32>
    %reduce_sum3A_66 = vector.multi_reduction <add>, %mul3A_64, %reduce_sum3A_65 [1] : vector<256x64xf32> to vector<256xf32>
    %mul3A_67 = arith.mulf %get3A_61, %get3A_61 : vector<256x64xf32>
    %reduce_sum3A_68 = arith.constant dense<0.000000e+00> : vector<256xf32>
    %reduce_sum3A_69 = vector.multi_reduction <add>, %mul3A_67, %reduce_sum3A_68 [1] : vector<256x64xf32> to vector<256xf32>
    %broadcast_in_dim3A_70 = vector.shape_cast %reduce_sum3A_66 : vector<256xf32> to vector<256x1xf32>
    %broadcast_in_dim3A_71 = vector.shape_cast %reduce_sum3A_69 : vector<256xf32> to vector<1x256xf32>
    %add3A_72 = vector.broadcast %broadcast_in_dim3A_70 : vector<256x1xf32> to vector<256x256xf32>
    %add3A_73 = vector.broadcast %broadcast_in_dim3A_71 : vector<1x256xf32> to vector<256x256xf32>
    %add3A_74 = arith.addf %add3A_72, %add3A_73 : vector<256x256xf32>
    %mul3A_75 = arith.constant 2.000000e+00 : f32
    %mul3A_76 = vector.broadcast %mul3A_75 : f32 to vector<256x256xf32>
    %mul3A_77 = arith.mulf %mul3A_76, %dot_general3A_63 : vector<256x256xf32>
    %sub3A_78 = arith.subf %add3A_74, %mul3A_77 : vector<256x256xf32>
    %max3A_79 = arith.constant 0.000000e+00 : f32
    %max3A_80 = vector.broadcast %max3A_79 : f32 to vector<256x256xf32>
    %max3A_81 = arith.maximumf %sub3A_78, %max3A_80 : vector<256x256xf32>
    %min3A_82 = arith.minimumf %min3A, %max3A_81 : vector<256x256xf32>
    %get3A_83 = arith.constant 3 : index
    %get3A_84 = arith.constant 0 : index
    %get3A_85 = arith.constant 0 : index
    %get3A_86 = vector.load %arg2[%get3A_83, %get3A_84, %get3A_85] : memref<8x256x64xf32, #tpu.memory_space<vmem>>, vector<1x256x64xf32>
    %get3A_87 = vector.shape_cast %get3A_86 : vector<1x256x64xf32> to vector<256x64xf32>
    %get3A_88 = arith.constant 3 : index
    %get3A_89 = arith.constant 0 : index
    %get3A_90 = arith.constant 0 : index
    %get3A_91 = vector.load %arg3[%get3A_88, %get3A_89, %get3A_90] : memref<8x256x64xf32, #tpu.memory_space<vmem>>, vector<1x256x64xf32>
    %get3A_92 = vector.shape_cast %get3A_91 : vector<1x256x64xf32> to vector<256x64xf32>
    %dot_general3A_93 = arith.constant dense<0.000000e+00> : vector<256x256xf32>
    %dot_general3A_94 = tpu.matmul %get3A_87, %get3A_92, %dot_general3A_93 {dimension_numbers = #tpu.dot_dimension_numbers<[1], [1], [0], [0], [0, 0, 1, 0], [], []>, precision = #tpu.contract_precision<fp32>, transpose_lhs_hint = false} : vector<256x64xf32>, vector<256x64xf32>, vector<256x256xf32> -> vector<256x256xf32>
    %mul3A_95 = arith.mulf %get3A_87, %get3A_87 : vector<256x64xf32>
    %reduce_sum3A_96 = arith.constant dense<0.000000e+00> : vector<256xf32>
    %reduce_sum3A_97 = vector.multi_reduction <add>, %mul3A_95, %reduce_sum3A_96 [1] : vector<256x64xf32> to vector<256xf32>
    %mul3A_98 = arith.mulf %get3A_92, %get3A_92 : vector<256x64xf32>
    %reduce_sum3A_99 = arith.constant dense<0.000000e+00> : vector<256xf32>
    %reduce_sum3A_100 = vector.multi_reduction <add>, %mul3A_98, %reduce_sum3A_99 [1] : vector<256x64xf32> to vector<256xf32>
    %broadcast_in_dim3A_101 = vector.shape_cast %reduce_sum3A_97 : vector<256xf32> to vector<256x1xf32>
    %broadcast_in_dim3A_102 = vector.shape_cast %reduce_sum3A_100 : vector<256xf32> to vector<1x256xf32>
    %add3A_103 = vector.broadcast %broadcast_in_dim3A_101 : vector<256x1xf32> to vector<256x256xf32>
    %add3A_104 = vector.broadcast %broadcast_in_dim3A_102 : vector<1x256xf32> to vector<256x256xf32>
    %add3A_105 = arith.addf %add3A_103, %add3A_104 : vector<256x256xf32>
    %mul3A_106 = arith.constant 2.000000e+00 : f32
    %mul3A_107 = vector.broadcast %mul3A_106 : f32 to vector<256x256xf32>
    %mul3A_108 = arith.mulf %mul3A_107, %dot_general3A_94 : vector<256x256xf32>
    %sub3A_109 = arith.subf %add3A_105, %mul3A_108 : vector<256x256xf32>
    %max3A_110 = arith.constant 0.000000e+00 : f32
    %max3A_111 = vector.broadcast %max3A_110 : f32 to vector<256x256xf32>
    %max3A_112 = arith.maximumf %sub3A_109, %max3A_111 : vector<256x256xf32>
    %min3A_113 = arith.minimumf %min3A_82, %max3A_112 : vector<256x256xf32>
    %get3A_114 = arith.constant 4 : index
    %get3A_115 = arith.constant 0 : index
    %get3A_116 = arith.constant 0 : index
    %get3A_117 = vector.load %arg2[%get3A_114, %get3A_115, %get3A_116] : memref<8x256x64xf32, #tpu.memory_space<vmem>>, vector<1x256x64xf32>
    %get3A_118 = vector.shape_cast %get3A_117 : vector<1x256x64xf32> to vector<256x64xf32>
    %get3A_119 = arith.constant 4 : index
    %get3A_120 = arith.constant 0 : index
    %get3A_121 = arith.constant 0 : index
    %get3A_122 = vector.load %arg3[%get3A_119, %get3A_120, %get3A_121] : memref<8x256x64xf32, #tpu.memory_space<vmem>>, vector<1x256x64xf32>
    %get3A_123 = vector.shape_cast %get3A_122 : vector<1x256x64xf32> to vector<256x64xf32>
    %dot_general3A_124 = arith.constant dense<0.000000e+00> : vector<256x256xf32>
    %dot_general3A_125 = tpu.matmul %get3A_118, %get3A_123, %dot_general3A_124 {dimension_numbers = #tpu.dot_dimension_numbers<[1], [1], [0], [0], [0, 0, 1, 0], [], []>, precision = #tpu.contract_precision<fp32>, transpose_lhs_hint = false} : vector<256x64xf32>, vector<256x64xf32>, vector<256x256xf32> -> vector<256x256xf32>
    %mul3A_126 = arith.mulf %get3A_118, %get3A_118 : vector<256x64xf32>
    %reduce_sum3A_127 = arith.constant dense<0.000000e+00> : vector<256xf32>
    %reduce_sum3A_128 = vector.multi_reduction <add>, %mul3A_126, %reduce_sum3A_127 [1] : vector<256x64xf32> to vector<256xf32>
    %mul3A_129 = arith.mulf %get3A_123, %get3A_123 : vector<256x64xf32>
    %reduce_sum3A_130 = arith.constant dense<0.000000e+00> : vector<256xf32>
    %reduce_sum3A_131 = vector.multi_reduction <add>, %mul3A_129, %reduce_sum3A_130 [1] : vector<256x64xf32> to vector<256xf32>
    %broadcast_in_dim3A_132 = vector.shape_cast %reduce_sum3A_128 : vector<256xf32> to vector<256x1xf32>
    %broadcast_in_dim3A_133 = vector.shape_cast %reduce_sum3A_131 : vector<256xf32> to vector<1x256xf32>
    %add3A_134 = vector.broadcast %broadcast_in_dim3A_132 : vector<256x1xf32> to vector<256x256xf32>
    %add3A_135 = vector.broadcast %broadcast_in_dim3A_133 : vector<1x256xf32> to vector<256x256xf32>
    %add3A_136 = arith.addf %add3A_134, %add3A_135 : vector<256x256xf32>
    %mul3A_137 = arith.constant 2.000000e+00 : f32
    %mul3A_138 = vector.broadcast %mul3A_137 : f32 to vector<256x256xf32>
    %mul3A_139 = arith.mulf %mul3A_138, %dot_general3A_125 : vector<256x256xf32>
    %sub3A_140 = arith.subf %add3A_136, %mul3A_139 : vector<256x256xf32>
    %max3A_141 = arith.constant 0.000000e+00 : f32
    %max3A_142 = vector.broadcast %max3A_141 : f32 to vector<256x256xf32>
    %max3A_143 = arith.maximumf %sub3A_140, %max3A_142 : vector<256x256xf32>
    %min3A_144 = arith.minimumf %min3A_113, %max3A_143 : vector<256x256xf32>
    %get3A_145 = arith.constant 5 : index
    %get3A_146 = arith.constant 0 : index
    %get3A_147 = arith.constant 0 : index
    %get3A_148 = vector.load %arg2[%get3A_145, %get3A_146, %get3A_147] : memref<8x256x64xf32, #tpu.memory_space<vmem>>, vector<1x256x64xf32>
    %get3A_149 = vector.shape_cast %get3A_148 : vector<1x256x64xf32> to vector<256x64xf32>
    %get3A_150 = arith.constant 5 : index
    %get3A_151 = arith.constant 0 : index
    %get3A_152 = arith.constant 0 : index
    %get3A_153 = vector.load %arg3[%get3A_150, %get3A_151, %get3A_152] : memref<8x256x64xf32, #tpu.memory_space<vmem>>, vector<1x256x64xf32>
    %get3A_154 = vector.shape_cast %get3A_153 : vector<1x256x64xf32> to vector<256x64xf32>
    %dot_general3A_155 = arith.constant dense<0.000000e+00> : vector<256x256xf32>
    %dot_general3A_156 = tpu.matmul %get3A_149, %get3A_154, %dot_general3A_155 {dimension_numbers = #tpu.dot_dimension_numbers<[1], [1], [0], [0], [0, 0, 1, 0], [], []>, precision = #tpu.contract_precision<fp32>, transpose_lhs_hint = false} : vector<256x64xf32>, vector<256x64xf32>, vector<256x256xf32> -> vector<256x256xf32>
    %mul3A_157 = arith.mulf %get3A_149, %get3A_149 : vector<256x64xf32>
    %reduce_sum3A_158 = arith.constant dense<0.000000e+00> : vector<256xf32>
    %reduce_sum3A_159 = vector.multi_reduction <add>, %mul3A_157, %reduce_sum3A_158 [1] : vector<256x64xf32> to vector<256xf32>
    %mul3A_160 = arith.mulf %get3A_154, %get3A_154 : vector<256x64xf32>
    %reduce_sum3A_161 = arith.constant dense<0.000000e+00> : vector<256xf32>
    %reduce_sum3A_162 = vector.multi_reduction <add>, %mul3A_160, %reduce_sum3A_161 [1] : vector<256x64xf32> to vector<256xf32>
    %broadcast_in_dim3A_163 = vector.shape_cast %reduce_sum3A_159 : vector<256xf32> to vector<256x1xf32>
    %broadcast_in_dim3A_164 = vector.shape_cast %reduce_sum3A_162 : vector<256xf32> to vector<1x256xf32>
    %add3A_165 = vector.broadcast %broadcast_in_dim3A_163 : vector<256x1xf32> to vector<256x256xf32>
    %add3A_166 = vector.broadcast %broadcast_in_dim3A_164 : vector<1x256xf32> to vector<256x256xf32>
    %add3A_167 = arith.addf %add3A_165, %add3A_166 : vector<256x256xf32>
    %mul3A_168 = arith.constant 2.000000e+00 : f32
    %mul3A_169 = vector.broadcast %mul3A_168 : f32 to vector<256x256xf32>
    %mul3A_170 = arith.mulf %mul3A_169, %dot_general3A_156 : vector<256x256xf32>
    %sub3A_171 = arith.subf %add3A_167, %mul3A_170 : vector<256x256xf32>
    %max3A_172 = arith.constant 0.000000e+00 : f32
    %max3A_173 = vector.broadcast %max3A_172 : f32 to vector<256x256xf32>
    %max3A_174 = arith.maximumf %sub3A_171, %max3A_173 : vector<256x256xf32>
    %min3A_175 = arith.minimumf %min3A_144, %max3A_174 : vector<256x256xf32>
    %get3A_176 = arith.constant 6 : index
    %get3A_177 = arith.constant 0 : index
    %get3A_178 = arith.constant 0 : index
    %get3A_179 = vector.load %arg2[%get3A_176, %get3A_177, %get3A_178] : memref<8x256x64xf32, #tpu.memory_space<vmem>>, vector<1x256x64xf32>
    %get3A_180 = vector.shape_cast %get3A_179 : vector<1x256x64xf32> to vector<256x64xf32>
    %get3A_181 = arith.constant 6 : index
    %get3A_182 = arith.constant 0 : index
    %get3A_183 = arith.constant 0 : index
    %get3A_184 = vector.load %arg3[%get3A_181, %get3A_182, %get3A_183] : memref<8x256x64xf32, #tpu.memory_space<vmem>>, vector<1x256x64xf32>
    %get3A_185 = vector.shape_cast %get3A_184 : vector<1x256x64xf32> to vector<256x64xf32>
    %dot_general3A_186 = arith.constant dense<0.000000e+00> : vector<256x256xf32>
    %dot_general3A_187 = tpu.matmul %get3A_180, %get3A_185, %dot_general3A_186 {dimension_numbers = #tpu.dot_dimension_numbers<[1], [1], [0], [0], [0, 0, 1, 0], [], []>, precision = #tpu.contract_precision<fp32>, transpose_lhs_hint = false} : vector<256x64xf32>, vector<256x64xf32>, vector<256x256xf32> -> vector<256x256xf32>
    %mul3A_188 = arith.mulf %get3A_180, %get3A_180 : vector<256x64xf32>
    %reduce_sum3A_189 = arith.constant dense<0.000000e+00> : vector<256xf32>
    %reduce_sum3A_190 = vector.multi_reduction <add>, %mul3A_188, %reduce_sum3A_189 [1] : vector<256x64xf32> to vector<256xf32>
    %mul3A_191 = arith.mulf %get3A_185, %get3A_185 : vector<256x64xf32>
    %reduce_sum3A_192 = arith.constant dense<0.000000e+00> : vector<256xf32>
    %reduce_sum3A_193 = vector.multi_reduction <add>, %mul3A_191, %reduce_sum3A_192 [1] : vector<256x64xf32> to vector<256xf32>
    %broadcast_in_dim3A_194 = vector.shape_cast %reduce_sum3A_190 : vector<256xf32> to vector<256x1xf32>
    %broadcast_in_dim3A_195 = vector.shape_cast %reduce_sum3A_193 : vector<256xf32> to vector<1x256xf32>
    %add3A_196 = vector.broadcast %broadcast_in_dim3A_194 : vector<256x1xf32> to vector<256x256xf32>
    %add3A_197 = vector.broadcast %broadcast_in_dim3A_195 : vector<1x256xf32> to vector<256x256xf32>
    %add3A_198 = arith.addf %add3A_196, %add3A_197 : vector<256x256xf32>
    %mul3A_199 = arith.constant 2.000000e+00 : f32
    %mul3A_200 = vector.broadcast %mul3A_199 : f32 to vector<256x256xf32>
    %mul3A_201 = arith.mulf %mul3A_200, %dot_general3A_187 : vector<256x256xf32>
    %sub3A_202 = arith.subf %add3A_198, %mul3A_201 : vector<256x256xf32>
    %max3A_203 = arith.constant 0.000000e+00 : f32
    %max3A_204 = vector.broadcast %max3A_203 : f32 to vector<256x256xf32>
    %max3A_205 = arith.maximumf %sub3A_202, %max3A_204 : vector<256x256xf32>
    %min3A_206 = arith.minimumf %min3A_175, %max3A_205 : vector<256x256xf32>
    %get3A_207 = arith.constant 7 : index
    %get3A_208 = arith.constant 0 : index
    %get3A_209 = arith.constant 0 : index
    %get3A_210 = vector.load %arg2[%get3A_207, %get3A_208, %get3A_209] : memref<8x256x64xf32, #tpu.memory_space<vmem>>, vector<1x256x64xf32>
    %get3A_211 = vector.shape_cast %get3A_210 : vector<1x256x64xf32> to vector<256x64xf32>
    %get3A_212 = arith.constant 7 : index
    %get3A_213 = arith.constant 0 : index
    %get3A_214 = arith.constant 0 : index
    %get3A_215 = vector.load %arg3[%get3A_212, %get3A_213, %get3A_214] : memref<8x256x64xf32, #tpu.memory_space<vmem>>, vector<1x256x64xf32>
    %get3A_216 = vector.shape_cast %get3A_215 : vector<1x256x64xf32> to vector<256x64xf32>
    %dot_general3A_217 = arith.constant dense<0.000000e+00> : vector<256x256xf32>
    %dot_general3A_218 = tpu.matmul %get3A_211, %get3A_216, %dot_general3A_217 {dimension_numbers = #tpu.dot_dimension_numbers<[1], [1], [0], [0], [0, 0, 1, 0], [], []>, precision = #tpu.contract_precision<fp32>, transpose_lhs_hint = false} : vector<256x64xf32>, vector<256x64xf32>, vector<256x256xf32> -> vector<256x256xf32>
    %mul3A_219 = arith.mulf %get3A_211, %get3A_211 : vector<256x64xf32>
    %reduce_sum3A_220 = arith.constant dense<0.000000e+00> : vector<256xf32>
    %reduce_sum3A_221 = vector.multi_reduction <add>, %mul3A_219, %reduce_sum3A_220 [1] : vector<256x64xf32> to vector<256xf32>
    %mul3A_222 = arith.mulf %get3A_216, %get3A_216 : vector<256x64xf32>
    %reduce_sum3A_223 = arith.constant dense<0.000000e+00> : vector<256xf32>
    %reduce_sum3A_224 = vector.multi_reduction <add>, %mul3A_222, %reduce_sum3A_223 [1] : vector<256x64xf32> to vector<256xf32>
    %broadcast_in_dim3A_225 = vector.shape_cast %reduce_sum3A_221 : vector<256xf32> to vector<256x1xf32>
    %broadcast_in_dim3A_226 = vector.shape_cast %reduce_sum3A_224 : vector<256xf32> to vector<1x256xf32>
    %add3A_227 = vector.broadcast %broadcast_in_dim3A_225 : vector<256x1xf32> to vector<256x256xf32>
    %add3A_228 = vector.broadcast %broadcast_in_dim3A_226 : vector<1x256xf32> to vector<256x256xf32>
    %add3A_229 = arith.addf %add3A_227, %add3A_228 : vector<256x256xf32>
    %mul3A_230 = arith.constant 2.000000e+00 : f32
    %mul3A_231 = vector.broadcast %mul3A_230 : f32 to vector<256x256xf32>
    %mul3A_232 = arith.mulf %mul3A_231, %dot_general3A_218 : vector<256x256xf32>
    %sub3A_233 = arith.subf %add3A_229, %mul3A_232 : vector<256x256xf32>
    %max3A_234 = arith.constant 0.000000e+00 : f32
    %max3A_235 = vector.broadcast %max3A_234 : f32 to vector<256x256xf32>
    %max3A_236 = arith.maximumf %sub3A_233, %max3A_235 : vector<256x256xf32>
    %min3A_237 = arith.minimumf %min3A_206, %max3A_236 : vector<256x256xf32>
    %mul3A_238 = arith.constant 256 : i32
    %mul3A_239 = arith.muli %arg0, %mul3A_238 : i32
    %iota3A = tpu.iota {dimensions = array<i32: 0>} : vector<256x256xi32>
    %add3A_240 = vector.broadcast %mul3A_239 : i32 to vector<256x256xi32>
    %add3A_241 = arith.addi %add3A_240, %iota3A : vector<256x256xi32>
    %mul3A_242 = arith.constant 256 : i32
    %mul3A_243 = arith.muli %arg1, %mul3A_242 : i32
    %iota3A_244 = tpu.iota {dimensions = array<i32: 1>} : vector<256x256xi32>
    %add3A_245 = vector.broadcast %mul3A_243 : i32 to vector<256x256xi32>
    %add3A_246 = arith.addi %add3A_245, %iota3A_244 : vector<256x256xi32>
    %eq3A = arith.cmpi eq, %add3A_241, %add3A_246 : vector<256x256xi32>
    %jit3A = arith.constant 0.000000e+00 : f32
    %broadcast_in_dim3A_247 = vector.broadcast %jit3A : f32 to vector<256x256xf32>
    %select_n3A = arith.select %eq3A, %broadcast_in_dim3A_247, %min3A_237 : vector<256x256xi1>, vector<256x256xf32>
    %swap3A = arith.constant 0 : index
    %swap3A_248 = arith.constant 0 : index
    %swap3A_249 = vector.load %arg4[%swap3A, %swap3A_248] : memref<256x256xf32, #tpu.memory_space<vmem>>, vector<256x256xf32>
    tpu.vector_store %arg4[%swap3A, %swap3A_248], %select_n3A {strides = array<i32>} : memref<256x256xf32, #tpu.memory_space<vmem>>, vector<256x256xf32>,
    return
  }
  func.func @transform_0(%arg0: i32, %arg1: i32) -> (i32, i32, i32) {
    %c0_i32 = arith.constant 0 : i32
    %c0_i32_0 = arith.constant 0 : i32
    %c0_i32_1 = arith.constant 0 : i32
    return %c0_i32, %arg0, %c0_i32_0 : i32, i32, i32
  }
  func.func @transform_1(%arg0: i32, %arg1: i32) -> (i32, i32, i32) {
    %c0_i32 = arith.constant 0 : i32
    %c0_i32_0 = arith.constant 0 : i32
    %c0_i32_1 = arith.constant 0 : i32
    return %c0_i32, %arg1, %c0_i32_0 : i32, i32, i32
  }
  func.func @transform_2(%arg0: i32, %arg1: i32) -> (i32, i32) {
    %c0_i32 = arith.constant 0 : i32
    return %arg0, %arg1 : i32, i32
  }
}

module attributes {stable_mosaic.version = 14 : i64} {
  func.func @_finish_body(%arg0: memref<2x256xf32, #tpu.memory_space<vmem>>, %arg1: memref<1x1xf32, #tpu.memory_space<vmem>>) attributes {dimension_semantics = [], scalar_prefetch = 0 : i64, scratch_operands = 0 : i64, tpu.core_type = #tpu.core_type<tc>} {
    %iota3A = tpu.iota {dimensions = array<i32: 0>} : vector<256x256xi32>
    %iota3A_0 = tpu.iota {dimensions = array<i32: 1>} : vector<256x256xi32>
    %iota3A_1 = tpu.iota {dimensions = array<i32: 1>} : vector<256x256xi32>
    %get3A = arith.constant 0 : index
    %get3A_2 = arith.constant 0 : index
    %get3A_3 = vector.load %arg0[%get3A, %get3A_2] : memref<2x256xf32, #tpu.memory_space<vmem>>, vector<1x256xf32>
    %transpose3A = tpu.transpose %get3A_3, [1, 0] : vector<1x256xf32> -> vector<256x1xf32>
    %gt3A = vector.broadcast %get3A_3 : vector<1x256xf32> to vector<256x256xf32>
    %gt3A_4 = vector.broadcast %transpose3A : vector<256x1xf32> to vector<256x256xf32>
    %gt3A_5 = arith.cmpf ogt, %gt3A, %gt3A_4 : vector<256x256xf32>
    %eq3A = vector.broadcast %get3A_3 : vector<1x256xf32> to vector<256x256xf32>
    %eq3A_6 = vector.broadcast %transpose3A : vector<256x1xf32> to vector<256x256xf32>
    %eq3A_7 = arith.cmpf oeq, %eq3A, %eq3A_6 : vector<256x256xf32>
    %lt3A = arith.cmpi slt, %iota3A_0, %iota3A : vector<256x256xi32>
    %and3A = arith.andi %eq3A_7, %lt3A : vector<256x256xi1>
    %or3A = arith.ori %gt3A_5, %and3A : vector<256x256xi1>
    %jit3A = arith.constant 1.000000e+00 : f32
    %jit3A_8 = arith.constant 0.000000e+00 : f32
    %broadcast_in_dim3A = vector.broadcast %jit3A : f32 to vector<256x256xf32>
    %broadcast_in_dim3A_9 = vector.broadcast %jit3A_8 : f32 to vector<256x256xf32>
    %select_n3A = arith.select %or3A, %broadcast_in_dim3A, %broadcast_in_dim3A_9 : vector<256x256xi1>, vector<256x256xf32>
    %reduce_sum3A = arith.constant dense<0.000000e+00> : vector<256xf32>
    %reduce_sum3A_10 = vector.multi_reduction <add>, %select_n3A, %reduce_sum3A [1] : vector<256x256xf32> to vector<256xf32>
    %broadcast_in_dim3A_11 = vector.shape_cast %reduce_sum3A_10 : vector<256xf32> to vector<256x1xf32>
    %convert_element_type3A = arith.sitofp %iota3A_1 : vector<256x256xi32> to vector<256x256xf32>
    %eq3A_12 = vector.broadcast %broadcast_in_dim3A_11 : vector<256x1xf32> to vector<256x256xf32>
    %eq3A_13 = arith.cmpf oeq, %eq3A_12, %convert_element_type3A : vector<256x256xf32>
    %jit3A_14 = arith.constant 1.000000e+00 : f32
    %jit3A_15 = arith.constant 0.000000e+00 : f32
    %broadcast_in_dim3A_16 = vector.broadcast %jit3A_14 : f32 to vector<256x256xf32>
    %broadcast_in_dim3A_17 = vector.broadcast %jit3A_15 : f32 to vector<256x256xf32>
    %select_n3A_18 = arith.select %eq3A_13, %broadcast_in_dim3A_16, %broadcast_in_dim3A_17 : vector<256x256xi1>, vector<256x256xf32>
    %dot_general3A = arith.constant dense<0.000000e+00> : vector<256x1xf32>
    %dot_general3A_19 = tpu.matmul %select_n3A_18, %transpose3A, %dot_general3A {dimension_numbers = #tpu.dot_dimension_numbers<[0], [0], [1], [1], [0, 1, 1, 1], [], []>, precision = #tpu.contract_precision<fp32>, transpose_lhs_hint = false} : vector<256x256xf32>, vector<256x1xf32>, vector<256x1xf32> -> vector<256x1xf32>
    %sqrt3A = math.sqrt %dot_general3A_19 : vector<256x1xf32>
    %get3A_20 = arith.constant 1 : index
    %get3A_21 = arith.constant 0 : index
    %get3A_22 = vector.load %arg0[%get3A_20, %get3A_21] : memref<2x256xf32, #tpu.memory_space<vmem>>, vector<1x256xf32>
    %transpose3A_23 = tpu.transpose %get3A_22, [1, 0] : vector<1x256xf32> -> vector<256x1xf32>
    %lt3A_24 = vector.broadcast %get3A_22 : vector<1x256xf32> to vector<256x256xf32>
    %lt3A_25 = vector.broadcast %transpose3A_23 : vector<256x1xf32> to vector<256x256xf32>
    %lt3A_26 = arith.cmpf olt, %lt3A_24, %lt3A_25 : vector<256x256xf32>
    %eq3A_27 = vector.broadcast %get3A_22 : vector<1x256xf32> to vector<256x256xf32>
    %eq3A_28 = vector.broadcast %transpose3A_23 : vector<256x1xf32> to vector<256x256xf32>
    %eq3A_29 = arith.cmpf oeq, %eq3A_27, %eq3A_28 : vector<256x256xf32>
    %lt3A_30 = arith.cmpi slt, %iota3A_0, %iota3A : vector<256x256xi32>
    %and3A_31 = arith.andi %eq3A_29, %lt3A_30 : vector<256x256xi1>
    %or3A_32 = arith.ori %lt3A_26, %and3A_31 : vector<256x256xi1>
    %jit3A_33 = arith.constant 1.000000e+00 : f32
    %jit3A_34 = arith.constant 0.000000e+00 : f32
    %broadcast_in_dim3A_35 = vector.broadcast %jit3A_33 : f32 to vector<256x256xf32>
    %broadcast_in_dim3A_36 = vector.broadcast %jit3A_34 : f32 to vector<256x256xf32>
    %select_n3A_37 = arith.select %or3A_32, %broadcast_in_dim3A_35, %broadcast_in_dim3A_36 : vector<256x256xi1>, vector<256x256xf32>
    %reduce_sum3A_38 = arith.constant dense<0.000000e+00> : vector<256xf32>
    %reduce_sum3A_39 = vector.multi_reduction <add>, %select_n3A_37, %reduce_sum3A_38 [1] : vector<256x256xf32> to vector<256xf32>
    %broadcast_in_dim3A_40 = vector.shape_cast %reduce_sum3A_39 : vector<256xf32> to vector<256x1xf32>
    %convert_element_type3A_41 = arith.sitofp %iota3A_1 : vector<256x256xi32> to vector<256x256xf32>
    %eq3A_42 = vector.broadcast %broadcast_in_dim3A_40 : vector<256x1xf32> to vector<256x256xf32>
    %eq3A_43 = arith.cmpf oeq, %eq3A_42, %convert_element_type3A_41 : vector<256x256xf32>
    %jit3A_44 = arith.constant 1.000000e+00 : f32
    %jit3A_45 = arith.constant 0.000000e+00 : f32
    %broadcast_in_dim3A_46 = vector.broadcast %jit3A_44 : f32 to vector<256x256xf32>
    %broadcast_in_dim3A_47 = vector.broadcast %jit3A_45 : f32 to vector<256x256xf32>
    %select_n3A_48 = arith.select %eq3A_43, %broadcast_in_dim3A_46, %broadcast_in_dim3A_47 : vector<256x256xi1>, vector<256x256xf32>
    %dot_general3A_49 = arith.constant dense<0.000000e+00> : vector<256x1xf32>
    %dot_general3A_50 = tpu.matmul %select_n3A_48, %transpose3A_23, %dot_general3A_49 {dimension_numbers = #tpu.dot_dimension_numbers<[0], [0], [1], [1], [0, 1, 1, 1], [], []>, precision = #tpu.contract_precision<fp32>, transpose_lhs_hint = false} : vector<256x256xf32>, vector<256x1xf32>, vector<256x1xf32> -> vector<256x1xf32>
    %sqrt3A_51 = math.sqrt %dot_general3A_50 : vector<256x1xf32>
    %add3A = arith.constant 5.000000e-01 : f32
    %add3A_52 = vector.broadcast %add3A : f32 to vector<256x1xf32>
    %add3A_53 = arith.addf %add3A_52, %sqrt3A_51 : vector<256x1xf32>
    %sub3A = arith.subf %add3A_53, %sqrt3A : vector<256x1xf32>
    %max3A = arith.constant 0.000000e+00 : f32
    %max3A_54 = vector.broadcast %max3A : f32 to vector<256x1xf32>
    %max3A_55 = arith.maximumf %sub3A, %max3A_54 : vector<256x1xf32>
    %reduce_sum3A_56 = arith.constant dense<0.000000e+00> : vector<1xf32>
    %reduce_sum3A_57 = vector.multi_reduction <add>, %max3A_55, %reduce_sum3A_56 [0] : vector<256x1xf32> to vector<1xf32>
    %broadcast_in_dim3A_58 = vector.shape_cast %reduce_sum3A_57 : vector<1xf32> to vector<1x1xf32>
    %mul3A = arith.constant 5.000000e-01 : f32
    %mul3A_59 = vector.broadcast %mul3A : f32 to vector<1x1xf32>
    %mul3A_60 = arith.mulf %broadcast_in_dim3A_58, %mul3A_59 : vector<1x1xf32>
    %swap3A = arith.constant 0 : index
    %swap3A_61 = arith.constant 0 : index
    %swap3A_62 = vector.load %arg1[%swap3A, %swap3A_61] : memref<1x1xf32, #tpu.memory_space<vmem>>, vector<1x1xf32>
    tpu.vector_store %arg1[%swap3A, %swap3A_61], %mul3A_60 {strides = array<i32>} : memref<1x1xf32, #tpu.memory_space<vmem>>, vector<1x1xf32>,
    return
  }
}

</mosaic_0001>

<sc_bundles>
// kernel: kernel.7.cloned.1.call-start
scs
__scs_entry_jumppad:
0x0: {  	(pc) =	sbr.rel $0x88, $3  }
0x1: {  	(tag) =	ssettag $0x0;
	lr =	simm.s32 $0x1  }
0x2: {  	[smem:$0x3F9E] =	sst lr;
	_ =	strace $0xD0000000  }
0x3: {  	_ = 	snop  }
0x4: {  	_ = 	snop  }
0x5: {  	_ = 	snop  }
0x6: {  	_ = 	snop  }
0x7: {  	_ = 	snop  }
__scs_overlays_trampoline_lowered:
0x8: {  	[smem:$0x3FAD] =	sst s0  }
0x9: {  	[smem:$0x3FAE] =	sst s1  }
0xa: {  	[smem:$0x3FAF] =	sst s2  }
0xb: {  	[smem:$0x3FB0] =	sst s3  }
0xc: {  	[smem:$0x3FB1] =	sst s4  }
0xd: {  	[smem:$0x3FB2] =	sst s5  }
0xe: {  	[smem:$0x3FB3] =	sst s6  }
0xf: {  	[smem:$0x3FB4] =	sst s7  }
0x10: {  	[smem:$0x3FB5] =	sst s8  }
0x11: {  	[smem:$0x3FB6] =	sst s9;
	s0 =	simm.s32 @!p0 $0x0  }
0x12: {  	s1 =	sld [smem:$0x3F9C];
	s0 =	simm.s32 @p0 $0x1  }
0x13: {  	[smem:$0x3FB7] =	sst s0;
	s0 =	simm.s32 @!p1 $0x0  }
0x14: {  	s2 =	sld [smem:$0x3F9B];
	s0 =	simm.s32 @p1 $0x1  }
0x15: {  	[smem:$0x3FB8] =	sst s0;
	s0 =	simm.s32 @!p2 $0x0  }
0x16: {  	s3 =	sld [smem:$0x3FDB];
	s0 =	simm.s32 @p2 $0x1  }
0x17: {  	s4 =	simm.s32 $0x1BF5;
	[smem:$0x3FBA] =	sst s0  }
0x18: {  	s0 =	sld [smem:$0x3F9D];
	_ =	swait.ge [sflag:s4], $0x0  }
0x19: {  	s7 =	sld [smem:$0x3F9E]  }
0x1a: {  	s8 =	sadd.s32 $0xFFFFE003, lr  }
0x1b: {  	s9 =	sadd.s32 $0xFFFFFEF7, lr;
	s5 =	simm.s32 $0xFFFFFFFF;
	p2 =	slt.u32 s8, $0xFFFFF086  }
0x1c: {  	p1 =	slt.u32 s9, $0xF7A;
	s5 =	simm.s32 @!p2 $0x0  }
0x1d: {  	s5 =	simm.s32 @p1 $0x1;
	p0 =	seq.s32 s7, s2  }
0x1e: {  	s7 =	smul.u32 @!p0 $0xF7A, s2;
	p2 =	seq.s32 @!p0 s5, $0x0  }
0x1f: {  	s9 =	smul.u32 $0xF7A, s1;
	s8 =	simm.s32 @!p0 $0x1BF5;
	p2 =	por !p2, p0  }
0x20: {  	[sflag:s8] =	ssyncset.s32 @!p0 $0xFFFFF086;
	s6 =	sadd.s32 @!p0 s3, s7;
	s7 =	simm.s32 @!p0 $0x108  }
0x21: {  	s3 =	sadd.s32 s3, s9;
	s6 =	sadd.s32 @!p0 $0x88, s6;
	s7 =	simm.s32 @p2 $0x1082  }
0x22: {  	[simem:s7], [sflag:s8] =	dma.local @!p0 [hbm:s6], $0xF7A  }
0x23: {  	s9 =	sor.u32 $0xD0000000, s2;
	s6 =	simm.s32 $0x108;
	_ =	swait.ge @!p0 [sflag:s8], $0x0  }
0x24: {  	s3 =	sadd.s32 $0x88, s3;
	s6 =	simm.s32 @!p1 $0x1082;
	[sflag:s4] =	ssyncset.s32 $0xFFFFF086  }
0x25: {  	[simem:s6], [sflag:s4] =	dma.local [hbm:s3], $0xF7A  }
0x26: {  	[smem:$0x3F9E] =	sst s1;
	(tag) =	ssettag s2;
	_ =	strace s9  }
0x27: {  	s1 =	sld [smem:$0x3FAE]  }
0x28: {  	s2 =	sld [smem:$0x3FAF]  }
0x29: {  	s4 =	sld [smem:$0x3FB1]  }
0x2a: {  	p0 =	seq.s32 s5, $0x0;
	s5 =	sld [smem:$0x3FB2]  }
0x2b: {  	s6 =	sld [smem:$0x3FB3]  }
0x2c: {  	s7 =	sld [smem:$0x3FB4]  }
0x2d: {  	s3 =	simm.s32 $0x108;
	s8 =	sld [smem:$0x3FB5]  }
0x2e: {  	s3 =	simm.s32 @!p0 $0x1082;
	s9 =	sld [smem:$0x3FB6]  }
0x2f: {  	lr =	sadd.s32 s0, s3;
	s0 =	sld [smem:$0x3FAD]  }
0x30: {  	s3 =	sld [smem:$0x3FB0]  }
0x31: {  	[smem:$0x3FB9] =	sst s10  }
0x32: {  	s10 =	sld [smem:$0x3FB7];
	_ =	sdelay $0x3  }
0x33: {  	p0 =	seq.s32 s10, $0x1;
	s10 =	sld [smem:$0x3FB9];
	_ =	sdelay $0x3  }
0x34: {  	[smem:$0x3FB9] =	sst s10  }
0x35: {  	s10 =	sld [smem:$0x3FB8];
	_ =	sdelay $0x3  }
0x36: {  	p1 =	seq.s32 s10, $0x1;
	s10 =	sld [smem:$0x3FB9];
	_ =	sdelay $0x3  }
0x37: {  	[smem:$0x3FB9] =	sst s10  }
0x38: {  	s10 =	sld [smem:$0x3FBA]  }
0x39: {  	_ = 	snop;
	(pc) =	sbr.ind lr, $3  }
0x3a: {  	_ = 	snop  }
0x3b: {  	_ = 	snop  }
0x3c: {  	p2 =	seq.s32 s10, $0x1;
	s10 =	sld [smem:$0x3FB9]  }
0x3d: {  	_ =	shalt  }
0x3e: {  	_ =	shalt  }
0x3f: {  	_ =	shalt  }
0x40: {  	_ =	shalt  }
0x41: {  	_ =	shalt  }
0x42: {  	_ =	shalt  }
0x43: {  	_ =	shalt  }
0x44: {  	_ =	shalt  }
0x45: {  	_ =	shalt  }
0x46: {  	_ =	shalt  }
0x47: {  	_ =	shalt  }
0x48: {  	_ =	shalt  }
0x49: {  	_ =	shalt  }
0x4a: {  	_ =	shalt  }
0x4b: {  	_ =	shalt  }
0x4c: {  	_ =	shalt  }
0x4d: {  	_ =	shalt  }
0x4e: {  	_ =	shalt  }
0x4f: {  	_ =	shalt  }
0x50: {  	_ =	shalt  }
0x51: {  	_ =	shalt  }
0x52: {  	_ =	shalt  }
0x53: {  	_ =	shalt  }
0x54: {  	_ =	shalt  }
0x55: {  	_ =	shalt  }
0x56: {  	_ =	shalt  }
0x57: {  	_ =	shalt  }
0x58: {  	_ =	shalt  }
0x59: {  	_ =	shalt  }
0x5a: {  	_ =	shalt  }
0x5b: {  	_ =	shalt  }
0x5c: {  	_ =	shalt  }
0x5d: {  	_ =	shalt  }
0x5e: {  	_ =	shalt  }
0x5f: {  	_ =	shalt  }
0x60: {  	_ =	shalt  }
0x61: {  	_ =	shalt  }
0x62: {  	_ =	shalt  }
0x63: {  	_ =	shalt  }
0x64: {  	_ =	shalt  }
0x65: {  	_ =	shalt  }
0x66: {  	_ =	shalt  }
0x67: {  	_ =	shalt  }
0x68: {  	_ =	shalt  }
0x69: {  	_ =	shalt  }
0x6a: {  	_ =	shalt  }
0x6b: {  	_ =	shalt  }
0x6c: {  	_ =	shalt  }
0x6d: {  	_ =	shalt  }
0x6e: {  	_ =	shalt  }
0x6f: {  	_ =	shalt  }
0x70: {  	_ =	shalt  }
0x71: {  	_ =	shalt  }
0x72: {  	_ =	shalt  }
0x73: {  	_ =	shalt  }
0x74: {  	_ =	shalt  }
0x75: {  	_ =	shalt  }
0x76: {  	_ =	shalt  }
0x77: {  	_ =	shalt  }
0x78: {  	_ =	shalt  }
0x79: {  	_ =	shalt  }
0x7a: {  	_ =	shalt  }
0x7b: {  	_ =	shalt  }
0x7c: {  	_ =	shalt  }
0x7d: {  	_ =	shalt  }
0x7e: {  	_ =	shalt  }
0x7f: {  	_ =	shalt  }
0x80: {  	_ =	shalt  }
0x81: {  	_ =	shalt  }
0x82: {  	_ =	shalt  }
0x83: {  	_ =	shalt  }
0x84: {  	_ =	shalt  }
0x85: {  	_ =	shalt  }
0x86: {  	_ =	shalt  }
0x87: {  	_ =	shalt  }
.Lfunc_end0:
.L_simem_size_0:
called_computation_lowered:
.L_overlay_start_0:
0x88: {  	s0 =	sld [smem:$0x3FD9]  }
0x89: {  	s1 =	sld [smem:$0x3FFE];
	_ =	sdelay $0x3  }
0x8a: {  	s0 =	sadd.s32 s1, s0  }
0x8b: {  	[smem:$0x3FC5] =	sst s0  }
0x8c: {  	_ = 	snop  }
0x8d: {  	(tm) =	ssettm $0x1  }
0x8e: {  	s15 =	sld [smem:$0x3FFB];
	_ =	sdelay $0x3  }
0x8f: {  	_ =	strace s15  }
0x90: {  	s0 =	sld [smem:$0x3FFC];
	_ =	sdelay $0x3  }
0x91: {  	_ =	strace s0  }
0x92: {  	s0 =	sld [smem:$0x3FFD];
	_ =	sdelay $0x3  }
0x93: {  	_ =	strace s0  }
0x94: {  	_ =	strace $0x8FFFFFFF  }
0x95: {  	s16 =	sld [smem:$0x3FDB];
	_ =	sdelay $0x1  }
0x96: {  	s17 =	simm.s32 $_scs_section_size  }
0x97: {  	s2 =	simm.s32 $_size__tile_overlayer_lowered;
	s3 =	simm.s32 $_tile_overlayer_lowered  }
0x98: {  	s20 =	simm.s32 $0x1BFF;
	s19 =	sshll.u32 s3, $0x1;
	s0 =	sadd.s32 s17, s16  }
0x99: {  	s4 =	simm.s32 $0x0;
	s18 =	sshll.u32 s2, $0x1;
	s2 =	sadd.s32 s19, s0  }
0x9a: {  	[timem:s4], [sflag:s20] =	dma.local [hbm:s2], s18  }
0x9b: {  	_ =	swait.ge [sflag:s20], s18  }
0x9c: {  	s1 =	ssub.s32 $0x0, s18;
	[sflag:s20] =	ssyncset.done $0x0  }
0x9d: {  	[sflag:s20] =	ssyncadd.s32 s1;
	_ =	sdelay $0x1  }
0x9e: {  	s21 =	simm.s32 $0x1B8B  }
0x9f: {  	_ =	swait.ge [sflag:s21], $0x1  }
0xa0: {  	[sflag:s21] =	ssyncset.done $0x0  }
0xa1: {  	s23 =	simm.s32 $0x1B8E;
	s22 =	sld [smem:$0x3FFE];
	[sflag:s21] =	ssyncadd.s32 $0xFFFFFFFF  }
0xa2: {  	s24 =	simm.s32 $execute0_lowered;
	[smem:$0x3FD2] =	sst s23  }
0xa3: {  	s2 =	sshll.u32 s24, $0x1;
	_ =	strace $0x80000046;
	[dreg:$0x1] =	wrdreg $0xFFFFFFFF  }
0xa4: {  	s25 =	simm.s32 $_size_execute0_lowered;
	s0 =	sadd.s32 s0, s2;
	[dreg:$0x0] =	wrdreg $0x0  }
0xa5: {  	s2 =	sshll.u32 s25, $0x1;
	[dreg:$0x2] =	wrdreg s0  }
0xa6: {  	[dreg:$0x3] =	wrdreg s2  }
0xa7: {  	[dreg:$0x4] =	wrdreg $0xC0  }
0xa8: {  	_ =	task [dreg:s4], $0x5FFFF  }
0xa9: {  	[dreg:$0x1] =	wrdreg $0xFFFFFFFF  }
0xaa: {  	[dreg:$0x0] =	wrdreg $0x60  }
0xab: {  	[dreg:$0x2] =	wrdreg s22  }
0xac: {  	[dreg:$0x3] =	wrdreg $0x1B7800  }
0xad: {  	[dreg:$0x4] =	wrdreg $0x1BF800  }
0xae: {  	[dreg:$0x5] =	wrdreg $0x1C1A80  }
0xaf: {  	[dreg:$0x6] =	wrdreg $0x1BF880  }
0xb0: {  	[dreg:$0x7] =	wrdreg $0x1C0980  }
0xb1: {  	[dreg:$0x8] =	wrdreg $0x9  }
0xb2: {  	_ =	task.clear_ibuf [dreg:s4], $0x9FFFF;
	_ =	strace $0x90000046  }
0xb3: {  	s26 =	simm.s32 $0x9;
	_ =	strace $0x80000048  }
0xb4: {  	_ =	swait.ge [sflag:s26], $0x1  }
0xb5: {  	[sflag:s26] =	ssyncadd.s32 $0xFFFFFFFF  }
0xb6: {  	_ =	strace $0x90000048  }
0xb7: {  	_ =	sfence  }
0xb8: {  	s28 =	sld [smem:$0x0];
	_ =	sdelay $0x1  }
0xb9: {  	s29 =	srdreg.scid  }
0xba: {  	s30 =	sshll.u32 s29, $0xD;
	s31 =	sshrl.u32 s29, $0x2  }
0xbb: {  	s1 =	sand.u32 $0x1, s29;
	s2 =	sand.u32 $0x4000, s30;
	s0 =	sadd.s32 s31, s28  }
0xbc: {  	s1 =	sor.u32 s2, s1;
	s0 =	sshll.u32 s0, $0x11  }
0xbd: {  	s0 =	sor.u32 s0, s1  }
0xbe: {  	s0 =	sadd.s32 $0x8F2B, s0  }
0xbf: {  	[sflag:s0] =	ssyncadd.remote.s32 $0x1  }
0xc0: {  	_ =	sfence.sel $0xFFFF  }
0xc1: {  	[dreg:$0x0] =	wrdreg $0xFFFFFFFF;
	(pc) =	sbr.abs _section_cstart, $3  }
0xc2: {  	[dreg:$0x1] =	wrdreg $0xFFFFFFFF  }
0xc3: {  	_ =	task.clear_ibuf [dreg:s4], $0x2FFFF;
	_ =	strace $0x9FFFFFFF  }
0xc4: {  	(tm) =	ssettm $0x7FFFFFFF  }
0xc5: {  	_ =	shalt  }
tec
execute0_lowered:
.L_overlay_start_1:
0x0: {  	(tag) =	ssettag $0x1  }
0x1: {  	s8 =	rddreg [dreg:$0x0]  }
0x2: {  	s6 =	rddreg [dreg:$0x1]  }
0x3: {  	s4 =	rddreg [dreg:$0x2]  }
0x4: {  	s3 =	rddreg [dreg:$0x3]  }
0x5: {  	s2 =	rddreg [dreg:$0x4]  }
0x6: {  	s1 =	rddreg [dreg:$0x5];
	s7 =	stileid.u32  }
0x7: {  	s0 =	rddreg [dreg:$0x6];
	s5 =	simm.s32 $0x0;
	s9 =	sshll.u32 s7, $0xD  }
0x8: {  	[smem:$0x7FF] =	sst s5;
	s9 =	sadd.s32 s9, s8  }
0x9: {  	s31 =	simm.s32 $0x1;
	_ =	strace $0x80000047;
	s9 =	sadd.s32 $0xE00, s9  }
0xa: {  	[tilespmem:s5], [sflag:$0x1] =	stream.linear.gather [hbm4b:s9+s5], $0x10000, $0x38;
	[tilespmem:$0x1C1B8] =	vst v63  }
0xb: {  	_ =	swait.ge [sflag:s31], $0x10000  }
0xc: {  	[sflag:s31] =	ssyncset.done $0x0  }
0xd: {  	v0 =	vimm.s32 $0x0;
	s11 =	sadd.s32 $0x20E00, s8;
	s8 =	simm.s32 $0x0;
	[sflag:s31] =	ssyncadd.s32 $0xFFFF0000  }
.LBB2_1:
0xe: {  	p0 =	sne.s32 s8, $0x1FFC0  }
.Ltmp0:
0xf: {  	_ = 	snop;
	(pc) =	sbr.rel @p0 .LBB2_1-.Ltmp0, $3  }
0x10: {  	_ =	sdelay $0x1  }
0x11: {  	s9 =	sshra.s32 s8, $0x2  }
0x12: {  	s8 =	sadd.s32 $0x40, s8;
	[tilespmem:s9+$0x10000] =	vst v0  }
0x13: {  	v0 =	vlaneseq.u32  }
0x14: {  	v1 =	vimm.s32 $0x1;
	v0 =	vmul.u32 $0x800, v0  }
.LBB2_3:
0x15: {  	s8 =	sshra.s32 s5, $0x2  }
0x16: {  	v2 =	vld [tilespmem:s8+$0x0];
	_ =	sdelay $0x4  }
0x17: {  	v2 =	vshrl.u32 v2, $0x15  }
0x18: {  	v3 =	vand.u32 $0x780, v2  }
0x19: {  	v2 =	vand.u32 $0x7F, v2;
	v3 =	vor.u32 v0, v3  }
0x1a: {  	p0 =	sne.s32 s5, $0x3FFC0;
	v2 =	vor.u32 v2, v3  }
.Ltmp1:
0x1b: {  	_ = 	snop;
	(pc) =	sbr.rel @p0 .LBB2_3-.Ltmp1, $3  }
0x1c: {  	_ =	sdelay $0x1  }
0x1d: {  	s8 =	simm.s32 $0x10000  }
0x1e: {  	s5 =	sadd.s32 $0x40, s5;
	[tilespmem:v2+s8+$0x0] =	vst.idx.add.s32.msk $0xffff, v1  }
0x1f: {  	s5 =	simm.s32 $0x0  }
0x20: {  	v1 =	vld [tilespmem:s8+$0x0];
	s5 =	sand.u32 $0x7F0, s5  }
0x21: {  	v0 =	vld [tilespmem:s5+$0x10800]  }
0x22: {  	v2 =	vld [tilespmem:s5+$0x11000]  }
0x23: {  	v3 =	vld [tilespmem:s5+$0x11800]  }
0x24: {  	v4 =	vld [tilespmem:s5+$0x12000]  }
0x25: {  	v5 =	vld [tilespmem:s5+$0x12800]  }
0x26: {  	v0 =	vadd.s32 v1, v0;
	v1 =	vld [tilespmem:s5+$0x13000]  }
0x27: {  	v0 =	vadd.s32 v2, v0;
	v2 =	vld [tilespmem:s5+$0x13800]  }
0x28: {  	v0 =	vadd.s32 v3, v0;
	v3 =	vld [tilespmem:s5+$0x14000]  }
0x29: {  	v60 =	vld [tilespmem:s5+$0x14800];
	v0 =	vadd.s32 v4, v0  }
0x2a: {  	v61 =	vld [tilespmem:s5+$0x15000];
	v0 =	vadd.s32 v5, v0  }
0x2b: {  	v0 =	vadd.s32 v1, v0;
	v1 =	vld [tilespmem:s5+$0x15800]  }
0x2c: {  	v0 =	vadd.s32 v2, v0;
	v2 =	vld [tilespmem:s5+$0x16000]  }
0x2d: {  	v0 =	vadd.s32 v3, v0;
	v3 =	vld [tilespmem:s5+$0x16800]  }
0x2e: {  	v62 =	vld [tilespmem:s5+$0x17000];
	v0 =	vadd.s32 v60, v0  }
0x2f: {  	v63 =	vld [tilespmem:s5+$0x17800];
	v0 =	vadd.s32 v61, v0  }
0x30: {  	v0 =	vadd.s32 v1, v0  }
0x31: {  	v0 =	vadd.s32 v2, v0  }
0x32: {  	v0 =	vadd.s32 v3, v0  }
0x33: {  	v0 =	vadd.s32 v62, v0  }
0x34: {  	s31 =	simm.s32 $0x10;
	s5 =	simm.s32 $0x18000;
	v0 =	vadd.s32 v63, v0  }
0x35: {  	s8 =	sand.u32 $0x7F0, s31;
	[tilespmem:s5+$0x0] =	vst v0  }
0x36: {  	s10 =	simm.s32 $0x20;
	s9 =	simm.s32 $0x10010;
	v0 =	vld [tilespmem:s8+$0x10800]  }
.LBB2_5:
0x37: {  	p0 =	sne.s32 s10, $0x7F0;
	v1 =	vld [tilespmem:s9+$0x0]  }
0x38: {  	v2 =	vld [tilespmem:s8+$0x11000]  }
0x39: {  	v3 =	vld [tilespmem:s8+$0x11800]  }
0x3a: {  	v4 =	vld [tilespmem:s8+$0x12000]  }
0x3b: {  	v5 =	vld [tilespmem:s8+$0x12800]  }
0x3c: {  	v0 =	vadd.s32 v1, v0;
	v1 =	vld [tilespmem:s8+$0x13000]  }
0x3d: {  	v0 =	vadd.s32 v2, v0;
	v2 =	vld [tilespmem:s8+$0x13800]  }
0x3e: {  	v0 =	vadd.s32 v3, v0;
	v3 =	vld [tilespmem:s8+$0x14000]  }
0x3f: {  	v0 =	vadd.s32 v4, v0;
	v4 =	vld [tilespmem:s8+$0x14800]  }
0x40: {  	v0 =	vadd.s32 v5, v0;
	v5 =	vld [tilespmem:s8+$0x15000]  }
0x41: {  	v0 =	vadd.s32 v1, v0;
	v1 =	vld [tilespmem:s8+$0x15800]  }
0x42: {  	v0 =	vadd.s32 v2, v0;
	v2 =	vld [tilespmem:s8+$0x16000]  }
0x43: {  	v0 =	vadd.s32 v3, v0;
	v3 =	vld [tilespmem:s8+$0x16800]  }
0x44: {  	v0 =	vadd.s32 v4, v0;
	v4 =	vld [tilespmem:s8+$0x17000]  }
0x45: {  	v0 =	vadd.s32 v5, v0;
	v5 =	vld [tilespmem:s8+$0x17800]  }
0x46: {  	v0 =	vadd.s32 v1, v0  }
0x47: {  	v0 =	vadd.s32 v2, v0  }
.Ltmp2:
0x48: {  	v0 =	vadd.s32 v3, v0;
	(pc) =	sbr.rel @p0 .LBB2_5-.Ltmp2, $4  }
0x49: {  	v0 =	vadd.s32 v4, v0  }
0x4a: {  	s5 =	sadd.s32 $0x10, s5;
	v0 =	vadd.s32 v5, v0  }
0x4b: {  	s8 =	sand.u32 $0x7F0, s10;
	[tilespmem:s5+$0x0] =	vst v0  }
0x4c: {  	s9 =	sadd.s32 $0x10, s9;
	s10 =	sadd.s32 $0x10, s10;
	v0 =	vld [tilespmem:s8+$0x10800]  }
0x4d: {  	v1 =	vld [tilespmem:s9+$0x0]  }
0x4e: {  	v2 =	vld [tilespmem:s8+$0x11000]  }
0x4f: {  	v3 =	vld [tilespmem:s8+$0x11800]  }
0x50: {  	v4 =	vld [tilespmem:s8+$0x12000]  }
0x51: {  	v5 =	vld [tilespmem:s8+$0x12800]  }
0x52: {  	v54 =	vld [tilespmem:s8+$0x13000];
	v0 =	vadd.s32 v1, v0  }
0x53: {  	v55 =	vld [tilespmem:s8+$0x13800];
	v0 =	vadd.s32 v2, v0  }
0x54: {  	v56 =	vld [tilespmem:s8+$0x14000];
	v0 =	vadd.s32 v3, v0  }
0x55: {  	v57 =	vld [tilespmem:s8+$0x14800];
	v0 =	vadd.s32 v4, v0  }
0x56: {  	v58 =	vld [tilespmem:s8+$0x15000];
	v0 =	vadd.s32 v5, v0  }
0x57: {  	v59 =	vld [tilespmem:s8+$0x15800];
	v0 =	vadd.s32 v54, v0  }
0x58: {  	v60 =	vld [tilespmem:s8+$0x16000];
	v0 =	vadd.s32 v55, v0  }
0x59: {  	v61 =	vld [tilespmem:s8+$0x16800];
	v0 =	vadd.s32 v56, v0  }
0x5a: {  	v62 =	vld [tilespmem:s8+$0x17000];
	v0 =	vadd.s32 v57, v0  }
0x5b: {  	v63 =	vld [tilespmem:s8+$0x17800];
	v0 =	vadd.s32 v58, v0  }
0x5c: {  	v0 =	vadd.s32 v59, v0  }
0x5d: {  	v0 =	vadd.s32 v60, v0  }
0x5e: {  	s29 =	sshll.u32 s7, $0xB;
	s30 =	sshll.u32 s7, $0x7;
	s5 =	sadd.s32 $0x10, s5;
	v0 =	vadd.s32 v61, v0  }
0x5f: {  	s12 =	simm.s32 $0x400;
	s31 =	simm.s32 $0x18000;
	s8 =	sand.u32 $0x4000, s29;
	v0 =	vadd.s32 v62, v0  }
0x60: {  	s13 =	simm.s32 $0x1;
	s9 =	sand.u32 $0x380, s30;
	s8 =	sadd.s32 s8, s6;
	v0 =	vadd.s32 v63, v0  }
0x61: {  	p0 =	sne.s32 s7, $0x0;
	s10 =	sadd.s32 s9, s8;
	s9 =	simm.s32 $0x80;
	[tilespmem:s5+$0x0] =	vst v0  }
0x62: {  	[spmem:s10] =	stream.strided.scatter [tilespmem:s31], [sflag:$0x1], $0x800, s12, s9, $0x38;
	[tilespmem:$0x1C1B8] =	vst v63  }
.Ltmp3:
0x63: {  	_ =	swait.ge [sflag:s13], $0x800;
	(pc) =	sbr.rel @p0 .LBB2_14-.Ltmp3, $4  }
0x64: {  	[sflag:s13] =	ssyncset.done $0x0  }
0x65: {  	[sflag:s13] =	ssyncadd.s32 $0xFFFFF800  }
0x66: {  	s5 =	sshll.u32 s7, $0x6;
	[bflag:$0x0] =	sbarrier.arrive $0xFFFF  }
0x67: {  	s7 =	smul.u32 $0x110, s7;
	s8 =	sshrl.u32 s5, $0x2  }
0x68: {  	s14 =	simm.s32 $0x18800;
	s15 =	simm.s32 $0x1  }
.LBB2_8:
0x69: {  	s16 =	sshll.u32 s13, $0xB  }
0x6a: {  	s17 =	sshll.u32 s13, $0x7;
	s16 =	sand.u32 $0x4000, s16  }
0x6b: {  	s17 =	sand.u32 $0x380, s17;
	s16 =	sadd.s32 s16, s6  }
0x6c: {  	s16 =	sadd.s32 s17, s16  }
0x6d: {  	[tilespmem:s14], [sflag:$0x1] =	stream.strided.gather [spmem:s16], $0x800, s12, s9, $0x38;
	[tilespmem:$0x1C1B8] =	vst v63  }
0x6e: {  	_ =	swait.ge [sflag:s15], $0x800  }
0x6f: {  	[sflag:s15] =	ssyncset.done $0x0  }
0x70: {  	s16 =	simm.s32 $0x0;
	[sflag:s15] =	ssyncadd.s32 $0xFFFFF800  }
0x71: {  	s17 =	simm.s32 $0x40;
	v0 =	vld [tilespmem:s16+$0x18800]  }
.LBB2_9:
0x72: {  	p1 =	sne.s32 s17, $0x1FC0;
	v1 =	vld [tilespmem:s16+$0x18000];
	_ =	sdelay $0x1  }
.Ltmp4:
0x73: {  	(pc) =	sbr.rel @p1 .LBB2_9-.Ltmp4, $3  }
0x74: {  	_ =	sdelay $0x1  }
0x75: {  	s18 =	sshra.s32 s17, $0x2;
	v1 =	vadd.s32 v1, v0  }
0x76: {  	s17 =	sadd.s32 $0x40, s17;
	v0 =	vld [tilespmem:s18+$0x18800];
	[tilespmem:s16+$0x18000] =	vst v1;
	s16 =	smov.u32 s18  }
0x77: {  	v1 =	vld [tilespmem:s16+$0x18000];
	s13 =	sadd.s32 $0x1, s13  }
0x78: {  	p1 =	sne.s32 s13, $0x10  }
.Ltmp5:
0x79: {  	_ = 	snop;
	(pc) =	sbr.rel @p1 .LBB2_8-.Ltmp5, $3  }
0x7a: {  	_ =	sdelay $0x1  }
0x7b: {  	v0 =	vadd.s32 v1, v0  }
0x7c: {  	[tilespmem:s16+$0x18000] =	vst v0  }
0x7d: {  	s9 =	simm.s32 $0x187F0  }
0x7e: {  	v0 =	vld [tilespmem:s9+$0x0];
	_ =	sdelay $0x4  }
0x7f: {  	(xrf0) =	vadd.scan.msk.s32 $0xffff, v0;
	_ =	sdelay $0x5  }
0x80: {  	v0, _, _ =	vpop (xrf0)  }
0x81: {  	(v2sf) =	vpush v0, $0xF;
	_ =	sdelay $0x1  }
0x82: {  	s29 =	simm.s32 $0x187E0  }
0x83: {  	v0 =	vld [tilespmem:s29+$0x0];
	_ =	sdelay $0x2  }
0x84: {  	s30 =	simm.s32 $0x187D0  }
0x85: {  	v1 =	vld [tilespmem:s30+$0x0]  }
0x86: {  	(xrf0) =	vadd.scan.msk.s32 $0xffff, v0;
	_ =	sdelay $0x3  }
0x87: {  	(xrf0) =	vadd.scan.msk.s32 $0xffff, v1;
	_ =	sdelay $0x1  }
0x88: {  	v1, _, _ =	vpop (xrf0)  }
0x89: {  	s12 =	spop (v2sf);
	(v2sf) =	vpush v1, $0xF  }
0x8a: {  	s31 =	simm.s32 $0x187C0  }
0x8b: {  	v0 =	vld [tilespmem:s31+$0x0]  }
0x8c: {  	v1, _, _ =	vpop (xrf0)  }
0x8d: {  	(v2sf) =	vpush v1, $0xF;
	_ =	sdelay $0x2  }
0x8e: {  	s13 =	simm.s32 $0xFFFFFFFF;
	s19 =	simm.s32 $0x7F;
	s17 =	simm.s32 $0x7E;
	(xrf0) =	vadd.scan.msk.s32 $0xffff, v0  }
0x8f: {  	s16 =	simm.s32 $0x7D;
	s20 =	simm.s32 $0x187B0;
	s12 =	sadd.s32 $0x0, s12  }
0x90: {  	s15 =	simm.s32 $0x7C;
	p2 =	por $0x1, $0x1;
	v0 =	vld [tilespmem:s20+$0x0];
	p1 =	sgt.s32 s12, $0xFF  }
0x91: {  	s14 =	simm.s32 $0x7B;
	s21 =	simm.s32 $0x7A;
	p1 =	por !p2, !p1  }
0x92: {  	s18 =	simm.s32 $0x0;
	s9 =	simm.s32 $0x0;
	p1 =	por !p1, !p1  }
.LBB2_12:
0x93: {  	p2 =	sne.s32 s21, $0x0;
	s13 =	smov.u32 @p1 s19;
	s9 =	smov.u32 @p1 s18  }
0x94: {  	v1, _, _ =	vpop (xrf0);
	s19 =	smov.u32 s17;
	s17 =	smov.u32 s16;
	s16 =	smov.u32 s15  }
0x95: {  	s15 =	smov.u32 s14;
	s14 =	smov.u32 s21;
	s21 =	sadd.s32 $0xFFFFFFFF, s21;
	(xrf0) =	vadd.scan.msk.s32 $0xffff, v0;
	(v2sf) =	vpush v1, $0xF  }
.Ltmp6:
0x96: {  	s20 =	sadd.s32 $0xFFFFFFF0, s20;
	s22 =	spop (v2sf);
	(pc) =	sbr.rel @p2 .LBB2_12-.Ltmp6, $4  }
0x97: {  	s18 =	smov.u32 s12;
	v0 =	vld [tilespmem:s20+$0x0];
	s12 =	sadd.s32 s12, s22  }
0x98: {  	p3 =	slt.s32 s13, $0x0;
	p1 =	sgt.s32 s12, $0xFF  }
0x99: {  	p1 =	por !p3, !p1  }
0x9a: {  	p1 =	por !p1, !p1  }
0x9b: {  	_ = 	snop  }
0x9c: {  	(xrf0) =	vadd.scan.msk.s32 $0xffff, v0;
	_ =	sdelay $0x1  }
0x9d: {  	v58, _, _ =	vpop (xrf0)  }
0x9e: {  	(v2sf) =	vpush v58, $0xF;
	_ =	sdelay $0x2  }
0x9f: {  	v59, _, _ =	vpop (xrf0)  }
0xa0: {  	(v2sf) =	vpush v59, $0xF;
	_ =	sdelay $0x2  }
0xa1: {  	s20 =	spop (v2sf)  }
0xa2: {  	s13 =	smov.u32 @p1 s19;
	s19 =	sadd.s32 s12, s20  }
0xa3: {  	p3 =	slt.s32 s13, $0x0;
	p2 =	sgt.s32 s19, $0xFF  }
0xa4: {  	p2 =	por !p3, !p2  }
0xa5: {  	p2 =	por !p2, !p2;
	s23 =	spop (v2sf)  }
0xa6: {  	s13 =	smov.u32 @p2 s17;
	s17 =	sadd.s32 s19, s23  }
0xa7: {  	p4 =	slt.s32 s13, $0x0;
	p5 =	sgt.s32 s17, $0xFF  }
0xa8: {  	p3 =	por !p4, !p5  }
0xa9: {  	p3 =	por !p3, !p3;
	s24 =	spop (v2sf)  }
0xaa: {  	s13 =	smov.u32 @p3 s16;
	s16 =	sadd.s32 s17, s24  }
0xab: {  	p5 =	slt.s32 s13, $0x0;
	p6 =	sgt.s32 s16, $0xFF  }
0xac: {  	p4 =	por !p5, !p6  }
0xad: {  	p4 =	por !p4, !p4;
	s25 =	spop (v2sf)  }
0xae: {  	s13 =	smov.u32 @p4 s15;
	s26 =	sadd.s32 s16, s25  }
0xaf: {  	p6 =	slt.s32 s13, $0x0;
	p5 =	sgt.s32 s26, $0xFF  }
0xb0: {  	p5 =	por !p6, !p5  }
0xb1: {  	p5 =	por !p5, !p5  }
0xb2: {  	s13 =	smov.u32 @p5 s14  }
0xb3: {  	s13 =	sshll.u32 s13, $0x4  }
0xb4: {  	v60 =	vld [tilespmem:s13+$0x18000]  }
0xb5: {  	v1 =	vlaneseq.u32  }
0xb6: {  	v2 =	vmul.u32 $0xFFFFFFFF, v1;
	_ =	sdelay $0x1  }
0xb7: {  	v2 =	vadd.s32 $0xF, v2  }
0xb8: {  	v3 =	vperm.xlane v60, v2;
	_ =	sdelay $0x1  }
0xb9: {  	(xrf0) =	vadd.scan.msk.s32 $0xffff, v3;
	_ =	sdelay $0x3  }
0xba: {  	s9 =	smov.u32 @p1 s18  }
0xbb: {  	s9 =	smov.u32 @p2 s12  }
0xbc: {  	s9 =	smov.u32 @p3 s19;
	v3, _, _ =	vpop (xrf0)  }
0xbd: {  	s9 =	smov.u32 @p4 s17;
	v2 =	vperm.xlane v3, v2  }
0xbe: {  	s9 =	smov.u32 @p5 s16  }
0xbf: {  	v2 =	vadd.s32 s9, v2  }
0xc0: {  	v61 =	vor.u32 $0x80000000, v1;
	vm0 =	vgt.s32 v2, $0xFF  }
0xc1: {  	v2 =	vnsel vm0, $0x7FFFFFFF, v61  }
0xc2: {  	(xrf0) =	vmax.scan.msk.u32 $0xffff, v2;
	_ =	sdelay $0x5  }
0xc3: {  	v2, _, _ =	vpop (xrf0)  }
0xc4: {  	(v2sf) =	vpush v2, $0xF;
	_ =	sdelay $0xe  }
0xc5: {  	s28 =	spop (v2sf)  }
0xc6: {  	s12 =	sxor.u32 $0x80000000, s28  }
0xc7: {  	v62 =	vmov s12  }
0xc8: {  	vm13 =	vlt.s32 v62, v1  }
0xc9: {  	v0 =	vnsel vm13, $0x0, v60  }
0xca: {  	(xrf0) =	vadd.scan.msk.s32 $0xffff, v0;
	_ =	sdelay $0x5  }
0xcb: {  	v0, _, _ =	vpop (xrf0)  }
0xcc: {  	(v2sf) =	vpush v0, $0xF;
	_ =	sdelay $0xd  }
0xcd: {  	s12 =	sadd.s32 s13, s12  }
0xce: {  	vm14 =	vcmask $0x300;
	v63 =	vmov s12;
	s29 =	spop (v2sf)  }
0xcf: {  	vm15 =	vcmask $0x704;
	v0 =	vnsel vm14, $0x0, v63;
	s9 =	sadd.s32 s9, s29  }
0xd0: {  	v0 =	vsel vm15, s9, v0  }
0xd1: {  	s30 =	simm.s32 $0x19000;
	s31 =	simm.s32 $0x1;
	[tilespmem:$0x19000] =	vst v0  }
0xd2: {  	[spmem:s4] =	stream.linear.scatter [tilespmem:s30], [sflag:$0x1], $0x80, $0x38;
	[tilespmem:$0x1C1B8] =	vst v63  }
0xd3: {  	_ =	swait.ge [sflag:s31], $0x80  }
0xd4: {  	[sflag:s31] =	ssyncset.done $0x0  }
0xd5: {  	[sflag:s31] =	ssyncadd.s32 $0xFFFFFF80  }
.LBB2_14:
0xd6: {  	[bflag:$0x0] =	sbarrier.arrive $0xFFFF;
	s9 =	simm.s32 $0x19000;
	s12 =	simm.s32 $0x1  }
0xd7: {  	[tilespmem:s9], [sflag:$0x1] =	stream.linear.gather [spmem:s4], $0x80, $0x38;
	[tilespmem:$0x1C1B8] =	vst v63  }
0xd8: {  	_ =	swait.ge [sflag:s12], $0x80  }
0xd9: {  	v0 =	vmov s5;
	s5 =	sadd.s32 $0x10, s11;
	[sflag:s12] =	ssyncset.done $0x0  }
0xda: {  	s13 =	simm.s32 $0x0;
	s9 =	sadd.s32 s8, s3;
	[sflag:s12] =	ssyncadd.s32 $0xFFFFFF80  }
0xdb: {  	v2 =	vimm.s32 $0x0;
	s8 =	sadd.s32 s7, s2;
	s7 =	sadd.s32 s7, s1;
	s12 =	simm.s32 $0x40;
	v1 =	vld [tilespmem:$0x19000]  }
.LBB2_15:
0xdc: {  	p1 =	seq.s32 s12, $0x1FFC0;
	[tilespmem:s13+$0x10000] =	vst v2;
	s13 =	smov.u32 s12;
	s12 =	sadd.s32 $0x40, s12  }
.Ltmp7:
0xdd: {  	(pc) =	sbr.rel @!p1 .LBB2_15-.Ltmp7, $2  }
0xde: {  	_ =	sdelay $0x2  }
0xdf: {  	s13 =	sshra.s32 s13, $0x2  }
0xe0: {  	v3 =	vlaneseq.u32  }
0xe1: {  	[tilespmem:s13+$0x10000] =	vst v2;
	v2 =	vbroadcast v1, $0x0;
	s12 =	simm.s32 $0x0;
	v4 =	vimm.s32 $0x1;
	s13 =	simm.s32 $0x0;
	v3 =	vmul.u32 $0x800, v3  }
.LBB2_17:
0xe2: {  	s14 =	sshra.s32 s13, $0x2  }
0xe3: {  	v5 =	vld [tilespmem:s14+$0x0];
	_ =	sdelay $0x4  }
0xe4: {  	v6 =	vshrl.u32 v5, $0xA;
	v5 =	vshra.s32 v5, $0x15  }
0xe5: {  	vm0 =	veq.s32 v5, v2;
	v5 =	vand.u32 $0x7FF, v6  }
0xe6: {  	p1 =	sne.s32 s13, $0x3FFC0;
	v5 =	vor.u32 v3, v5  }
.Ltmp8:
0xe7: {  	_ = 	snop;
	(pc) =	sbr.rel @p1 .LBB2_17-.Ltmp8, $3  }
0xe8: {  	_ =	sdelay $0x1  }
0xe9: {  	s14 =	simm.s32 $0x10000  }
0xea: {  	s13 =	sadd.s32 $0x40, s13;
	[tilespmem:v5+s14+$0x0] =	vst.idx.add.s32.msk vm0, v4  }
0xeb: {  	s12 =	sand.u32 $0x7F0, s12;
	v3 =	vld [tilespmem:s14+$0x0]  }
0xec: {  	v2 =	vld [tilespmem:s12+$0x10800]  }
0xed: {  	v4 =	vld [tilespmem:s12+$0x11000]  }
0xee: {  	v5 =	vld [tilespmem:s12+$0x11800]  }
0xef: {  	v6 =	vld [tilespmem:s12+$0x12000]  }
0xf0: {  	v7 =	vld [tilespmem:s12+$0x12800]  }
0xf1: {  	v2 =	vadd.s32 v3, v2;
	v3 =	vld [tilespmem:s12+$0x13000]  }
0xf2: {  	v56 =	vld [tilespmem:s12+$0x13800];
	v2 =	vadd.s32 v4, v2  }
0xf3: {  	v57 =	vld [tilespmem:s12+$0x14000];
	v2 =	vadd.s32 v5, v2  }
0xf4: {  	v58 =	vld [tilespmem:s12+$0x14800];
	v2 =	vadd.s32 v6, v2  }
0xf5: {  	v59 =	vld [tilespmem:s12+$0x15000];
	v2 =	vadd.s32 v7, v2  }
0xf6: {  	v2 =	vadd.s32 v3, v2;
	v3 =	vld [tilespmem:s12+$0x15800]  }
0xf7: {  	v60 =	vld [tilespmem:s12+$0x16000];
	v2 =	vadd.s32 v56, v2  }
0xf8: {  	v61 =	vld [tilespmem:s12+$0x16800];
	v2 =	vadd.s32 v57, v2  }
0xf9: {  	v62 =	vld [tilespmem:s12+$0x17000];
	v2 =	vadd.s32 v58, v2  }
0xfa: {  	v63 =	vld [tilespmem:s12+$0x17800];
	v2 =	vadd.s32 v59, v2  }
0xfb: {  	v2 =	vadd.s32 v3, v2  }
0xfc: {  	v2 =	vadd.s32 v60, v2  }
0xfd: {  	v2 =	vadd.s32 v61, v2  }
0xfe: {  	v2 =	vadd.s32 v62, v2  }
0xff: {  	s13 =	simm.s32 $0x18000;
	s31 =	simm.s32 $0x10;
	v2 =	vadd.s32 v63, v2  }
0x100: {  	s12 =	sand.u32 $0x7F0, s31;
	[tilespmem:s13+$0x0] =	vst v2  }
0x101: {  	s15 =	simm.s32 $0x20;
	s14 =	simm.s32 $0x10010;
	v2 =	vld [tilespmem:s12+$0x10800]  }
.LBB2_19:
0x102: {  	p1 =	sne.s32 s15, $0x7F0;
	v3 =	vld [tilespmem:s14+$0x0]  }
0x103: {  	v4 =	vld [tilespmem:s12+$0x11000]  }
0x104: {  	v5 =	vld [tilespmem:s12+$0x11800]  }
0x105: {  	v6 =	vld [tilespmem:s12+$0x12000]  }
0x106: {  	v7 =	vld [tilespmem:s12+$0x12800]  }
0x107: {  	v2 =	vadd.s32 v3, v2;
	v3 =	vld [tilespmem:s12+$0x13000]  }
0x108: {  	v2 =	vadd.s32 v4, v2;
	v4 =	vld [tilespmem:s12+$0x13800]  }
0x109: {  	v2 =	vadd.s32 v5, v2;
	v5 =	vld [tilespmem:s12+$0x14000]  }
0x10a: {  	v2 =	vadd.s32 v6, v2;
	v6 =	vld [tilespmem:s12+$0x14800]  }
0x10b: {  	v2 =	vadd.s32 v7, v2;
	v7 =	vld [tilespmem:s12+$0x15000]  }
0x10c: {  	v2 =	vadd.s32 v3, v2;
	v3 =	vld [tilespmem:s12+$0x15800]  }
0x10d: {  	v2 =	vadd.s32 v4, v2;
	v4 =	vld [tilespmem:s12+$0x16000]  }
0x10e: {  	v2 =	vadd.s32 v5, v2;
	v5 =	vld [tilespmem:s12+$0x16800]  }
0x10f: {  	v2 =	vadd.s32 v6, v2;
	v6 =	vld [tilespmem:s12+$0x17000]  }
0x110: {  	v2 =	vadd.s32 v7, v2;
	v7 =	vld [tilespmem:s12+$0x17800]  }
0x111: {  	v2 =	vadd.s32 v3, v2  }
0x112: {  	v2 =	vadd.s32 v4, v2  }
.Ltmp9:
0x113: {  	v2 =	vadd.s32 v5, v2;
	(pc) =	sbr.rel @p1 .LBB2_19-.Ltmp9, $4  }
0x114: {  	v2 =	vadd.s32 v6, v2  }
0x115: {  	s13 =	sadd.s32 $0x10, s13;
	v2 =	vadd.s32 v7, v2  }
0x116: {  	s12 =	sand.u32 $0x7F0, s15;
	[tilespmem:s13+$0x0] =	vst v2  }
0x117: {  	s14 =	sadd.s32 $0x10, s14;
	s15 =	sadd.s32 $0x10, s15;
	v2 =	vld [tilespmem:s12+$0x10800]  }
0x118: {  	v3 =	vld [tilespmem:s14+$0x0]  }
0x119: {  	v4 =	vld [tilespmem:s12+$0x11000]  }
0x11a: {  	v5 =	vld [tilespmem:s12+$0x11800]  }
0x11b: {  	v6 =	vld [tilespmem:s12+$0x12000]  }
0x11c: {  	v7 =	vld [tilespmem:s12+$0x12800];
	(v2sf) =	vpush v1, $0x0  }
0x11d: {  	(v2sf) =	vpush v1, $0x1;
	v2 =	vadd.s32 v3, v2;
	v3 =	vld [tilespmem:s12+$0x13000]  }
0x11e: {  	v58 =	vld [tilespmem:s12+$0x13800];
	v2 =	vadd.s32 v4, v2  }
0x11f: {  	v59 =	vld [tilespmem:s12+$0x14000];
	v2 =	vadd.s32 v5, v2  }
0x120: {  	v1 =	vadd.s32 v6, v2;
	v2 =	vld [tilespmem:s12+$0x14800]  }
0x121: {  	v60 =	vld [tilespmem:s12+$0x15000];
	v1 =	vadd.s32 v7, v1  }
0x122: {  	v1 =	vadd.s32 v3, v1;
	v3 =	vld [tilespmem:s12+$0x15800]  }
0x123: {  	v61 =	vld [tilespmem:s12+$0x16000];
	v1 =	vadd.s32 v58, v1  }
0x124: {  	v62 =	vld [tilespmem:s12+$0x16800];
	v1 =	vadd.s32 v59, v1  }
0x125: {  	v1 =	vadd.s32 v2, v1;
	v2 =	vld [tilespmem:s12+$0x17000]  }
0x126: {  	v63 =	vld [tilespmem:s12+$0x17800];
	v1 =	vadd.s32 v60, v1  }
0x127: {  	v1 =	vadd.s32 v3, v1  }
0x128: {  	v1 =	vadd.s32 v61, v1  }
0x129: {  	v1 =	vadd.s32 v62, v1  }
0x12a: {  	s13 =	sadd.s32 $0x10, s13;
	v1 =	vadd.s32 v2, v1  }
0x12b: {  	s14 =	simm.s32 $0x80;
	s15 =	simm.s32 $0x400;
	s12 =	spop (v2sf);
	v1 =	vadd.s32 v63, v1  }
0x12c: {  	s31 =	simm.s32 $0x18000;
	s16 =	simm.s32 $0x1;
	[tilespmem:s13+$0x0] =	vst v1;
	s13 =	spop (v2sf)  }
0x12d: {  	[spmem:s10] =	stream.strided.scatter [tilespmem:s31], [sflag:$0x1], $0x800, s15, s14, $0x38;
	[tilespmem:$0x1C1B8] =	vst v63  }
.Ltmp10:
0x12e: {  	_ =	swait.ge [sflag:s16], $0x800;
	(pc) =	sbr.rel @p0 .LBB2_28-.Ltmp10, $3  }
0x12f: {  	[sflag:s16] =	ssyncset.done $0x0  }
0x130: {  	[sflag:s16] =	ssyncadd.s32 $0xFFFFF800  }
0x131: {  	[bflag:$0x0] =	sbarrier.arrive $0xFFFF;
	_ =	sdelay $0x1  }
0x132: {  	s17 =	simm.s32 $0x18800;
	s18 =	simm.s32 $0x1  }
.LBB2_22:
0x133: {  	s19 =	sshll.u32 s16, $0xB  }
0x134: {  	s20 =	sshll.u32 s16, $0x7;
	s19 =	sand.u32 $0x4000, s19  }
0x135: {  	s20 =	sand.u32 $0x380, s20;
	s19 =	sadd.s32 s19, s6  }
0x136: {  	s19 =	sadd.s32 s20, s19  }
0x137: {  	[tilespmem:s17], [sflag:$0x1] =	stream.strided.gather [spmem:s19], $0x800, s15, s14, $0x38;
	[tilespmem:$0x1C1B8] =	vst v63  }
0x138: {  	_ =	swait.ge [sflag:s18], $0x800  }
0x139: {  	[sflag:s18] =	ssyncset.done $0x0  }
0x13a: {  	s19 =	simm.s32 $0x0;
	[sflag:s18] =	ssyncadd.s32 $0xFFFFF800  }
0x13b: {  	s20 =	simm.s32 $0x40;
	v1 =	vld [tilespmem:s19+$0x18800]  }
.LBB2_23:
0x13c: {  	p1 =	sne.s32 s20, $0x1FC0;
	v2 =	vld [tilespmem:s19+$0x18000];
	_ =	sdelay $0x1  }
.Ltmp11:
0x13d: {  	(pc) =	sbr.rel @p1 .LBB2_23-.Ltmp11, $3  }
0x13e: {  	_ =	sdelay $0x1  }
0x13f: {  	s21 =	sshra.s32 s20, $0x2;
	v2 =	vadd.s32 v2, v1  }
0x140: {  	s20 =	sadd.s32 $0x40, s20;
	v1 =	vld [tilespmem:s21+$0x18800];
	[tilespmem:s19+$0x18000] =	vst v2;
	s19 =	smov.u32 s21  }
0x141: {  	v2 =	vld [tilespmem:s19+$0x18000];
	s16 =	sadd.s32 $0x1, s16  }
0x142: {  	p1 =	sne.s32 s16, $0x10  }
.Ltmp12:
0x143: {  	_ = 	snop;
	(pc) =	sbr.rel @p1 .LBB2_22-.Ltmp12, $3  }
0x144: {  	_ =	sdelay $0x1  }
0x145: {  	v1 =	vadd.s32 v2, v1  }
0x146: {  	[tilespmem:s19+$0x18000] =	vst v1  }
0x147: {  	s14 =	simm.s32 $0x187F0  }
0x148: {  	v1 =	vld [tilespmem:s14+$0x0];
	_ =	sdelay $0x4  }
0x149: {  	(xrf0) =	vadd.scan.msk.s32 $0xffff, v1;
	_ =	sdelay $0x5  }
0x14a: {  	v1, _, _ =	vpop (xrf0)  }
0x14b: {  	(v2sf) =	vpush v1, $0xF;
	_ =	sdelay $0x1  }
0x14c: {  	s29 =	simm.s32 $0x187E0  }
0x14d: {  	v1 =	vld [tilespmem:s29+$0x0];
	_ =	sdelay $0x3  }
0x14e: {  	s30 =	simm.s32 $0x187D0  }
0x14f: {  	v2 =	vld [tilespmem:s30+$0x0];
	(xrf0) =	vadd.scan.msk.s32 $0xffff, v1;
	_ =	sdelay $0x4  }
0x150: {  	(xrf0) =	vadd.scan.msk.s32 $0xffff, v2  }
0x151: {  	v2, _, _ =	vpop (xrf0)  }
0x152: {  	s16 =	spop (v2sf);
	(v2sf) =	vpush v2, $0xF;
	_ =	sdelay $0x2  }
0x153: {  	s31 =	simm.s32 $0x187C0  }
0x154: {  	v1 =	vld [tilespmem:s31+$0x0];
	v2, _, _ =	vpop (xrf0)  }
0x155: {  	(v2sf) =	vpush v2, $0xF  }
0x156: {  	s15 =	simm.s32 $0xFFFFFFFF;
	s21 =	simm.s32 $0x7F  }
0x157: {  	s20 =	simm.s32 $0x7E;
	s19 =	simm.s32 $0x7D;
	s22 =	sadd.s32 $0x0, s16  }
0x158: {  	s18 =	simm.s32 $0x7C;
	p2 =	por $0x1, $0x1;
	s16 =	sadd.s32 s13, s22  }
0x159: {  	s24 =	simm.s32 $0x187B0;
	s25 =	simm.s32 $0x7A;
	(xrf0) =	vadd.scan.msk.s32 $0xffff, v1;
	p1 =	sgt.s32 s16, $0xFF  }
0x15a: {  	s23 =	sadd.s32 $0x0, s13;
	s14 =	simm.s32 $0x0;
	p1 =	por !p2, !p1  }
0x15b: {  	v1 =	vld [tilespmem:s24+$0x0];
	s17 =	smov.u32 s22;
	s16 =	simm.s32 $0x7B;
	p1 =	por !p1, !p1  }
.LBB2_26:
0x15c: {  	p2 =	sne.s32 s25, $0x0;
	s15 =	smov.u32 @p1 s21;
	s14 =	smov.u32 @p1 s23  }
0x15d: {  	s21 =	smov.u32 s20;
	s20 =	smov.u32 s19;
	s19 =	smov.u32 s18  }
0x15e: {  	s18 =	smov.u32 s16;
	s16 =	smov.u32 s25;
	s25 =	sadd.s32 $0xFFFFFFFF, s25  }
0x15f: {  	v2, _, _ =	vpop (xrf0);
	s23 =	spop (v2sf)  }
.Ltmp13:
0x160: {  	(v2sf) =	vpush v2, $0xF;
	s22 =	sadd.s32 s22, s23;
	(pc) =	sbr.rel @p2 .LBB2_26-.Ltmp13, $4  }
0x161: {  	(xrf0) =	vadd.scan.msk.s32 $0xffff, v1;
	s23 =	sadd.s32 s13, s22  }
0x162: {  	p3 =	slt.s32 s15, $0x0;
	p1 =	sgt.s32 s23, $0xFF  }
0x163: {  	s24 =	sadd.s32 $0xFFFFFFF0, s24;
	p1 =	por !p3, !p1  }
0x164: {  	s23 =	sadd.s32 s13, s17;
	s17 =	smov.u32 s22;
	v1 =	vld [tilespmem:s24+$0x0];
	p1 =	por !p1, !p1  }
0x165: {  	_ =	sdelay $0x3  }
0x166: {  	(xrf0) =	vadd.scan.msk.s32 $0xffff, v1;
	_ =	sdelay $0x1  }
0x167: {  	v1, _, _ =	vpop (xrf0)  }
0x168: {  	(v2sf) =	vpush v1, $0xF;
	_ =	sdelay $0x2  }
0x169: {  	v1, _, _ =	vpop (xrf0)  }
0x16a: {  	(v2sf) =	vpush v1, $0xF;
	_ =	sdelay $0x2  }
0x16b: {  	s24 =	spop (v2sf)  }
0x16c: {  	s22 =	sadd.s32 s22, s24  }
0x16d: {  	s15 =	smov.u32 @p1 s21;
	s26 =	sadd.s32 s13, s22  }
0x16e: {  	p3 =	slt.s32 s15, $0x0;
	p2 =	sgt.s32 s26, $0xFF  }
0x16f: {  	p2 =	por !p3, !p2;
	s28 =	spop (v2sf)  }
0x170: {  	p2 =	por !p2, !p2;
	s21 =	sadd.s32 s22, s28  }
0x171: {  	s15 =	smov.u32 @p2 s20;
	s29 =	sadd.s32 s13, s21  }
0x172: {  	p4 =	slt.s32 s15, $0x0;
	p5 =	sgt.s32 s29, $0xFF  }
0x173: {  	p3 =	por !p4, !p5;
	s30 =	spop (v2sf)  }
0x174: {  	p3 =	por !p3, !p3;
	s20 =	sadd.s32 s21, s30  }
0x175: {  	s15 =	smov.u32 @p3 s19;
	s31 =	sadd.s32 s13, s20  }
0x176: {  	p5 =	slt.s32 s15, $0x0;
	p6 =	sgt.s32 s31, $0xFF  }
0x177: {  	p4 =	por !p5, !p6;
	s24 =	spop (v2sf)  }
0x178: {  	p4 =	por !p4, !p4;
	s19 =	sadd.s32 s20, s24  }
0x179: {  	s15 =	smov.u32 @p4 s18;
	s25 =	sadd.s32 s13, s19  }
0x17a: {  	p6 =	slt.s32 s15, $0x0;
	p5 =	sgt.s32 s25, $0xFF  }
0x17b: {  	p5 =	por !p6, !p5  }
0x17c: {  	p5 =	por !p5, !p5  }
0x17d: {  	s15 =	smov.u32 @p5 s16  }
0x17e: {  	s15 =	sshll.u32 s15, $0x4  }
0x17f: {  	v1 =	vld [tilespmem:s15+$0x18000]  }
0x180: {  	v2 =	vlaneseq.u32  }
0x181: {  	v3 =	vmul.u32 $0xFFFFFFFF, v2;
	_ =	sdelay $0x1  }
0x182: {  	v3 =	vadd.s32 $0xF, v3  }
0x183: {  	v4 =	vperm.xlane v1, v3;
	_ =	sdelay $0x1  }
0x184: {  	(xrf0) =	vadd.scan.msk.s32 $0xffff, v4;
	_ =	sdelay $0x3  }
0x185: {  	s14 =	smov.u32 @p1 s23;
	s16 =	sadd.s32 s13, s17  }
0x186: {  	s14 =	smov.u32 @p2 s16;
	s16 =	sadd.s32 s13, s22  }
0x187: {  	s14 =	smov.u32 @p3 s16;
	s16 =	sadd.s32 s13, s21;
	v4, _, _ =	vpop (xrf0)  }
0x188: {  	s13 =	sadd.s32 s13, s20;
	s14 =	smov.u32 @p4 s16;
	v3 =	vperm.xlane v4, v3  }
0x189: {  	s14 =	smov.u32 @p5 s13  }
0x18a: {  	v3 =	vadd.s32 s14, v3  }
0x18b: {  	vm0 =	vgt.s32 v3, $0xFF;
	v3 =	vor.u32 $0x80000000, v2  }
0x18c: {  	v3 =	vnsel vm0, $0x7FFFFFFF, v3  }
0x18d: {  	(xrf0) =	vmax.scan.msk.u32 $0xffff, v3;
	_ =	sdelay $0x5  }
0x18e: {  	v3, _, _ =	vpop (xrf0)  }
0x18f: {  	(v2sf) =	vpush v3, $0xF;
	_ =	sdelay $0xe  }
0x190: {  	s26 =	spop (v2sf)  }
0x191: {  	s13 =	sxor.u32 $0x80000000, s26  }
0x192: {  	v3 =	vmov s13  }
0x193: {  	vm13 =	vlt.s32 v3, v2  }
0x194: {  	v1 =	vnsel vm13, $0x0, v1  }
0x195: {  	(xrf0) =	vadd.scan.msk.s32 $0xffff, v1;
	_ =	sdelay $0x5  }
0x196: {  	v1, _, _ =	vpop (xrf0)  }
0x197: {  	(v2sf) =	vpush v1, $0xF;
	_ =	sdelay $0xd  }
0x198: {  	s13 =	sadd.s32 s15, s13  }
0x199: {  	vm14 =	vcmask $0x300;
	v1 =	vmov s13;
	s28 =	spop (v2sf)  }
0x19a: {  	vm15 =	vcmask $0x704;
	v1 =	vnsel vm14, $0x0, v1;
	s29 =	sadd.s32 s14, s28  }
0x19b: {  	v1 =	vsel vm15, s29, v1  }
0x19c: {  	s30 =	simm.s32 $0x19000;
	s31 =	simm.s32 $0x1;
	[tilespmem:$0x19000] =	vst v1  }
0x19d: {  	[spmem:s4] =	stream.linear.scatter [tilespmem:s30], [sflag:$0x1], $0x80, $0x38;
	[tilespmem:$0x1C1B8] =	vst v63  }
0x19e: {  	_ =	swait.ge [sflag:s31], $0x80  }
0x19f: {  	[sflag:s31] =	ssyncset.done $0x0  }
0x1a0: {  	[sflag:s31] =	ssyncadd.s32 $0xFFFFFF80  }
.LBB2_28:
0x1a1: {  	[bflag:$0x0] =	sbarrier.arrive $0xFFFF;
	s13 =	simm.s32 $0x19000;
	s28 =	simm.s32 $0x1  }
0x1a2: {  	[tilespmem:s13], [sflag:$0x1] =	stream.linear.gather [spmem:s4], $0x80, $0x38;
	[tilespmem:$0x1C1B8] =	vst v63  }
0x1a3: {  	_ =	swait.ge [sflag:s28], $0x80  }
0x1a4: {  	[sflag:s28] =	ssyncset.done $0x0  }
0x1a5: {  	[sflag:s28] =	ssyncadd.s32 $0xFFFFFF80  }
0x1a6: {  	v1 =	vld [tilespmem:$0x19000];
	_ =	sdelay $0x4  }
0x1a7: {  	(v2sf) =	vpush v1, $0x0;
	_ =	sdelay $0xc  }
0x1a8: {  	s29 =	simm.s32 $0x0  }
0x1a9: {  	v3 =	vld [tilespmem:s29+$0x0]  }
0x1aa: {  	s30 =	spop (v2sf)  }
0x1ab: {  	s12 =	sshll.u32 s12, $0x15;
	s13 =	sshll.u32 s30, $0xA  }
0x1ac: {  	s12 =	sor.u32 s12, s13  }
0x1ad: {  	v2 =	vmov s12  }
0x1ae: {  	p1 =	por $0x0, $0x0;
	v4 =	vsub.s32 v3, v2  }
0x1af: {  	v5 =	vimm.s32 @!p1 $0x0;
	vm0 =	vlt.u32 @!p1 v4, $0x400  }
0x1b0: {  	v1 =	vimm.s32 $0x0;
	vm1 =	vgt.s32 v4, $0x3FF;
	v4 =	vsel @!p1 vm0, $0x1, v5  }
0x1b1: {  	(xrf0) =	vadd.scan.msk.s32 @!p1 $0xffff, v4;
	v4 =	vsel vm1, $0x1, v1  }
0x1b2: {  	(xrf0) =	vadd.scan.msk.s32 $0xffff, v4;
	_ =	sdelay $0x4  }
0x1b3: {  	v4, _, _ =	vpop @!p1 (xrf0)  }
0x1b4: {  	(v2sf) =	vpush @!p1 v4, $0xF;
	v4, _, _ =	vpop (xrf0)  }
0x1b5: {  	(v2sf) =	vpush v4, $0xF;
	_ =	sdelay $0x9  }
0x1b6: {  	s13 =	simm.s32 $0x0  }
0x1b7: {  	[tilespmem:s13+$0x19080] =	vst.msk vm1, v3  }
0x1b8: {  	s31 =	simm.s32 $0x10;
	[tilespmem:s13+$0x19200] =	vst.msk @!p1 vm0, v3  }
0x1b9: {  	v3 =	vld [tilespmem:s31+$0x0]  }
0x1ba: {  	s14 =	simm.s32 $0x80;
	s15 =	spop @!p1 (v2sf)  }
0x1bb: {  	s12 =	simm.s32 $0x0;
	s15 =	sadd.s32 @!p1 $0x0, s15;
	s16 =	spop (v2sf)  }
.LBB2_29:
0x1bc: {  	s17 =	smov.u32 s13;
	s12 =	sadd.s32 s12, s16;
	s13 =	smov.u32 s15  }
0x1bd: {  	s15 =	smov.u32 s14;
	s14 =	sadd.s32 $0x40, s14;
	s13 =	smov.u32 @p1 s17  }
0x1be: {  	p2 =	sne.s32 s14, $0x40000;
	v4 =	vsub.s32 v3, v2;
	p1 =	sgt.s32 s13, $0xFF  }
0x1bf: {  	vm0 =	vgt.s32 v4, $0x3FF;
	vm1 =	vlt.u32 @!p1 v4, $0x400;
	v4 =	vimm.s32 @!p1 $0x0  }
0x1c0: {  	v5 =	vsel vm0, $0x1, v1;
	[tilespmem:s12+$0x19080] =	vst.msk vm0, v3;
	v4 =	vsel @!p1 vm1, $0x1, v4  }
0x1c1: {  	[tilespmem:s13+$0x19200] =	vst.msk @!p1 vm1, v3;
	(xrf0) =	vadd.scan.msk.s32 @!p1 $0xffff, v4  }
0x1c2: {  	(xrf0) =	vadd.scan.msk.s32 $0xffff, v5;
	_ =	sdelay $0x4  }
0x1c3: {  	v3, _, _ =	vpop @!p1 (xrf0)  }
0x1c4: {  	v4, _, _ =	vpop (xrf0);
	(v2sf) =	vpush @!p1 v3, $0xF  }
0x1c5: {  	(v2sf) =	vpush v4, $0xF;
	_ =	sdelay $0xa  }
.Ltmp14:
0x1c6: {  	s15 =	sshra.s32 s15, $0x2;
	(pc) =	sbr.rel @p2 .LBB2_29-.Ltmp14, $3  }
0x1c7: {  	v3 =	vld [tilespmem:s15+$0x0];
	_ =	sdelay $0x1  }
0x1c8: {  	s15 =	spop @!p1 (v2sf)  }
0x1c9: {  	s15 =	sadd.s32 @!p1 s13, s15;
	s16 =	spop (v2sf)  }
0x1ca: {  	s15 =	smov.u32 @p1 s13  }
0x1cb: {  	v2 =	vsub.s32 v3, v2;
	p1 =	sgt.s32 s15, $0xFF  }
0x1cc: {  	vm2 =	vlt.u32 @!p1 v2, $0x400;
	v4 =	vimm.s32 @!p1 $0x0  }
0x1cd: {  	vm1 =	vgt.s32 v2, $0x3FF;
	v2 =	vsel @!p1 vm2, $0x1, v4  }
0x1ce: {  	v1 =	vsel vm1, $0x1, v1;
	(xrf0) =	vadd.scan.msk.s32 @!p1 $0xffff, v2  }
0x1cf: {  	(xrf0) =	vadd.scan.msk.s32 $0xffff, v1;
	_ =	sdelay $0x4  }
0x1d0: {  	v1, _, _ =	vpop @!p1 (xrf0)  }
0x1d1: {  	v2, _, _ =	vpop (xrf0);
	(v2sf) =	vpush @!p1 v1, $0xF  }
0x1d2: {  	(v2sf) =	vpush v2, $0xF;
	_ =	sdelay $0xd  }
0x1d3: {  	s13 =	spop @!p1 (v2sf)  }
0x1d4: {  	s12 =	sadd.s32 s12, s16;
	s14 =	spop (v2sf)  }
0x1d5: {  	s14 =	sadd.s32 s12, s14  }
0x1d6: {  	vm0 =	vcmask $0x300;
	s13 =	sadd.s32 @!p1 s15, s13;
	v1 =	vmov s14  }
0x1d7: {  	[tilespmem:s12+$0x19080] =	vst.msk vm1, v3;
	vm1 =	vcmask $0x704;
	s13 =	smov.u32 @p1 s15;
	v1 =	vnsel vm0, $0x0, v1  }
0x1d8: {  	[tilespmem:s15+$0x19200] =	vst.msk @!p1 vm2, v3;
	v1 =	vsel vm1, s13, v1  }
0x1d9: {  	s29 =	simm.s32 $0x19000;
	s12 =	simm.s32 $0x1;
	[tilespmem:$0x19000] =	vst v1  }
0x1da: {  	[spmem:s9] =	stream.linear.scatter [tilespmem:s29], [sflag:$0x1], $0x10, $0x38;
	[tilespmem:$0x1C1B8] =	vst v63  }
0x1db: {  	_ =	swait.ge [sflag:s12], $0x10  }
0x1dc: {  	[sflag:s12] =	ssyncset.done $0x0  }
0x1dd: {  	s30 =	simm.s32 $0x19080;
	[sflag:s12] =	ssyncadd.s32 $0xFFFFFFF0  }
0x1de: {  	[spmem:s8] =	stream.linear.scatter [tilespmem:s30], [sflag:$0x1], $0x110, $0x38;
	[tilespmem:$0x1C1B8] =	vst v63  }
0x1df: {  	_ =	swait.ge [sflag:s12], $0x110  }
0x1e0: {  	[sflag:s12] =	ssyncset.done $0x0  }
0x1e1: {  	s31 =	simm.s32 $0x19200;
	[sflag:s12] =	ssyncadd.s32 $0xFFFFFEF0  }
0x1e2: {  	[spmem:s7] =	stream.linear.scatter [tilespmem:s31], [sflag:$0x1], $0x110, $0x38;
	[tilespmem:$0x1C1B8] =	vst v63  }
.Ltmp15:
0x1e3: {  	_ =	swait.ge [sflag:s12], $0x110;
	(pc) =	sbr.rel @p0 .LBB2_40-.Ltmp15, $3  }
0x1e4: {  	[sflag:s12] =	ssyncset.done $0x0  }
0x1e5: {  	[sflag:s12] =	ssyncadd.s32 $0xFFFFFEF0  }
0x1e6: {  	[bflag:$0x0] =	sbarrier.arrive $0xFFFF;
	_ =	sdelay $0x1  }
0x1e7: {  	s13 =	simm.s32 $0x1B680  }
0x1e8: {  	[tilespmem:s13], [sflag:$0x1] =	stream.linear.gather [spmem:s3], $0x100, $0x38;
	[tilespmem:$0x1C1B8] =	vst v63  }
0x1e9: {  	_ =	swait.ge [sflag:s12], $0x100  }
0x1ea: {  	[sflag:s12] =	ssyncset.done $0x0  }
0x1eb: {  	s13 =	simm.s32 $0x19480;
	[sflag:s12] =	ssyncadd.s32 $0xFFFFFF00  }
0x1ec: {  	[tilespmem:s13], [sflag:$0x1] =	stream.linear.gather [spmem:s2], $0x1100, $0x38;
	[tilespmem:$0x1C1B8] =	vst v63  }
0x1ed: {  	_ =	swait.ge [sflag:s12], $0x1100  }
0x1ee: {  	[sflag:s12] =	ssyncset.done $0x0  }
0x1ef: {  	s14 =	simm.s32 $0x1A580;
	[sflag:s12] =	ssyncadd.s32 $0xFFFFEF00  }
0x1f0: {  	[tilespmem:s14], [sflag:$0x1] =	stream.linear.gather [spmem:s1], $0x1100, $0x38;
	[tilespmem:$0x1C1B8] =	vst v63  }
0x1f1: {  	_ =	swait.ge [sflag:s12], $0x1100  }
0x1f2: {  	s15 =	simm.s32 $0x19380;
	s16 =	simm.s32 $0x0;
	[sflag:s12] =	ssyncset.done $0x0  }
0x1f3: {  	v1 =	vlaneseq.u32;
	s14 =	simm.s32 $0x0;
	[sflag:s12] =	ssyncadd.s32 $0xFFFFEF00;
	s12 =	simm.s32 $0x0  }
.LBB2_32:
0x1f4: {  	s17 =	sshll.u32 s16, $0x4  }
0x1f5: {  	s17 =	sand.u32 $0x3FFFFFF0, s17  }
0x1f6: {  	v2 =	vld [tilespmem:s17+$0x1B680];
	_ =	sdelay $0x4  }
0x1f7: {  	v3 =	vmov s12;
	v6 =	vor.u32 s14, v1;
	v5 =	vbroadcast v2, $0x0  }
0x1f8: {  	v4 =	vadd.s32 v3, v6  }
0x1f9: {  	vm3 =	vlt.s32 v4, $0x100;
	vm2 =	vlt.s32 v6, v5  }
0x1fa: {  	vm2 =	vmand vm2, vm3  }
0x1fb: {  	s18 =	smov.u32 s13;
	s17 =	simm.s32 $0x10;
	v6 =	vld [tilespmem:s13+$0x0]  }
.LBB2_33:
0x1fc: {  	p1 =	sne.s32 s17, $0x100  }
.Ltmp16:
0x1fd: {  	v7 =	vor.u32 s17, v1;
	s17 =	sadd.s32 $0x10, s17;
	(pc) =	sbr.rel @p1 .LBB2_33-.Ltmp16, $4  }
0x1fe: {  	v8 =	vadd.s32 v3, v7  }
0x1ff: {  	vm3 =	vlt.s32 v7, v5;
	vm4 =	vlt.s32 v8, $0x100  }
0x200: {  	s18 =	sadd.s32 $0x10, s18;
	[tilespmem:v4+s15+$0x0] =	vst.idx.msk vm2, v6;
	vm2 =	vmand vm3, vm4;
	v4 =	vmov v8  }
0x201: {  	v6 =	vld [tilespmem:s18+$0x0]  }
0x202: {  	(v2sf) =	vpush v2, $0x0;
	_ =	sdelay $0x9  }
0x203: {  	s16 =	sadd.s32 $0x1, s16  }
0x204: {  	p1 =	sne.s32 s16, $0x10  }
.Ltmp17:
0x205: {  	_ = 	snop;
	(pc) =	sbr.rel @p1 .LBB2_32-.Ltmp17, $3  }
0x206: {  	_ =	sdelay $0x1  }
0x207: {  	s17 =	spop (v2sf)  }
0x208: {  	s13 =	sadd.s32 $0x110, s13;
	[tilespmem:v4+s15+$0x0] =	vst.idx.msk vm2, v6;
	s12 =	sadd.s32 s12, s17  }
0x209: {  	s13 =	simm.s32 $0x0  }
0x20a: {  	s14 =	simm.s32 $0x1A580;
	v1 =	vlaneseq.u32;
	s15 =	simm.s32 $0x19380;
	s16 =	simm.s32 $0x0  }
.LBB2_36:
0x20b: {  	s17 =	sshll.u32 s16, $0x4  }
0x20c: {  	s17 =	sand.u32 $0x3FFFFFF0, s17  }
0x20d: {  	v2 =	vld [tilespmem:s17+$0x1B680];
	_ =	sdelay $0x4  }
0x20e: {  	v3 =	vmov s12;
	v6 =	vor.u32 s13, v1;
	v5 =	vbroadcast v2, $0x1  }
0x20f: {  	v4 =	vadd.s32 v3, v6  }
0x210: {  	vm3 =	vlt.s32 v4, $0x100;
	vm2 =	vlt.s32 v6, v5  }
0x211: {  	vm2 =	vmand vm2, vm3  }
0x212: {  	s18 =	smov.u32 s14;
	s17 =	simm.s32 $0x10;
	v6 =	vld [tilespmem:s14+$0x0]  }
.LBB2_37:
0x213: {  	p1 =	sne.s32 s17, $0x100  }
.Ltmp18:
0x214: {  	v7 =	vor.u32 s17, v1;
	s17 =	sadd.s32 $0x10, s17;
	(pc) =	sbr.rel @p1 .LBB2_37-.Ltmp18, $4  }
0x215: {  	v8 =	vadd.s32 v3, v7  }
0x216: {  	vm3 =	vlt.s32 v7, v5;
	vm4 =	vlt.s32 v8, $0x100  }
0x217: {  	s18 =	sadd.s32 $0x10, s18;
	[tilespmem:v4+s15+$0x0] =	vst.idx.msk vm2, v6;
	vm2 =	vmand vm3, vm4;
	v4 =	vmov v8  }
0x218: {  	v6 =	vld [tilespmem:s18+$0x0]  }
0x219: {  	(v2sf) =	vpush v2, $0x1;
	_ =	sdelay $0x9  }
0x21a: {  	s16 =	sadd.s32 $0x1, s16  }
0x21b: {  	p1 =	sne.s32 s16, $0x10  }
.Ltmp19:
0x21c: {  	_ = 	snop;
	(pc) =	sbr.rel @p1 .LBB2_36-.Ltmp19, $3  }
0x21d: {  	_ =	sdelay $0x1  }
0x21e: {  	s17 =	spop (v2sf)  }
0x21f: {  	s14 =	sadd.s32 $0x110, s14;
	[tilespmem:v4+s15+$0x0] =	vst.idx.msk vm2, v6;
	s12 =	sadd.s32 s12, s17  }
0x220: {  	s12 =	simm.s32 $0x80  }
0x221: {  	s13 =	simm.s32 $0x100;
	s14 =	simm.s32 $0x19380;
	s31 =	simm.s32 $0x1  }
0x222: {  	[hbm4b:s11+s12] =	stream.strided.scatter [tilespmem:s14], [sflag:$0x1], $0x100, s13, s12, $0x38;
	[tilespmem:$0x1C1B8] =	vst v63  }
0x223: {  	_ =	swait.ge [sflag:s31], $0x100  }
0x224: {  	[sflag:s31] =	ssyncset.done $0x0  }
0x225: {  	[sflag:s31] =	ssyncadd.s32 $0xFFFFFF00  }
.LBB2_40:
0x226: {  	[bflag:$0x0] =	sbarrier.arrive $0xFFFF;
	s11 =	simm.s32 $0x0;
	v1 =	vimm.s32 $0x0;
	s12 =	simm.s32 $0x0  }
.LBB2_41:
0x227: {  	p1 =	sne.s32 s12, $0x1FFC0  }
.Ltmp20:
0x228: {  	_ = 	snop;
	(pc) =	sbr.rel @p1 .LBB2_41-.Ltmp20, $3  }
0x229: {  	_ =	sdelay $0x1  }
0x22a: {  	s13 =	sshra.s32 s12, $0x2  }
0x22b: {  	s12 =	sadd.s32 $0x40, s12;
	[tilespmem:s13+$0x10000] =	vst v1  }
0x22c: {  	v1 =	vlaneseq.u32  }
0x22d: {  	v3 =	vimm.s32 $0x1;
	s12 =	simm.s32 $0x0;
	s13 =	simm.s32 $0x10000;
	v2 =	vmul.u32 $0x800, v1  }
.LBB2_43:
0x22e: {  	v4 =	vld [tilespmem:s11+$0x0];
	_ =	sdelay $0x4  }
0x22f: {  	v5 =	vmov s12;
	v4 =	vxor.u32 $0x7FFFFFFF, v4  }
0x230: {  	v6 =	vor.u32 s12, v1;
	v5 =	vshrl.u32 v5, $0xA;
	v4 =	vshrl.u32 v4, $0x15  }
0x231: {  	v6 =	vand.u32 $0x3FF, v6;
	v5 =	vor.u32 v0, v5;
	v7 =	vand.u32 $0x780, v4  }
0x232: {  	vm2 =	vne.s32 v6, v5;
	v4 =	vand.u32 $0x7F, v4;
	v5 =	vor.u32 v2, v7  }
0x233: {  	p1 =	sne.s32 s12, $0xFFF0;
	v4 =	vor.u32 v4, v5  }
.Ltmp21:
0x234: {  	_ = 	snop;
	(pc) =	sbr.rel @p1 .LBB2_43-.Ltmp21, $2  }
0x235: {  	_ =	sdelay $0x2  }
0x236: {  	s11 =	sadd.s32 $0x10, s11;
	s12 =	sadd.s32 $0x10, s12;
	[tilespmem:v4+s13+$0x0] =	vst.idx.add.s32.msk vm2, v3  }
0x237: {  	s11 =	simm.s32 $0x0  }
0x238: {  	v2 =	vld [tilespmem:s13+$0x0];
	s11 =	sand.u32 $0x7F0, s11  }
0x239: {  	v1 =	vld [tilespmem:s11+$0x10800]  }
0x23a: {  	v3 =	vld [tilespmem:s11+$0x11000]  }
0x23b: {  	v4 =	vld [tilespmem:s11+$0x11800]  }
0x23c: {  	v5 =	vld [tilespmem:s11+$0x12000]  }
0x23d: {  	v6 =	vld [tilespmem:s11+$0x12800]  }
0x23e: {  	v1 =	vadd.s32 v2, v1;
	v2 =	vld [tilespmem:s11+$0x13000]  }
0x23f: {  	v1 =	vadd.s32 v3, v1;
	v3 =	vld [tilespmem:s11+$0x13800]  }
0x240: {  	v58 =	vld [tilespmem:s11+$0x14000];
	v1 =	vadd.s32 v4, v1  }
0x241: {  	v59 =	vld [tilespmem:s11+$0x14800];
	v1 =	vadd.s32 v5, v1  }
0x242: {  	v60 =	vld [tilespmem:s11+$0x15000];
	v1 =	vadd.s32 v6, v1  }
0x243: {  	v1 =	vadd.s32 v2, v1;
	v2 =	vld [tilespmem:s11+$0x15800]  }
0x244: {  	v1 =	vadd.s32 v3, v1;
	v3 =	vld [tilespmem:s11+$0x16000]  }
0x245: {  	v61 =	vld [tilespmem:s11+$0x16800];
	v1 =	vadd.s32 v58, v1  }
0x246: {  	v62 =	vld [tilespmem:s11+$0x17000];
	v1 =	vadd.s32 v59, v1  }
0x247: {  	v63 =	vld [tilespmem:s11+$0x17800];
	v1 =	vadd.s32 v60, v1  }
0x248: {  	v1 =	vadd.s32 v2, v1  }
0x249: {  	v1 =	vadd.s32 v3, v1  }
0x24a: {  	v1 =	vadd.s32 v61, v1  }
0x24b: {  	v1 =	vadd.s32 v62, v1  }
0x24c: {  	s12 =	simm.s32 $0x10;
	s11 =	simm.s32 $0x18000;
	v1 =	vadd.s32 v63, v1  }
0x24d: {  	s12 =	sand.u32 $0x7F0, s12;
	[tilespmem:s11+$0x0] =	vst v1  }
0x24e: {  	s14 =	simm.s32 $0x20;
	s13 =	simm.s32 $0x10010;
	v1 =	vld [tilespmem:s12+$0x10800]  }
.LBB2_45:
0x24f: {  	p1 =	sne.s32 s14, $0x7F0;
	v2 =	vld [tilespmem:s13+$0x0]  }
0x250: {  	v3 =	vld [tilespmem:s12+$0x11000]  }
0x251: {  	v4 =	vld [tilespmem:s12+$0x11800]  }
0x252: {  	v5 =	vld [tilespmem:s12+$0x12000]  }
0x253: {  	v6 =	vld [tilespmem:s12+$0x12800]  }
0x254: {  	v1 =	vadd.s32 v2, v1;
	v2 =	vld [tilespmem:s12+$0x13000]  }
0x255: {  	v1 =	vadd.s32 v3, v1;
	v3 =	vld [tilespmem:s12+$0x13800]  }
0x256: {  	v1 =	vadd.s32 v4, v1;
	v4 =	vld [tilespmem:s12+$0x14000]  }
0x257: {  	v1 =	vadd.s32 v5, v1;
	v5 =	vld [tilespmem:s12+$0x14800]  }
0x258: {  	v1 =	vadd.s32 v6, v1;
	v6 =	vld [tilespmem:s12+$0x15000]  }
0x259: {  	v1 =	vadd.s32 v2, v1;
	v2 =	vld [tilespmem:s12+$0x15800]  }
0x25a: {  	v1 =	vadd.s32 v3, v1;
	v3 =	vld [tilespmem:s12+$0x16000]  }
0x25b: {  	v1 =	vadd.s32 v4, v1;
	v4 =	vld [tilespmem:s12+$0x16800]  }
0x25c: {  	v1 =	vadd.s32 v5, v1;
	v5 =	vld [tilespmem:s12+$0x17000]  }
0x25d: {  	v1 =	vadd.s32 v6, v1;
	v6 =	vld [tilespmem:s12+$0x17800]  }
0x25e: {  	v1 =	vadd.s32 v2, v1  }
0x25f: {  	v1 =	vadd.s32 v3, v1  }
.Ltmp22:
0x260: {  	v1 =	vadd.s32 v4, v1;
	(pc) =	sbr.rel @p1 .LBB2_45-.Ltmp22, $4  }
0x261: {  	v1 =	vadd.s32 v5, v1  }
0x262: {  	s11 =	sadd.s32 $0x10, s11;
	v1 =	vadd.s32 v6, v1  }
0x263: {  	s12 =	sand.u32 $0x7F0, s14;
	[tilespmem:s11+$0x0] =	vst v1  }
0x264: {  	s13 =	sadd.s32 $0x10, s13;
	s14 =	sadd.s32 $0x10, s14;
	v1 =	vld [tilespmem:s12+$0x10800]  }
0x265: {  	v2 =	vld [tilespmem:s13+$0x0]  }
0x266: {  	v3 =	vld [tilespmem:s12+$0x11000]  }
0x267: {  	v4 =	vld [tilespmem:s12+$0x11800]  }
0x268: {  	v5 =	vld [tilespmem:s12+$0x12000]  }
0x269: {  	v6 =	vld [tilespmem:s12+$0x12800]  }
0x26a: {  	v1 =	vadd.s32 v2, v1;
	v2 =	vld [tilespmem:s12+$0x13000]  }
0x26b: {  	v1 =	vadd.s32 v3, v1;
	v3 =	vld [tilespmem:s12+$0x13800]  }
0x26c: {  	v58 =	vld [tilespmem:s12+$0x14000];
	v1 =	vadd.s32 v4, v1  }
0x26d: {  	v59 =	vld [tilespmem:s12+$0x14800];
	v1 =	vadd.s32 v5, v1  }
0x26e: {  	v60 =	vld [tilespmem:s12+$0x15000];
	v1 =	vadd.s32 v6, v1  }
0x26f: {  	v1 =	vadd.s32 v2, v1;
	v2 =	vld [tilespmem:s12+$0x15800]  }
0x270: {  	v1 =	vadd.s32 v3, v1;
	v3 =	vld [tilespmem:s12+$0x16000]  }
0x271: {  	v61 =	vld [tilespmem:s12+$0x16800];
	v1 =	vadd.s32 v58, v1  }
0x272: {  	v62 =	vld [tilespmem:s12+$0x17000];
	v1 =	vadd.s32 v59, v1  }
0x273: {  	v63 =	vld [tilespmem:s12+$0x17800];
	v1 =	vadd.s32 v60, v1  }
0x274: {  	v1 =	vadd.s32 v2, v1  }
0x275: {  	v1 =	vadd.s32 v3, v1  }
0x276: {  	v1 =	vadd.s32 v61, v1  }
0x277: {  	v1 =	vadd.s32 v62, v1  }
0x278: {  	s11 =	sadd.s32 $0x10, s11;
	s31 =	simm.s32 $0x18000;
	v1 =	vadd.s32 v63, v1  }
0x279: {  	s13 =	simm.s32 $0x1;
	s12 =	simm.s32 $0x400;
	[tilespmem:s11+$0x0] =	vst v1;
	s11 =	simm.s32 $0x80  }
0x27a: {  	[spmem:s10] =	stream.strided.scatter [tilespmem:s31], [sflag:$0x1], $0x800, s12, s11, $0x38;
	[tilespmem:$0x1C1B8] =	vst v63  }
.Ltmp23:
0x27b: {  	_ =	swait.ge [sflag:s13], $0x800;
	(pc) =	sbr.rel @p0 .LBB2_54-.Ltmp23, $3  }
0x27c: {  	[sflag:s13] =	ssyncset.done $0x0  }
0x27d: {  	[sflag:s13] =	ssyncadd.s32 $0xFFFFF800  }
0x27e: {  	[bflag:$0x0] =	sbarrier.arrive $0xFFFF;
	_ =	sdelay $0x1  }
0x27f: {  	s14 =	simm.s32 $0x18800;
	s15 =	simm.s32 $0x1  }
.LBB2_48:
0x280: {  	s16 =	sshll.u32 s13, $0xB  }
0x281: {  	s17 =	sshll.u32 s13, $0x7;
	s16 =	sand.u32 $0x4000, s16  }
0x282: {  	s17 =	sand.u32 $0x380, s17;
	s16 =	sadd.s32 s16, s6  }
0x283: {  	s16 =	sadd.s32 s17, s16  }
0x284: {  	[tilespmem:s14], [sflag:$0x1] =	stream.strided.gather [spmem:s16], $0x800, s12, s11, $0x38;
	[tilespmem:$0x1C1B8] =	vst v63  }
0x285: {  	_ =	swait.ge [sflag:s15], $0x800  }
0x286: {  	[sflag:s15] =	ssyncset.done $0x0  }
0x287: {  	s16 =	simm.s32 $0x0;
	[sflag:s15] =	ssyncadd.s32 $0xFFFFF800  }
0x288: {  	s17 =	simm.s32 $0x40;
	v1 =	vld [tilespmem:s16+$0x18800]  }
.LBB2_49:
0x289: {  	p1 =	sne.s32 s17, $0x1FC0;
	v2 =	vld [tilespmem:s16+$0x18000];
	_ =	sdelay $0x1  }
.Ltmp24:
0x28a: {  	(pc) =	sbr.rel @p1 .LBB2_49-.Ltmp24, $3  }
0x28b: {  	_ =	sdelay $0x1  }
0x28c: {  	s18 =	sshra.s32 s17, $0x2;
	v2 =	vadd.s32 v2, v1  }
0x28d: {  	s17 =	sadd.s32 $0x40, s17;
	v1 =	vld [tilespmem:s18+$0x18800];
	[tilespmem:s16+$0x18000] =	vst v2;
	s16 =	smov.u32 s18  }
0x28e: {  	v2 =	vld [tilespmem:s16+$0x18000];
	s13 =	sadd.s32 $0x1, s13  }
0x28f: {  	p1 =	sne.s32 s13, $0x10  }
.Ltmp25:
0x290: {  	_ = 	snop;
	(pc) =	sbr.rel @p1 .LBB2_48-.Ltmp25, $3  }
0x291: {  	_ =	sdelay $0x1  }
0x292: {  	v1 =	vadd.s32 v2, v1  }
0x293: {  	[tilespmem:s16+$0x18000] =	vst v1  }
0x294: {  	s11 =	simm.s32 $0x187F0  }
0x295: {  	v1 =	vld [tilespmem:s11+$0x0];
	_ =	sdelay $0x4  }
0x296: {  	(xrf0) =	vadd.scan.msk.s32 $0xffff, v1;
	_ =	sdelay $0x5  }
0x297: {  	v1, _, _ =	vpop (xrf0)  }
0x298: {  	(v2sf) =	vpush v1, $0xF;
	_ =	sdelay $0x1  }
0x299: {  	s29 =	simm.s32 $0x187E0  }
0x29a: {  	v1 =	vld [tilespmem:s29+$0x0];
	_ =	sdelay $0x2  }
0x29b: {  	s30 =	simm.s32 $0x187D0  }
0x29c: {  	v2 =	vld [tilespmem:s30+$0x0]  }
0x29d: {  	(xrf0) =	vadd.scan.msk.s32 $0xffff, v1;
	_ =	sdelay $0x3  }
0x29e: {  	(xrf0) =	vadd.scan.msk.s32 $0xffff, v2;
	_ =	sdelay $0x1  }
0x29f: {  	v2, _, _ =	vpop (xrf0)  }
0x2a0: {  	s12 =	spop (v2sf);
	(v2sf) =	vpush v2, $0xF  }
0x2a1: {  	s31 =	simm.s32 $0x187C0  }
0x2a2: {  	v1 =	vld [tilespmem:s31+$0x0]  }
0x2a3: {  	v2, _, _ =	vpop (xrf0)  }
0x2a4: {  	(v2sf) =	vpush v2, $0xF;
	_ =	sdelay $0x2  }
0x2a5: {  	s13 =	simm.s32 $0xFFFFFFFF;
	s19 =	simm.s32 $0x7F;
	s17 =	simm.s32 $0x7E;
	(xrf0) =	vadd.scan.msk.s32 $0xffff, v1  }
0x2a6: {  	s16 =	simm.s32 $0x7D;
	s20 =	simm.s32 $0x187B0;
	s12 =	sadd.s32 $0x0, s12  }
0x2a7: {  	s15 =	simm.s32 $0x7C;
	p2 =	por $0x1, $0x1;
	v1 =	vld [tilespmem:s20+$0x0];
	p1 =	sgt.s32 s12, $0xFF  }
0x2a8: {  	s14 =	simm.s32 $0x7B;
	s21 =	simm.s32 $0x7A;
	p1 =	por !p2, !p1  }
0x2a9: {  	s18 =	simm.s32 $0x0;
	s11 =	simm.s32 $0x0;
	p1 =	por !p1, !p1  }
.LBB2_52:
0x2aa: {  	p2 =	sne.s32 s21, $0x0;
	s13 =	smov.u32 @p1 s19;
	s11 =	smov.u32 @p1 s18  }
0x2ab: {  	v2, _, _ =	vpop (xrf0);
	s19 =	smov.u32 s17;
	s17 =	smov.u32 s16;
	s16 =	smov.u32 s15  }
0x2ac: {  	s15 =	smov.u32 s14;
	s14 =	smov.u32 s21;
	s21 =	sadd.s32 $0xFFFFFFFF, s21;
	(xrf0) =	vadd.scan.msk.s32 $0xffff, v1;
	(v2sf) =	vpush v2, $0xF  }
.Ltmp26:
0x2ad: {  	s20 =	sadd.s32 $0xFFFFFFF0, s20;
	s22 =	spop (v2sf);
	(pc) =	sbr.rel @p2 .LBB2_52-.Ltmp26, $4  }
0x2ae: {  	s18 =	smov.u32 s12;
	v1 =	vld [tilespmem:s20+$0x0];
	s12 =	sadd.s32 s12, s22  }
0x2af: {  	p3 =	slt.s32 s13, $0x0;
	p1 =	sgt.s32 s12, $0xFF  }
0x2b0: {  	p1 =	por !p3, !p1  }
0x2b1: {  	p1 =	por !p1, !p1  }
0x2b2: {  	_ = 	snop  }
0x2b3: {  	(xrf0) =	vadd.scan.msk.s32 $0xffff, v1;
	_ =	sdelay $0x1  }
0x2b4: {  	v1, _, _ =	vpop (xrf0)  }
0x2b5: {  	(v2sf) =	vpush v1, $0xF;
	_ =	sdelay $0x2  }
0x2b6: {  	v1, _, _ =	vpop (xrf0)  }
0x2b7: {  	(v2sf) =	vpush v1, $0xF;
	_ =	sdelay $0x2  }
0x2b8: {  	s20 =	spop (v2sf)  }
0x2b9: {  	s13 =	smov.u32 @p1 s19;
	s19 =	sadd.s32 s12, s20  }
0x2ba: {  	p3 =	slt.s32 s13, $0x0;
	p2 =	sgt.s32 s19, $0xFF  }
0x2bb: {  	p2 =	por !p3, !p2  }
0x2bc: {  	p2 =	por !p2, !p2;
	s23 =	spop (v2sf)  }
0x2bd: {  	s13 =	smov.u32 @p2 s17;
	s17 =	sadd.s32 s19, s23  }
0x2be: {  	p4 =	slt.s32 s13, $0x0;
	p5 =	sgt.s32 s17, $0xFF  }
0x2bf: {  	p3 =	por !p4, !p5  }
0x2c0: {  	p3 =	por !p3, !p3;
	s24 =	spop (v2sf)  }
0x2c1: {  	s13 =	smov.u32 @p3 s16;
	s16 =	sadd.s32 s17, s24  }
0x2c2: {  	p5 =	slt.s32 s13, $0x0;
	p6 =	sgt.s32 s16, $0xFF  }
0x2c3: {  	p4 =	por !p5, !p6  }
0x2c4: {  	p4 =	por !p4, !p4;
	s25 =	spop (v2sf)  }
0x2c5: {  	s13 =	smov.u32 @p4 s15;
	s26 =	sadd.s32 s16, s25  }
0x2c6: {  	p6 =	slt.s32 s13, $0x0;
	p5 =	sgt.s32 s26, $0xFF  }
0x2c7: {  	p5 =	por !p6, !p5  }
0x2c8: {  	p5 =	por !p5, !p5  }
0x2c9: {  	s13 =	smov.u32 @p5 s14  }
0x2ca: {  	s13 =	sshll.u32 s13, $0x4  }
0x2cb: {  	v1 =	vld [tilespmem:s13+$0x18000]  }
0x2cc: {  	v2 =	vlaneseq.u32  }
0x2cd: {  	v3 =	vmul.u32 $0xFFFFFFFF, v2;
	_ =	sdelay $0x1  }
0x2ce: {  	v3 =	vadd.s32 $0xF, v3  }
0x2cf: {  	v4 =	vperm.xlane v1, v3;
	_ =	sdelay $0x1  }
0x2d0: {  	(xrf0) =	vadd.scan.msk.s32 $0xffff, v4;
	_ =	sdelay $0x3  }
0x2d1: {  	s11 =	smov.u32 @p1 s18  }
0x2d2: {  	s11 =	smov.u32 @p2 s12  }
0x2d3: {  	s11 =	smov.u32 @p3 s19;
	v4, _, _ =	vpop (xrf0)  }
0x2d4: {  	s11 =	smov.u32 @p4 s17;
	v3 =	vperm.xlane v4, v3  }
0x2d5: {  	s11 =	smov.u32 @p5 s16  }
0x2d6: {  	v3 =	vadd.s32 s11, v3  }
0x2d7: {  	vm2 =	vgt.s32 v3, $0xFF;
	v3 =	vor.u32 $0x80000000, v2  }
0x2d8: {  	v3 =	vnsel vm2, $0x7FFFFFFF, v3  }
0x2d9: {  	(xrf0) =	vmax.scan.msk.u32 $0xffff, v3;
	_ =	sdelay $0x5  }
0x2da: {  	v3, _, _ =	vpop (xrf0)  }
0x2db: {  	(v2sf) =	vpush v3, $0xF;
	_ =	sdelay $0xe  }
0x2dc: {  	s28 =	spop (v2sf)  }
0x2dd: {  	s12 =	sxor.u32 $0x80000000, s28  }
0x2de: {  	v3 =	vmov s12  }
0x2df: {  	vm2 =	vlt.s32 v3, v2  }
0x2e0: {  	v1 =	vnsel vm2, $0x0, v1  }
0x2e1: {  	(xrf0) =	vadd.scan.msk.s32 $0xffff, v1;
	_ =	sdelay $0x5  }
0x2e2: {  	v1, _, _ =	vpop (xrf0)  }
0x2e3: {  	(v2sf) =	vpush v1, $0xF;
	_ =	sdelay $0xd  }
0x2e4: {  	s12 =	sadd.s32 s13, s12  }
0x2e5: {  	v1 =	vmov s12;
	s29 =	spop (v2sf)  }
0x2e6: {  	v1 =	vnsel vm0, $0x0, v1;
	s11 =	sadd.s32 s11, s29  }
0x2e7: {  	v1 =	vsel vm1, s11, v1  }
0x2e8: {  	s30 =	simm.s32 $0x19000;
	s31 =	simm.s32 $0x1;
	[tilespmem:$0x19000] =	vst v1  }
0x2e9: {  	[spmem:s4] =	stream.linear.scatter [tilespmem:s30], [sflag:$0x1], $0x80, $0x38;
	[tilespmem:$0x1C1B8] =	vst v63  }
0x2ea: {  	_ =	swait.ge [sflag:s31], $0x80  }
0x2eb: {  	[sflag:s31] =	ssyncset.done $0x0  }
0x2ec: {  	[sflag:s31] =	ssyncadd.s32 $0xFFFFFF80  }
.LBB2_54:
0x2ed: {  	[bflag:$0x0] =	sbarrier.arrive $0xFFFF;
	s11 =	simm.s32 $0x19000;
	s31 =	simm.s32 $0x1  }
0x2ee: {  	[tilespmem:s11], [sflag:$0x1] =	stream.linear.gather [spmem:s4], $0x80, $0x38;
	[tilespmem:$0x1C1B8] =	vst v63  }
0x2ef: {  	_ =	swait.ge [sflag:s31], $0x80  }
0x2f0: {  	[sflag:s31] =	ssyncset.done $0x0  }
0x2f1: {  	[sflag:s31] =	ssyncadd.s32 $0xFFFFFF80  }
0x2f2: {  	v2 =	vimm.s32 $0x0;
	s12 =	simm.s32 $0x0;
	s11 =	simm.s32 $0x40;
	v1 =	vld [tilespmem:$0x19000]  }
.LBB2_55:
0x2f3: {  	p1 =	seq.s32 s11, $0x1FFC0;
	[tilespmem:s12+$0x10000] =	vst v2;
	s12 =	smov.u32 s11;
	s11 =	sadd.s32 $0x40, s11  }
.Ltmp27:
0x2f4: {  	(pc) =	sbr.rel @!p1 .LBB2_55-.Ltmp27, $2  }
0x2f5: {  	_ =	sdelay $0x2  }
0x2f6: {  	s12 =	sshra.s32 s12, $0x2  }
0x2f7: {  	[tilespmem:s12+$0x10000] =	vst v2;
	v2 =	vlaneseq.u32;
	s11 =	simm.s32 $0x0  }
0x2f8: {  	v3 =	vbroadcast v1, $0x0;
	v5 =	vimm.s32 $0x1;
	s12 =	simm.s32 $0x0;
	s13 =	simm.s32 $0x0;
	s14 =	simm.s32 $0x10000;
	v4 =	vmul.u32 $0x800, v2  }
.LBB2_57:
0x2f9: {  	v6 =	vld [tilespmem:s12+$0x0];
	_ =	sdelay $0x3  }
0x2fa: {  	v7 =	vmov s13  }
0x2fb: {  	v8 =	vor.u32 s13, v2;
	v7 =	vshrl.u32 v7, $0xA;
	v6 =	vxor.u32 $0x7FFFFFFF, v6  }
0x2fc: {  	v8 =	vand.u32 $0x3FF, v8;
	v7 =	vor.u32 v0, v7;
	v9 =	vshra.s32 v6, $0x15  }
0x2fd: {  	vm2 =	vne.s32 v8, v7;
	v6 =	vshrl.u32 v6, $0xA;
	vm3 =	veq.s32 v9, v3  }
0x2fe: {  	v6 =	vand.u32 $0x7FF, v6;
	vm2 =	vmand vm2, vm3  }
0x2ff: {  	p1 =	sne.s32 s13, $0xFFF0;
	v6 =	vor.u32 v4, v6  }
.Ltmp28:
0x300: {  	_ = 	snop;
	(pc) =	sbr.rel @p1 .LBB2_57-.Ltmp28, $2  }
0x301: {  	_ =	sdelay $0x2  }
0x302: {  	s12 =	sadd.s32 $0x10, s12;
	s13 =	sadd.s32 $0x10, s13;
	[tilespmem:v6+s14+$0x0] =	vst.idx.add.s32.msk vm2, v5  }
0x303: {  	s11 =	sand.u32 $0x7F0, s11;
	v3 =	vld [tilespmem:s14+$0x0]  }
0x304: {  	v2 =	vld [tilespmem:s11+$0x10800]  }
0x305: {  	v4 =	vld [tilespmem:s11+$0x11000]  }
0x306: {  	v5 =	vld [tilespmem:s11+$0x11800]  }
0x307: {  	v6 =	vld [tilespmem:s11+$0x12000]  }
0x308: {  	v7 =	vld [tilespmem:s11+$0x12800]  }
0x309: {  	v2 =	vadd.s32 v3, v2;
	v3 =	vld [tilespmem:s11+$0x13000]  }
0x30a: {  	v56 =	vld [tilespmem:s11+$0x13800];
	v2 =	vadd.s32 v4, v2  }
0x30b: {  	v57 =	vld [tilespmem:s11+$0x14000];
	v2 =	vadd.s32 v5, v2  }
0x30c: {  	v58 =	vld [tilespmem:s11+$0x14800];
	v2 =	vadd.s32 v6, v2  }
0x30d: {  	v59 =	vld [tilespmem:s11+$0x15000];
	v2 =	vadd.s32 v7, v2  }
0x30e: {  	v2 =	vadd.s32 v3, v2;
	v3 =	vld [tilespmem:s11+$0x15800]  }
0x30f: {  	v60 =	vld [tilespmem:s11+$0x16000];
	v2 =	vadd.s32 v56, v2  }
0x310: {  	v61 =	vld [tilespmem:s11+$0x16800];
	v2 =	vadd.s32 v57, v2  }
0x311: {  	v62 =	vld [tilespmem:s11+$0x17000];
	v2 =	vadd.s32 v58, v2  }
0x312: {  	v63 =	vld [tilespmem:s11+$0x17800];
	v2 =	vadd.s32 v59, v2  }
0x313: {  	v2 =	vadd.s32 v3, v2  }
0x314: {  	v2 =	vadd.s32 v60, v2  }
0x315: {  	v2 =	vadd.s32 v61, v2  }
0x316: {  	v2 =	vadd.s32 v62, v2  }
0x317: {  	s12 =	simm.s32 $0x18000;
	s31 =	simm.s32 $0x10;
	v2 =	vadd.s32 v63, v2  }
0x318: {  	s11 =	sand.u32 $0x7F0, s31;
	[tilespmem:s12+$0x0] =	vst v2  }
0x319: {  	s14 =	simm.s32 $0x20;
	s13 =	simm.s32 $0x10010;
	v2 =	vld [tilespmem:s11+$0x10800]  }
.LBB2_59:
0x31a: {  	p1 =	sne.s32 s14, $0x7F0;
	v3 =	vld [tilespmem:s13+$0x0]  }
0x31b: {  	v4 =	vld [tilespmem:s11+$0x11000]  }
0x31c: {  	v5 =	vld [tilespmem:s11+$0x11800]  }
0x31d: {  	v6 =	vld [tilespmem:s11+$0x12000]  }
0x31e: {  	v7 =	vld [tilespmem:s11+$0x12800]  }
0x31f: {  	v2 =	vadd.s32 v3, v2;
	v3 =	vld [tilespmem:s11+$0x13000]  }
0x320: {  	v2 =	vadd.s32 v4, v2;
	v4 =	vld [tilespmem:s11+$0x13800]  }
0x321: {  	v2 =	vadd.s32 v5, v2;
	v5 =	vld [tilespmem:s11+$0x14000]  }
0x322: {  	v2 =	vadd.s32 v6, v2;
	v6 =	vld [tilespmem:s11+$0x14800]  }
0x323: {  	v2 =	vadd.s32 v7, v2;
	v7 =	vld [tilespmem:s11+$0x15000]  }
0x324: {  	v2 =	vadd.s32 v3, v2;
	v3 =	vld [tilespmem:s11+$0x15800]  }
0x325: {  	v2 =	vadd.s32 v4, v2;
	v4 =	vld [tilespmem:s11+$0x16000]  }
0x326: {  	v2 =	vadd.s32 v5, v2;
	v5 =	vld [tilespmem:s11+$0x16800]  }
0x327: {  	v2 =	vadd.s32 v6, v2;
	v6 =	vld [tilespmem:s11+$0x17000]  }
0x328: {  	v2 =	vadd.s32 v7, v2;
	v7 =	vld [tilespmem:s11+$0x17800]  }
0x329: {  	v2 =	vadd.s32 v3, v2  }
0x32a: {  	v2 =	vadd.s32 v4, v2  }
.Ltmp29:
0x32b: {  	v2 =	vadd.s32 v5, v2;
	(pc) =	sbr.rel @p1 .LBB2_59-.Ltmp29, $4  }
0x32c: {  	v2 =	vadd.s32 v6, v2  }
0x32d: {  	s12 =	sadd.s32 $0x10, s12;
	v2 =	vadd.s32 v7, v2  }
0x32e: {  	s11 =	sand.u32 $0x7F0, s14;
	[tilespmem:s12+$0x0] =	vst v2  }
0x32f: {  	s13 =	sadd.s32 $0x10, s13;
	s14 =	sadd.s32 $0x10, s14;
	v2 =	vld [tilespmem:s11+$0x10800]  }
0x330: {  	v3 =	vld [tilespmem:s13+$0x0]  }
0x331: {  	v4 =	vld [tilespmem:s11+$0x11000]  }
0x332: {  	v5 =	vld [tilespmem:s11+$0x11800]  }
0x333: {  	v6 =	vld [tilespmem:s11+$0x12000]  }
0x334: {  	v7 =	vld [tilespmem:s11+$0x12800]  }
0x335: {  	(v2sf) =	vpush v1, $0x0;
	v2 =	vadd.s32 v3, v2;
	v3 =	vld [tilespmem:s11+$0x13000]  }
0x336: {  	v58 =	vld [tilespmem:s11+$0x13800];
	v2 =	vadd.s32 v4, v2  }
0x337: {  	v59 =	vld [tilespmem:s11+$0x14000];
	(v2sf) =	vpush v1, $0x1;
	v2 =	vadd.s32 v5, v2  }
0x338: {  	v1 =	vadd.s32 v6, v2;
	v2 =	vld [tilespmem:s11+$0x14800]  }
0x339: {  	v60 =	vld [tilespmem:s11+$0x15000];
	v1 =	vadd.s32 v7, v1  }
0x33a: {  	v1 =	vadd.s32 v3, v1;
	v3 =	vld [tilespmem:s11+$0x15800]  }
0x33b: {  	v61 =	vld [tilespmem:s11+$0x16000];
	v1 =	vadd.s32 v58, v1  }
0x33c: {  	v62 =	vld [tilespmem:s11+$0x16800];
	v1 =	vadd.s32 v59, v1  }
0x33d: {  	v1 =	vadd.s32 v2, v1;
	v2 =	vld [tilespmem:s11+$0x17000]  }
0x33e: {  	v63 =	vld [tilespmem:s11+$0x17800];
	v1 =	vadd.s32 v60, v1  }
0x33f: {  	v1 =	vadd.s32 v3, v1  }
0x340: {  	v1 =	vadd.s32 v61, v1  }
0x341: {  	v1 =	vadd.s32 v62, v1  }
0x342: {  	v1 =	vadd.s32 v2, v1  }
0x343: {  	s12 =	sadd.s32 $0x10, s12;
	s13 =	simm.s32 $0x400;
	v1 =	vadd.s32 v63, v1  }
0x344: {  	s14 =	simm.s32 $0x18000;
	s11 =	spop (v2sf);
	[tilespmem:s12+$0x0] =	vst v1;
	s12 =	simm.s32 $0x80  }
0x345: {  	[spmem:s10] =	stream.strided.scatter [tilespmem:s14], [sflag:$0x1], $0x800, s13, s12, $0x38;
	[tilespmem:$0x1C1B8] =	vst v63  }
0x346: {  	s10 =	spop (v2sf);
	s14 =	simm.s32 $0x1  }
.Ltmp30:
0x347: {  	_ =	swait.ge [sflag:s14], $0x800;
	(pc) =	sbr.rel @p0 .LBB2_68-.Ltmp30, $3  }
0x348: {  	[sflag:s14] =	ssyncset.done $0x0  }
0x349: {  	[sflag:s14] =	ssyncadd.s32 $0xFFFFF800  }
0x34a: {  	[bflag:$0x0] =	sbarrier.arrive $0xFFFF;
	_ =	sdelay $0x1  }
0x34b: {  	s15 =	simm.s32 $0x18800;
	s16 =	simm.s32 $0x1  }
.LBB2_62:
0x34c: {  	s17 =	sshll.u32 s14, $0xB  }
0x34d: {  	s18 =	sshll.u32 s14, $0x7;
	s17 =	sand.u32 $0x4000, s17  }
0x34e: {  	s18 =	sand.u32 $0x380, s18;
	s17 =	sadd.s32 s17, s6  }
0x34f: {  	s17 =	sadd.s32 s18, s17  }
0x350: {  	[tilespmem:s15], [sflag:$0x1] =	stream.strided.gather [spmem:s17], $0x800, s13, s12, $0x38;
	[tilespmem:$0x1C1B8] =	vst v63  }
0x351: {  	_ =	swait.ge [sflag:s16], $0x800  }
0x352: {  	[sflag:s16] =	ssyncset.done $0x0  }
0x353: {  	s17 =	simm.s32 $0x0;
	[sflag:s16] =	ssyncadd.s32 $0xFFFFF800  }
0x354: {  	s18 =	simm.s32 $0x40;
	v1 =	vld [tilespmem:s17+$0x18800]  }
.LBB2_63:
0x355: {  	p1 =	sne.s32 s18, $0x1FC0;
	v2 =	vld [tilespmem:s17+$0x18000];
	_ =	sdelay $0x1  }
.Ltmp31:
0x356: {  	(pc) =	sbr.rel @p1 .LBB2_63-.Ltmp31, $3  }
0x357: {  	_ =	sdelay $0x1  }
0x358: {  	s19 =	sshra.s32 s18, $0x2;
	v2 =	vadd.s32 v2, v1  }
0x359: {  	s18 =	sadd.s32 $0x40, s18;
	v1 =	vld [tilespmem:s19+$0x18800];
	[tilespmem:s17+$0x18000] =	vst v2;
	s17 =	smov.u32 s19  }
0x35a: {  	v2 =	vld [tilespmem:s17+$0x18000];
	s14 =	sadd.s32 $0x1, s14  }
0x35b: {  	p1 =	sne.s32 s14, $0x10  }
.Ltmp32:
0x35c: {  	_ = 	snop;
	(pc) =	sbr.rel @p1 .LBB2_62-.Ltmp32, $3  }
0x35d: {  	_ =	sdelay $0x1  }
0x35e: {  	v1 =	vadd.s32 v2, v1  }
0x35f: {  	[tilespmem:s17+$0x18000] =	vst v1  }
0x360: {  	s6 =	simm.s32 $0x187F0  }
0x361: {  	v1 =	vld [tilespmem:s6+$0x0];
	_ =	sdelay $0x4  }
0x362: {  	(xrf0) =	vadd.scan.msk.s32 $0xffff, v1;
	_ =	sdelay $0x5  }
0x363: {  	v1, _, _ =	vpop (xrf0)  }
0x364: {  	(v2sf) =	vpush v1, $0xF;
	_ =	sdelay $0x1  }
0x365: {  	s29 =	simm.s32 $0x187E0  }
0x366: {  	v1 =	vld [tilespmem:s29+$0x0];
	_ =	sdelay $0x3  }
0x367: {  	s30 =	simm.s32 $0x187D0  }
0x368: {  	v2 =	vld [tilespmem:s30+$0x0];
	(xrf0) =	vadd.scan.msk.s32 $0xffff, v1;
	_ =	sdelay $0x4  }
0x369: {  	(xrf0) =	vadd.scan.msk.s32 $0xffff, v2  }
0x36a: {  	v2, _, _ =	vpop (xrf0)  }
0x36b: {  	s13 =	spop (v2sf);
	(v2sf) =	vpush v2, $0xF;
	_ =	sdelay $0x2  }
0x36c: {  	s31 =	simm.s32 $0x187C0  }
0x36d: {  	v1 =	vld [tilespmem:s31+$0x0];
	v2, _, _ =	vpop (xrf0)  }
0x36e: {  	(v2sf) =	vpush v2, $0xF  }
0x36f: {  	s12 =	simm.s32 $0xFFFFFFFF;
	s18 =	simm.s32 $0x7F  }
0x370: {  	s17 =	simm.s32 $0x7E;
	s16 =	simm.s32 $0x7D;
	s19 =	sadd.s32 $0x0, s13  }
0x371: {  	s15 =	simm.s32 $0x7C;
	p2 =	por $0x1, $0x1;
	s13 =	sadd.s32 s10, s19  }
0x372: {  	s21 =	simm.s32 $0x187B0;
	s22 =	simm.s32 $0x7A;
	(xrf0) =	vadd.scan.msk.s32 $0xffff, v1;
	p1 =	sgt.s32 s13, $0xFF  }
0x373: {  	s20 =	sadd.s32 $0x0, s10;
	s6 =	simm.s32 $0x0;
	p1 =	por !p2, !p1  }
0x374: {  	v1 =	vld [tilespmem:s21+$0x0];
	s14 =	smov.u32 s19;
	s13 =	simm.s32 $0x7B;
	p1 =	por !p1, !p1  }
.LBB2_66:
0x375: {  	p2 =	sne.s32 s22, $0x0;
	s12 =	smov.u32 @p1 s18;
	s6 =	smov.u32 @p1 s20  }
0x376: {  	s18 =	smov.u32 s17;
	s17 =	smov.u32 s16;
	s16 =	smov.u32 s15  }
0x377: {  	s15 =	smov.u32 s13;
	s13 =	smov.u32 s22;
	s22 =	sadd.s32 $0xFFFFFFFF, s22  }
0x378: {  	v2, _, _ =	vpop (xrf0);
	s20 =	spop (v2sf)  }
.Ltmp33:
0x379: {  	(v2sf) =	vpush v2, $0xF;
	s19 =	sadd.s32 s19, s20;
	(pc) =	sbr.rel @p2 .LBB2_66-.Ltmp33, $4  }
0x37a: {  	(xrf0) =	vadd.scan.msk.s32 $0xffff, v1;
	s20 =	sadd.s32 s10, s19  }
0x37b: {  	p3 =	slt.s32 s12, $0x0;
	p1 =	sgt.s32 s20, $0xFF  }
0x37c: {  	s21 =	sadd.s32 $0xFFFFFFF0, s21;
	p1 =	por !p3, !p1  }
0x37d: {  	s20 =	sadd.s32 s10, s14;
	s14 =	smov.u32 s19;
	v1 =	vld [tilespmem:s21+$0x0];
	p1 =	por !p1, !p1  }
0x37e: {  	_ =	sdelay $0x3  }
0x37f: {  	(xrf0) =	vadd.scan.msk.s32 $0xffff, v1;
	_ =	sdelay $0x1  }
0x380: {  	v1, _, _ =	vpop (xrf0)  }
0x381: {  	(v2sf) =	vpush v1, $0xF;
	_ =	sdelay $0x2  }
0x382: {  	v1, _, _ =	vpop (xrf0)  }
0x383: {  	(v2sf) =	vpush v1, $0xF;
	_ =	sdelay $0x2  }
0x384: {  	s21 =	spop (v2sf)  }
0x385: {  	s19 =	sadd.s32 s19, s21  }
0x386: {  	s12 =	smov.u32 @p1 s18;
	s31 =	sadd.s32 s10, s19  }
0x387: {  	p3 =	slt.s32 s12, $0x0;
	p2 =	sgt.s32 s31, $0xFF  }
0x388: {  	p2 =	por !p3, !p2;
	s21 =	spop (v2sf)  }
0x389: {  	p2 =	por !p2, !p2;
	s18 =	sadd.s32 s19, s21  }
0x38a: {  	s12 =	smov.u32 @p2 s17;
	s22 =	sadd.s32 s10, s18  }
0x38b: {  	p4 =	slt.s32 s12, $0x0;
	p5 =	sgt.s32 s22, $0xFF  }
0x38c: {  	p3 =	por !p4, !p5;
	s23 =	spop (v2sf)  }
0x38d: {  	p3 =	por !p3, !p3;
	s17 =	sadd.s32 s18, s23  }
0x38e: {  	s12 =	smov.u32 @p3 s16;
	s24 =	sadd.s32 s10, s17  }
0x38f: {  	p5 =	slt.s32 s12, $0x0;
	p6 =	sgt.s32 s24, $0xFF  }
0x390: {  	p4 =	por !p5, !p6;
	s25 =	spop (v2sf)  }
0x391: {  	p4 =	por !p4, !p4;
	s16 =	sadd.s32 s17, s25  }
0x392: {  	s12 =	smov.u32 @p4 s15;
	s26 =	sadd.s32 s10, s16  }
0x393: {  	p6 =	slt.s32 s12, $0x0;
	p5 =	sgt.s32 s26, $0xFF  }
0x394: {  	p5 =	por !p6, !p5  }
0x395: {  	p5 =	por !p5, !p5  }
0x396: {  	s12 =	smov.u32 @p5 s13  }
0x397: {  	s12 =	sshll.u32 s12, $0x4  }
0x398: {  	v1 =	vld [tilespmem:s12+$0x18000]  }
0x399: {  	v2 =	vlaneseq.u32  }
0x39a: {  	v3 =	vmul.u32 $0xFFFFFFFF, v2;
	_ =	sdelay $0x1  }
0x39b: {  	v3 =	vadd.s32 $0xF, v3  }
0x39c: {  	v4 =	vperm.xlane v1, v3;
	_ =	sdelay $0x1  }
0x39d: {  	(xrf0) =	vadd.scan.msk.s32 $0xffff, v4;
	_ =	sdelay $0x3  }
0x39e: {  	s6 =	smov.u32 @p1 s20;
	s13 =	sadd.s32 s10, s14  }
0x39f: {  	s6 =	smov.u32 @p2 s13;
	s13 =	sadd.s32 s10, s19  }
0x3a0: {  	s6 =	smov.u32 @p3 s13;
	s13 =	sadd.s32 s10, s18;
	v4, _, _ =	vpop (xrf0)  }
0x3a1: {  	s10 =	sadd.s32 s10, s17;
	s6 =	smov.u32 @p4 s13;
	v3 =	vperm.xlane v4, v3  }
0x3a2: {  	s6 =	smov.u32 @p5 s10  }
0x3a3: {  	v3 =	vadd.s32 s6, v3  }
0x3a4: {  	vm2 =	vgt.s32 v3, $0xFF;
	v3 =	vor.u32 $0x80000000, v2  }
0x3a5: {  	v3 =	vnsel vm2, $0x7FFFFFFF, v3  }
0x3a6: {  	(xrf0) =	vmax.scan.msk.u32 $0xffff, v3;
	_ =	sdelay $0x5  }
0x3a7: {  	v3, _, _ =	vpop (xrf0)  }
0x3a8: {  	(v2sf) =	vpush v3, $0xF;
	_ =	sdelay $0xe  }
0x3a9: {  	s28 =	spop (v2sf)  }
0x3aa: {  	s10 =	sxor.u32 $0x80000000, s28  }
0x3ab: {  	v3 =	vmov s10  }
0x3ac: {  	vm2 =	vlt.s32 v3, v2  }
0x3ad: {  	v1 =	vnsel vm2, $0x0, v1  }
0x3ae: {  	(xrf0) =	vadd.scan.msk.s32 $0xffff, v1;
	_ =	sdelay $0x5  }
0x3af: {  	v1, _, _ =	vpop (xrf0)  }
0x3b0: {  	(v2sf) =	vpush v1, $0xF;
	_ =	sdelay $0xd  }
0x3b1: {  	s10 =	sadd.s32 s12, s10  }
0x3b2: {  	v1 =	vmov s10;
	s29 =	spop (v2sf)  }
0x3b3: {  	v1 =	vnsel vm0, $0x0, v1;
	s6 =	sadd.s32 s6, s29  }
0x3b4: {  	v1 =	vsel vm1, s6, v1  }
0x3b5: {  	s30 =	simm.s32 $0x19000;
	s31 =	simm.s32 $0x1;
	[tilespmem:$0x19000] =	vst v1  }
0x3b6: {  	[spmem:s4] =	stream.linear.scatter [tilespmem:s30], [sflag:$0x1], $0x80, $0x38;
	[tilespmem:$0x1C1B8] =	vst v63  }
0x3b7: {  	_ =	swait.ge [sflag:s31], $0x80  }
0x3b8: {  	[sflag:s31] =	ssyncset.done $0x0  }
0x3b9: {  	[sflag:s31] =	ssyncadd.s32 $0xFFFFFF80  }
.LBB2_68:
0x3ba: {  	[bflag:$0x0] =	sbarrier.arrive $0xFFFF;
	s6 =	simm.s32 $0x19000;
	s29 =	simm.s32 $0x1  }
0x3bb: {  	[tilespmem:s6], [sflag:$0x1] =	stream.linear.gather [spmem:s4], $0x80, $0x38;
	[tilespmem:$0x1C1B8] =	vst v63  }
0x3bc: {  	_ =	swait.ge [sflag:s29], $0x80  }
0x3bd: {  	[sflag:s29] =	ssyncset.done $0x0  }
0x3be: {  	[sflag:s29] =	ssyncadd.s32 $0xFFFFFF80  }
0x3bf: {  	v1 =	vld [tilespmem:$0x19000];
	_ =	sdelay $0x4  }
0x3c0: {  	(v2sf) =	vpush v1, $0x0;
	_ =	sdelay $0xe  }
0x3c1: {  	s30 =	spop (v2sf)  }
0x3c2: {  	s31 =	sshll.u32 s11, $0x15;
	s4 =	simm.s32 $0x0;
	s10 =	sshll.u32 s30, $0xA  }
0x3c3: {  	v4 =	vld [tilespmem:s4+$0x0];
	s6 =	sor.u32 s31, s10  }
0x3c4: {  	v1 =	vmov s6  }
0x3c5: {  	v1 =	vsub.s32 $0x7FFFFFFF, v1  }
0x3c6: {  	v2 =	vlaneseq.u32;
	v3 =	vmov s4;
	v1 =	vbroadcast v1, $0x0  }
0x3c7: {  	v5 =	vor.u32 s4, v2;
	v3 =	vshrl.u32 v3, $0xA  }
0x3c8: {  	p1 =	por $0x0, $0x0;
	v5 =	vand.u32 $0x3FF, v5;
	v3 =	vor.u32 v0, v3;
	v6 =	vsub.s32 v1, v4  }
0x3c9: {  	v7 =	vimm.s32 @!p1 $0x0;
	vm2 =	vne.s32 @!p1 v5, v3;
	vm3 =	vlt.u32 @!p1 v6, $0x400  }
0x3ca: {  	vm4 =	vne.s32 v5, v3;
	vm2 =	vmand @!p1 vm2, vm3;
	vm3 =	vgt.s32 v6, $0x3FF  }
0x3cb: {  	v3 =	vimm.s32 $0x0;
	v5 =	vsel @!p1 vm2, $0x1, v7;
	vm3 =	vmand vm4, vm3  }
0x3cc: {  	(xrf0) =	vadd.scan.msk.s32 @!p1 $0xffff, v5;
	v5 =	vsel vm3, $0x1, v3  }
0x3cd: {  	(xrf0) =	vadd.scan.msk.s32 $0xffff, v5;
	_ =	sdelay $0x4  }
0x3ce: {  	v5, _, _ =	vpop @!p1 (xrf0)  }
0x3cf: {  	(v2sf) =	vpush @!p1 v5, $0xF;
	v5, _, _ =	vpop (xrf0)  }
0x3d0: {  	(v2sf) =	vpush v5, $0xF;
	_ =	sdelay $0xa  }
0x3d1: {  	[tilespmem:s4+$0x19080] =	vst.msk vm3, v4  }
0x3d2: {  	s11 =	simm.s32 $0x10;
	[tilespmem:s4+$0x19200] =	vst.msk @!p1 vm2, v4  }
0x3d3: {  	v4 =	vld [tilespmem:s11+$0x0]  }
0x3d4: {  	s12 =	simm.s32 $0x10;
	s10 =	simm.s32 $0x20;
	s6 =	spop @!p1 (v2sf)  }
0x3d5: {  	v5 =	vmov s11;
	s13 =	sadd.s32 @!p1 $0x0, s6;
	s14 =	spop (v2sf);
	s6 =	simm.s32 $0x0  }
.LBB2_69:
0x3d6: {  	s15 =	smov.u32 s4;
	s6 =	sadd.s32 s6, s14;
	s4 =	smov.u32 s13  }
0x3d7: {  	v6 =	vor.u32 s11, v2;
	v5 =	vshrl.u32 v5, $0xA;
	s11 =	smov.u32 s10;
	s10 =	sadd.s32 $0x10, s10;
	s4 =	smov.u32 @p1 s15  }
0x3d8: {  	p2 =	sne.s32 s10, $0x10000;
	v6 =	vand.u32 $0x3FF, v6;
	v5 =	vor.u32 v0, v5;
	v7 =	vsub.s32 v1, v4;
	p1 =	sgt.s32 s4, $0xFF  }
0x3d9: {  	vm2 =	vgt.s32 v7, $0x3FF;
	vm3 =	vne.s32 @!p1 v6, v5;
	vm4 =	vlt.u32 @!p1 v7, $0x400  }
0x3da: {  	vm5 =	vne.s32 v6, v5;
	v5 =	vimm.s32 @!p1 $0x0;
	vm3 =	vmand @!p1 vm3, vm4  }
0x3db: {  	vm2 =	vmand vm5, vm2;
	v5 =	vsel @!p1 vm3, $0x1, v5  }
0x3dc: {  	v6 =	vsel vm2, $0x1, v3;
	[tilespmem:s6+$0x19080] =	vst.msk vm2, v4;
	(xrf0) =	vadd.scan.msk.s32 @!p1 $0xffff, v5  }
0x3dd: {  	[tilespmem:s4+$0x19200] =	vst.msk @!p1 vm3, v4;
	(xrf0) =	vadd.scan.msk.s32 $0xffff, v6;
	_ =	sdelay $0x4  }
0x3de: {  	v4, _, _ =	vpop @!p1 (xrf0)  }
0x3df: {  	v5, _, _ =	vpop (xrf0);
	(v2sf) =	vpush @!p1 v4, $0xF  }
0x3e0: {  	(v2sf) =	vpush v5, $0xF;
	_ =	sdelay $0xa  }
.Ltmp34:
0x3e1: {  	s12 =	sadd.s32 $0x10, s12;
	(pc) =	sbr.rel @p2 .LBB2_69-.Ltmp34, $3  }
0x3e2: {  	v4 =	vld [tilespmem:s12+$0x0];
	_ =	sdelay $0x1  }
0x3e3: {  	s13 =	spop @!p1 (v2sf)  }
0x3e4: {  	v5 =	vmov s11;
	s13 =	sadd.s32 @!p1 s4, s13;
	s14 =	spop (v2sf)  }
0x3e5: {  	v2 =	vor.u32 s11, v2;
	v5 =	vshrl.u32 v5, $0xA;
	s13 =	smov.u32 @p1 s4  }
0x3e6: {  	v2 =	vand.u32 $0x3FF, v2;
	v0 =	vor.u32 v0, v5;
	v1 =	vsub.s32 v1, v4;
	p1 =	sgt.s32 s13, $0xFF  }
0x3e7: {  	vm2 =	vgt.s32 v1, $0x3FF;
	vm3 =	vne.s32 @!p1 v2, v0;
	vm4 =	vlt.u32 @!p1 v1, $0x400  }
0x3e8: {  	vm5 =	vne.s32 v2, v0;
	v0 =	vimm.s32 @!p1 $0x0;
	vm3 =	vmand @!p1 vm3, vm4  }
0x3e9: {  	vm2 =	vmand vm5, vm2;
	v0 =	vsel @!p1 vm3, $0x1, v0  }
0x3ea: {  	v62 =	vsel vm2, $0x1, v3;
	(xrf0) =	vadd.scan.msk.s32 @!p1 $0xffff, v0  }
0x3eb: {  	(xrf0) =	vadd.scan.msk.s32 $0xffff, v62;
	_ =	sdelay $0x4  }
0x3ec: {  	v0, _, _ =	vpop @!p1 (xrf0)  }
0x3ed: {  	v1, _, _ =	vpop (xrf0);
	(v2sf) =	vpush @!p1 v0, $0xF  }
0x3ee: {  	(v2sf) =	vpush v1, $0xF;
	_ =	sdelay $0xd  }
0x3ef: {  	s4 =	spop @!p1 (v2sf)  }
0x3f0: {  	s6 =	sadd.s32 s6, s14;
	s10 =	spop (v2sf)  }
0x3f1: {  	s10 =	sadd.s32 s6, s10  }
0x3f2: {  	s4 =	sadd.s32 @!p1 s13, s4;
	v63 =	vmov s10  }
0x3f3: {  	[tilespmem:s6+$0x19080] =	vst.msk vm2, v4;
	s4 =	smov.u32 @p1 s13;
	v0 =	vnsel vm0, $0x0, v63  }
0x3f4: {  	[tilespmem:s13+$0x19200] =	vst.msk @!p1 vm3, v4;
	v0 =	vsel vm1, s4, v0  }
0x3f5: {  	s29 =	simm.s32 $0x19000;
	s4 =	simm.s32 $0x1;
	[tilespmem:$0x19000] =	vst v0  }
0x3f6: {  	[spmem:s9] =	stream.linear.scatter [tilespmem:s29], [sflag:$0x1], $0x10, $0x38;
	[tilespmem:$0x1C1B8] =	vst v63  }
0x3f7: {  	_ =	swait.ge [sflag:s4], $0x10  }
0x3f8: {  	[sflag:s4] =	ssyncset.done $0x0  }
0x3f9: {  	s30 =	simm.s32 $0x19080;
	[sflag:s4] =	ssyncadd.s32 $0xFFFFFFF0  }
0x3fa: {  	[spmem:s8] =	stream.linear.scatter [tilespmem:s30], [sflag:$0x1], $0x110, $0x38;
	[tilespmem:$0x1C1B8] =	vst v63  }
0x3fb: {  	_ =	swait.ge [sflag:s4], $0x110  }
0x3fc: {  	[sflag:s4] =	ssyncset.done $0x0  }
0x3fd: {  	s31 =	simm.s32 $0x19200;
	[sflag:s4] =	ssyncadd.s32 $0xFFFFFEF0  }
0x3fe: {  	[spmem:s7] =	stream.linear.scatter [tilespmem:s31], [sflag:$0x1], $0x110, $0x38;
	[tilespmem:$0x1C1B8] =	vst v63  }
0x3ff: {  	_ =	swait.ge [sflag:s4], $0x110  }
0x400: {  	[sflag:s4] =	ssyncset.done $0x0  }
0x401: {  	[sflag:s4] =	ssyncadd.s32 $0xFFFFFEF0  }
0x402: {  	[bflag:$0x0] =	sbarrier.arrive $0xFFFF  }
0x403: {  	[bflag:$0x0] =	sbarrier.arrive @p0 $0xFFFF  }
0x404: {  	_ =	sfence.sel @p0 $0x180000  }
0x405: {  	[bflag:$0x0] =	sbarrier.arrive @p0 $0xFFFF  }
0x406: {  	_ =	strace @p0 $0x90000047  }
0x407: {  	[bflag:$0x2] =	sbarrier.arrive @p0 $0xFFFF  }
0x408: {  	_ =	shalt @p0  }
.LBB2_71:
0x409: {  	s6 =	simm.s32 $0x1B680  }
0x40a: {  	[tilespmem:s6], [sflag:$0x1] =	stream.linear.gather [spmem:s3], $0x100, $0x38;
	[tilespmem:$0x1C1B8] =	vst v63  }
0x40b: {  	_ =	swait.ge [sflag:s4], $0x100  }
0x40c: {  	[sflag:s4] =	ssyncset.done $0x0  }
0x40d: {  	s3 =	simm.s32 $0x19480;
	[sflag:s4] =	ssyncadd.s32 $0xFFFFFF00  }
0x40e: {  	[tilespmem:s3], [sflag:$0x1] =	stream.linear.gather [spmem:s2], $0x1100, $0x38;
	[tilespmem:$0x1C1B8] =	vst v63  }
0x40f: {  	_ =	swait.ge [sflag:s4], $0x1100  }
0x410: {  	[sflag:s4] =	ssyncset.done $0x0  }
0x411: {  	s31 =	simm.s32 $0x1A580;
	[sflag:s4] =	ssyncadd.s32 $0xFFFFEF00  }
0x412: {  	[tilespmem:s31], [sflag:$0x1] =	stream.linear.gather [spmem:s1], $0x1100, $0x38;
	[tilespmem:$0x1C1B8] =	vst v63  }
0x413: {  	_ =	swait.ge [sflag:s4], $0x1100  }
0x414: {  	s6 =	simm.s32 $0x0;
	s2 =	simm.s32 $0x0;
	[sflag:s4] =	ssyncset.done $0x0  }
0x415: {  	v0 =	vlaneseq.u32;
	s1 =	simm.s32 $0x0;
	[sflag:s4] =	ssyncadd.s32 $0xFFFFEF00;
	s4 =	simm.s32 $0x19380  }
.LBB2_72:
0x416: {  	s7 =	sshll.u32 s6, $0x4  }
0x417: {  	s7 =	sand.u32 $0x3FFFFFF0, s7  }
0x418: {  	v1 =	vld [tilespmem:s7+$0x1B680];
	_ =	sdelay $0x4  }
0x419: {  	v2 =	vmov s1;
	v5 =	vor.u32 s2, v0;
	v4 =	vbroadcast v1, $0x0  }
0x41a: {  	v3 =	vadd.s32 v2, v5  }
0x41b: {  	vm1 =	vlt.s32 v3, $0x100;
	vm0 =	vlt.s32 v5, v4  }
0x41c: {  	vm0 =	vmand vm0, vm1  }
0x41d: {  	s8 =	smov.u32 s3;
	s7 =	simm.s32 $0x10;
	v5 =	vld [tilespmem:s3+$0x0]  }
.LBB2_73:
0x41e: {  	p0 =	sne.s32 s7, $0x100  }
.Ltmp35:
0x41f: {  	v6 =	vor.u32 s7, v0;
	s7 =	sadd.s32 $0x10, s7;
	(pc) =	sbr.rel @p0 .LBB2_73-.Ltmp35, $4  }
0x420: {  	v7 =	vadd.s32 v2, v6  }
0x421: {  	vm1 =	vlt.s32 v6, v4;
	vm2 =	vlt.s32 v7, $0x100  }
0x422: {  	s8 =	sadd.s32 $0x10, s8;
	[tilespmem:v3+s4+$0x0] =	vst.idx.msk vm0, v5;
	vm0 =	vmand vm1, vm2;
	v3 =	vmov v7  }
0x423: {  	v5 =	vld [tilespmem:s8+$0x0]  }
0x424: {  	(v2sf) =	vpush v1, $0x0;
	_ =	sdelay $0x9  }
0x425: {  	s6 =	sadd.s32 $0x1, s6  }
0x426: {  	p0 =	sne.s32 s6, $0x10  }
.Ltmp36:
0x427: {  	_ = 	snop;
	(pc) =	sbr.rel @p0 .LBB2_72-.Ltmp36, $3  }
0x428: {  	_ =	sdelay $0x1  }
0x429: {  	s7 =	spop (v2sf)  }
0x42a: {  	s3 =	sadd.s32 $0x110, s3;
	[tilespmem:v3+s4+$0x0] =	vst.idx.msk vm0, v5;
	s1 =	sadd.s32 s1, s7  }
0x42b: {  	s2 =	simm.s32 $0x0  }
0x42c: {  	s3 =	simm.s32 $0x1A580;
	v0 =	vlaneseq.u32;
	s4 =	simm.s32 $0x19380;
	s6 =	simm.s32 $0x0  }
.LBB2_76:
0x42d: {  	s7 =	sshll.u32 s6, $0x4  }
0x42e: {  	s7 =	sand.u32 $0x3FFFFFF0, s7  }
0x42f: {  	v1 =	vld [tilespmem:s7+$0x1B680];
	_ =	sdelay $0x4  }
0x430: {  	v2 =	vmov s1;
	v5 =	vor.u32 s2, v0;
	v4 =	vbroadcast v1, $0x1  }
0x431: {  	v3 =	vadd.s32 v2, v5  }
0x432: {  	vm1 =	vlt.s32 v3, $0x100;
	vm0 =	vlt.s32 v5, v4  }
0x433: {  	vm0 =	vmand vm0, vm1  }
0x434: {  	s8 =	smov.u32 s3;
	s7 =	simm.s32 $0x10;
	v5 =	vld [tilespmem:s3+$0x0]  }
.LBB2_77:
0x435: {  	p0 =	sne.s32 s7, $0x100  }
.Ltmp37:
0x436: {  	v6 =	vor.u32 s7, v0;
	s7 =	sadd.s32 $0x10, s7;
	(pc) =	sbr.rel @p0 .LBB2_77-.Ltmp37, $4  }
0x437: {  	v7 =	vadd.s32 v2, v6  }
0x438: {  	vm1 =	vlt.s32 v6, v4;
	vm2 =	vlt.s32 v7, $0x100  }
0x439: {  	s8 =	sadd.s32 $0x10, s8;
	[tilespmem:v3+s4+$0x0] =	vst.idx.msk vm0, v5;
	vm0 =	vmand vm1, vm2;
	v3 =	vmov v7  }
0x43a: {  	v5 =	vld [tilespmem:s8+$0x0]  }
0x43b: {  	(v2sf) =	vpush v1, $0x1;
	_ =	sdelay $0xe  }
0x43c: {  	s6 =	sadd.s32 $0x1, s6;
	s7 =	spop (v2sf)  }
0x43d: {  	s3 =	sadd.s32 $0x110, s3;
	p0 =	sne.s32 s6, $0x10;
	s1 =	sadd.s32 s1, s7  }
0x43e: {  	s2 =	simm.s32 @!p0 $0x100;
	s3 =	simm.s32 @!p0 $0x19380;
	[tilespmem:v3+s4+$0x0] =	vst.idx.msk vm0, v5;
	s1 =	simm.s32 @!p0 $0x80  }
0x43f: {  	[hbm4b:s5+s1] =	stream.strided.scatter @!p0 [tilespmem:s3], [sflag:$0x1], $0x100, s2, s1, $0x38;
	[tilespmem:$0x1C1B8] =	vst v63  }
0x440: {  	s1 =	simm.s32 @!p0 $0x1  }
0x441: {  	_ =	swait.ge @!p0 [sflag:s1], $0x100  }
0x442: {  	[sflag:s1] =	ssyncset.done @!p0 $0x0  }
0x443: {  	[sflag:s1] =	ssyncadd.s32 @!p0 $0xFFFFFF00  }
0x444: {  	[bflag:$0x0] =	sbarrier.arrive @!p0 $0xFFFF  }
0x445: {  	_ =	sfence.sel @!p0 $0x180000  }
0x446: {  	[bflag:$0x0] =	sbarrier.arrive @!p0 $0xFFFF  }
0x447: {  	_ =	strace @!p0 $0x90000047  }
0x448: {  	s0 =	sadd.s32 @!p0 $0x100000, s0;
	[bflag:$0x2] =	sbarrier.arrive @!p0 $0xFFFF  }
0x449: {  	[sflag:s0] =	ssyncadd.tile.s32 @!p0 $0x1;
	_ =	shalt @!p0  }
.Ltmp38:
0x44a: {  	_ = 	snop;
	(pc) =	sbr.rel .LBB2_76-.Ltmp38, $4  }
0x44b: {  	_ = 	snop  }
0x44c: {  	_ = 	snop  }
0x44d: {  	_ = 	snop  }
0x44e: {  	_ = 	snop  }
.Lfunc_end2:
_tile_overlayer_lowered:
.L_overlay_start_2:
0x44f: {  	(tag) =	ssettag $0x2  }
0x450: {  	s0 =	rddreg [dreg:$0x0];
	s2 =	stileid.u32  }
0x451: {  	s1 =	rddreg [dreg:$0x1];
	p0 =	sne.s32 s2, $0x0  }
0x452: {  	s3 =	rddreg [dreg:$0x2];
	[bflag:$0x3] =	sbarrier.arrive $0xFFFF;
	s2 =	simm.s32 @!p0 $0x1C01  }
0x453: {  	[timem:s3], [sflag:s2] =	dma.local @!p0 [hbm:s0], s1  }
0x454: {  	s0 =	simm.s32 @!p0 $0x1  }
0x455: {  	_ =	swait.ge @!p0 [sflag:s0], s1  }
0x456: {  	s1 =	ssub.s32 @!p0 $0x0, s1;
	[sflag:s0] =	ssyncset.done @!p0 $0x0  }
0x457: {  	[sflag:s0] =	ssyncadd.s32 @!p0 s1  }
0x458: {  	[bflag:$0x3] =	sbarrier.arrive $0xFFFF  }
0x459: {  	_ =	shalt  }

</sc_bundles>
